<compile_context>
chip_gen: v7x
topology: tpu7x:2x2x1
jax: 0.10.2.dev20260603
libtpu: 0.0.44.dev20260713+nightly
codegen_flags: <defaults>
</compile_context>

<pallas_src>
import functools

import jax
import jax.numpy as jnp
from jax import lax
from jax.experimental import pallas as pl
from jax.experimental.pallas import tpu as pltpu
from jax.experimental.pallas import tpu_sc as plsc

N = 10000
E = 160000
D = 256
HALF = 128
NPAD = 10240
L = 16
NTILES = 16
NCORES = 2

CNT_EDGES = E // 32
CNT_ROWS = (CNT_EDGES + 127) // 128
MAIN_CHUNK = 80
MAIN_ROWS = 63
MAIN_PASSES = 2

_mesh = plsc.VectorSubcoreMesh(core_axis_name="c", subcore_axis_name="s")


@functools.partial(
    pl.kernel,
    mesh=_mesh,
    out_type=jax.ShapeDtypeStruct((NCORES, NPAD), jnp.float32),
    scratch_types=[
        pltpu.VMEM((CNT_ROWS, 128), jnp.int32),
        pltpu.VMEM((128,), jnp.float32),
        pltpu.VMEM((640,), jnp.float32),
        pltpu.VMEM_SHARED((NPAD,), jnp.float32),
    ],
)
def _count_kernel(dstp_hbm, cnt_hbm, idx_v, ones_v, buf_v, cnt_sh):
    cid = lax.axis_index("c")
    sid = lax.axis_index("s")
    tile = cid * NTILES + sid

    pltpu.sync_copy(dstp_hbm.at[tile], idx_v)

    def _fill(i, _):
        ones_v[pl.ds(i * L, L)] = jnp.full((L,), 1.0, jnp.float32)
        buf_v[pl.ds(i * L, L)] = jnp.zeros((L,), jnp.float32)
        return 0
    lax.fori_loop(0, 128 // L, _fill, 0)

    def _zfill(i, _):
        buf_v[pl.ds(L * 8 + i * L, L)] = jnp.zeros((L,), jnp.float32)
        return 0
    lax.fori_loop(0, (640 - 128) // L, _zfill, 0)
    pltpu.sync_copy(buf_v, cnt_sh.at[pl.ds(sid * 640, 640)])
    plsc.subcore_barrier()

    def _scat(j, _):
        pltpu.sync_copy(ones_v, cnt_sh.at[idx_v.at[j]], add=True)
        return 0
    lax.fori_loop(0, CNT_ROWS, _scat, 0)
    plsc.subcore_barrier()

    pltpu.sync_copy(cnt_sh.at[pl.ds(sid * 640, 640)], buf_v)
    pltpu.sync_copy(buf_v, cnt_hbm.at[cid, pl.ds(sid * 640, 640)])


def _scale_body(x_ref, w_ref, cnt_ref, y0_ref, y1_ref, dinv_ref):
    deg = cnt_ref[:, 0] + cnt_ref[:, 1] + 1.0
    dinv = lax.rsqrt(deg)
    xw = jnp.dot(x_ref[...], w_ref[...], preferred_element_type=jnp.float32)
    y = dinv[:, None] * xw
    y0_ref[...] = y[:, :HALF]
    y1_ref[...] = y[:, HALF:]
    dinv_ref[...] = dinv[:, None]


def _matmul_scale(x, W, cnt):
    blk = 1000
    grid = (N // blk,)
    return pl.pallas_call(
        _scale_body,
        grid=grid,
        in_specs=[
            pl.BlockSpec((blk, D), lambda i: (i, 0)),
            pl.BlockSpec((D, D), lambda i: (0, 0)),
            pl.BlockSpec((blk, NCORES), lambda i: (i, 0)),
        ],
        out_specs=[
            pl.BlockSpec((blk, HALF), lambda i: (i, 0)),
            pl.BlockSpec((blk, HALF), lambda i: (i, 0)),
            pl.BlockSpec((blk, 1), lambda i: (i, 0)),
        ],
        out_shape=[
            jax.ShapeDtypeStruct((N, HALF), jnp.float32),
            jax.ShapeDtypeStruct((N, HALF), jnp.float32),
            jax.ShapeDtypeStruct((N, 1), jnp.float32),
        ],
    )(x, W, cnt)


@functools.partial(
    pl.kernel,
    mesh=_mesh,
    out_type=jax.ShapeDtypeStruct((NCORES, NPAD, HALF), jnp.float32),
    scratch_types=[
        pltpu.VMEM((MAIN_ROWS, MAIN_CHUNK), jnp.int32),
        pltpu.VMEM((MAIN_ROWS, MAIN_CHUNK), jnp.int32),
        pltpu.VMEM((MAIN_CHUNK, HALF), jnp.float32),
        pltpu.VMEM((MAIN_CHUNK, HALF), jnp.float32),
        pltpu.VMEM((MAIN_CHUNK, HALF), jnp.float32),
        pltpu.VMEM_SHARED((NPAD, HALF), jnp.float32),
        pltpu.SemaphoreType.DMA,
        pltpu.SemaphoreType.DMA,
        pltpu.SemaphoreType.DMA,
        pltpu.SemaphoreType.DMA,
        pltpu.SemaphoreType.DMA,
        pltpu.SemaphoreType.DMA,
    ],
)
def _edge_kernel(srcp_hbm, dstp_hbm, y0_hbm, y1_hbm, acc_hbm,
                 idxs_v, idxd_v, rows_0, rows_1, rows_2, acc_sh,
                 sg_0, sg_1, sg_2, ss_0, ss_1, ss_2):
    cid = lax.axis_index("c")
    sid = lax.axis_index("s")
    bufs = (rows_0, rows_1, rows_2)
    gsems = (sg_0, sg_1, sg_2)
    ssems = (ss_0, ss_1, ss_2)

    def _zrow(i, _):
        def _zlane(j, _):
            rows_0[i, pl.ds(j * L, L)] = jnp.zeros((L,), jnp.float32)
            return 0
        lax.fori_loop(0, HALF // L, _zlane, 0)
        return 0
    lax.fori_loop(0, MAIN_CHUNK, _zrow, 0)

    def _zacc(k, _):
        pltpu.sync_copy(rows_0,
                        acc_sh.at[pl.ds(sid * 640 + k * MAIN_CHUNK,
                                        MAIN_CHUNK)])
        return 0
    lax.fori_loop(0, 640 // MAIN_CHUNK, _zacc, 0)
    plsc.subcore_barrier()

    def _sweep_pass(y_hbm, p):
        blk = 2 * sid + p
        pltpu.sync_copy(srcp_hbm.at[blk], idxs_v)
        pltpu.sync_copy(dstp_hbm.at[blk], idxd_v)

        def _gather(j, bi):
            pltpu.async_copy(y_hbm.at[idxs_v.at[j]], bufs[bi], gsems[bi])

        def _gwait(j, bi):
            pltpu.make_async_copy(
                y_hbm.at[idxs_v.at[j]], bufs[bi], gsems[bi]).wait()

        def _scat(j, bi):
            pltpu.async_copy(bufs[bi], acc_sh.at[idxd_v.at[j]], ssems[bi],
                             add=True)

        def _swait(j, bi):
            pltpu.make_async_copy(
                bufs[bi], acc_sh.at[idxd_v.at[j]], ssems[bi]).wait()

        _gather(0, 0)
        _gather(1, 1)
        _gather(2, 2)
        _gwait(0, 0)
        _scat(0, 0)

        def _step(j, bi):
            _swait(j - 3, bi)
            _gather(j, bi)
            _gwait(j - 2, (bi + 1) % 3)
            _scat(j - 2, (bi + 1) % 3)

        def _trio(k, _):
            _step(3 * k, 0)
            _step(3 * k + 1, 1)
            _step(3 * k + 2, 2)
            return 0
        lax.fori_loop(1, MAIN_ROWS // 3, _trio, 0)

        last = MAIN_ROWS - 1
        _gwait(last - 1, (last - 1) % 3)
        _scat(last - 1, (last - 1) % 3)
        _gwait(last, last % 3)
        _scat(last, last % 3)
        _swait(last - 2, (last - 2) % 3)
        _swait(last - 1, (last - 1) % 3)
        _swait(last, last % 3)

    @pl.when(cid == 0)
    def _():
        for p in range(MAIN_PASSES):
            _sweep_pass(y0_hbm, p)

    @pl.when(cid == 1)
    def _():
        for p in range(MAIN_PASSES):
            _sweep_pass(y1_hbm, p)

    plsc.subcore_barrier()

    def _dump(k, _):
        r0 = sid * 640 + k * MAIN_CHUNK
        pltpu.sync_copy(acc_sh.at[pl.ds(r0, MAIN_CHUNK)], rows_0)
        pltpu.sync_copy(rows_0, acc_hbm.at[cid, pl.ds(r0, MAIN_CHUNK)])
        return 0
    lax.fori_loop(0, 640 // MAIN_CHUNK, _dump, 0)


def _final_body(acc_ref, y0_ref, y1_ref, dinv_ref, b_ref, o_ref):
    dinv = dinv_ref[:, 0]
    o_ref[:, :HALF] = dinv[:, None] * (acc_ref[0] + y0_ref[...]) + b_ref[0, :]
    o_ref[:, HALF:] = dinv[:, None] * (acc_ref[1] + y1_ref[...]) + b_ref[1, :]


def _finalize(acc, y0, y1, dinv, b2):
    blk = 1000
    return pl.pallas_call(
        _final_body,
        grid=(N // blk,),
        in_specs=[
            pl.BlockSpec((NCORES, blk, HALF), lambda i: (0, i, 0)),
            pl.BlockSpec((blk, HALF), lambda i: (i, 0)),
            pl.BlockSpec((blk, HALF), lambda i: (i, 0)),
            pl.BlockSpec((blk, 1), lambda i: (i, 0)),
            pl.BlockSpec((NCORES, HALF), lambda i: (0, 0)),
        ],
        out_specs=pl.BlockSpec((blk, D), lambda i: (i, 0)),
        out_shape=jax.ShapeDtypeStruct((N, D), jnp.float32),
    )(acc, y0, y1, dinv, b2)


def _pad_idx(flat, ntiles, nrows, width, pad_base):
    per = E // ntiles
    slots = nrows * width
    flat2 = flat.reshape(ntiles, per)
    npad = slots - per
    pad = pad_base + (jnp.arange(ntiles * npad, dtype=jnp.int32) % (NPAD - N))
    pad = pad.reshape(ntiles, npad)
    return jnp.concatenate([flat2, pad], axis=1).reshape(ntiles, nrows, width)


def kernel(x, edge_index, W, b):
    src = edge_index[0]
    dst = edge_index[1]

    dst1 = _pad_idx(dst, 32, CNT_ROWS, 128, N)
    src3 = _pad_idx(src, 32, MAIN_ROWS, MAIN_CHUNK, 0)
    dst3 = _pad_idx(dst, 32, MAIN_ROWS, MAIN_CHUNK, N)
    b2 = b.reshape(NCORES, HALF)

    cnt = _count_kernel(dst1)
    y0, y1, dinv = _matmul_scale(x, W, cnt.T)
    acc = _edge_kernel(src3, dst3, y0, y1)
    return _finalize(acc, y0, y1, dinv, b2)

# --- scband reference (transcript-rebuilt; emitter-appended) ---
"""Pipeline reference for scband-base-layer-25013889532305 (READ-ONLY COPY).

The authoritative reference and input builder live on the scoring server;
editing this copy changes nothing except your own understanding.
"""

import jax, jax.numpy as jnp
import numpy as np

N = 10000
E = 160000
D = 256

def setup_inputs(seed: int = 0):
    key = jax.random.key(seed)
    k1, k2, k3 = jax.random.split(key, 3)
    x = jax.random.normal(k1, (N, D), dtype=jnp.float32)
    edge_index = jax.random.randint(k2, (2, E), 0, N, dtype=jnp.int32)
    # Learned parameters of GCNConv(hidden_dim, hidden_dim): weight [D, D] and bias [D]
    W = jax.random.normal(k3, (D, D), dtype=jnp.float32) / jnp.sqrt(D)
    b = jnp.zeros((D,), dtype=jnp.float32)
    return {"x": x, "edge_index": edge_index, "W": W, "b": b}

def reference(x, edge_index, W, b):
    # Faithful GCNConv forward: add self-loops, symmetric deg^{-1/2} normalization,
    # linear transform, message = norm * x_src W, scatter-add to dst, add bias.
    n = x.shape[0]
    loop = jnp.arange(n, dtype=edge_index.dtype)
    src = jnp.concatenate([edge_index[0], loop])
    dst = jnp.concatenate([edge_index[1], loop])
    ones = jnp.ones(src.shape[0], dtype=x.dtype)
    deg = jax.ops.segment_sum(ones, dst, num_segments=n)
    deg_inv_sqrt = jnp.where(deg > 0, 1.0 / jnp.sqrt(deg), 0.0)
    norm = deg_inv_sqrt[src] * deg_inv_sqrt[dst]
    xw = x @ W
    msg = xw[src] * norm[:, None]
    out = jax.ops.segment_sum(msg, dst, num_segments=n)
    return out + b

if __name__ == "__main__":
    import jax
    _d = setup_inputs()
    print(jax.jit(kernel)(*tuple(_d.values())))

</pallas_src>

<mosaic_0001>
#map = affine_map<(d0, d1) -> (0, 0, 0)>
#map1 = affine_map<(d0, d1) -> (0, 0)>
module attributes {stable_mosaic.version = 14 : i64} {
  func.func @_count_kernel(%arg0: i32, %arg1: i32, %arg2: memref<32x40x128xi32, #tpu.memory_space<hbm>>, %arg3: memref<2x10240xf32, #tpu.memory_space<hbm>>, %arg4: memref<40x128xi32, #tpu.memory_space<vmem>>, %arg5: memref<128xf32, #tpu.memory_space<vmem>>, %arg6: memref<640xf32, #tpu.memory_space<vmem>>, %arg7: memref<10240xf32, #tpu.memory_space<vmem_shared>>) attributes {dimension_semantics = [#tpu.dimension_semantics<core_parallel>, #tpu.dimension_semantics<subcore_parallel>], iteration_bounds = array<i64: 2, 16>, scalar_prefetch = 0 : i64, scratch_operands = 4 : i64, tpu.core_type = #tpu.core_type<sc_vector_subcore>, window_params = [{transform_indices = #map}, {transform_indices = #map1}]} {
    %mul3A = arith.constant 16 : i32
    %mul3A_0 = arith.muli %arg0, %mul3A : i32
    %add3A = arith.addi %mul3A_0, %arg1 : i32
    "tpu.region"() ({
      %run_scoped3A = tpu.sem_alloc : memref<!tpu.dma_semaphore, #tpu.memory_space<semaphore_mem>>
      %dma_start3A = arith.constant 0 : i32
      %dma_start3A_28 = arith.constant 0 : i32
      %dma_start3A_29 = tpu.memref_slice %arg2[%add3A, %dma_start3A, %dma_start3A_28] : memref<32x40x128xi32, #tpu.memory_space<hbm>> -> memref<1x40x128xi32, #tpu.memory_space<hbm>>
      %dma_start3A_30 = tpu.memref_squeeze %dma_start3A_29 : memref<1x40x128xi32, #tpu.memory_space<hbm>> -> memref<40x128xi32, #tpu.memory_space<hbm>>
      %dma_start3A_31 = arith.constant 0 : i32
      %dma_start3A_32 = arith.constant 0 : i32
      %dma_start3A_33 = tpu.memref_slice %arg2[%add3A, %dma_start3A_31, %dma_start3A_32] : memref<32x40x128xi32, #tpu.memory_space<hbm>> -> memref<1x40x128xi32, #tpu.memory_space<hbm>>
      %dma_start3A_34 = tpu.memref_squeeze %dma_start3A_33 : memref<1x40x128xi32, #tpu.memory_space<hbm>> -> memref<40x128xi32, #tpu.memory_space<hbm>>
      tpu.enqueue_dma source(%dma_start3A_34 : memref<40x128xi32, #tpu.memory_space<hbm>>) target(%arg4 : memref<40x128xi32, #tpu.memory_space<vmem>>) target_semaphore(%run_scoped3A : memref<!tpu.dma_semaphore, #tpu.memory_space<semaphore_mem>>)
      %dma_wait3A = arith.constant 0 : i32
      %dma_wait3A_35 = arith.constant 0 : i32
      %dma_wait3A_36 = tpu.memref_slice %arg2[%add3A, %dma_wait3A, %dma_wait3A_35] : memref<32x40x128xi32, #tpu.memory_space<hbm>> -> memref<1x40x128xi32, #tpu.memory_space<hbm>>
      %dma_wait3A_37 = tpu.memref_squeeze %dma_wait3A_36 : memref<1x40x128xi32, #tpu.memory_space<hbm>> -> memref<40x128xi32, #tpu.memory_space<hbm>>
      %dma_wait3A_38 = arith.constant 0 : i32
      %dma_wait3A_39 = arith.constant 0 : i32
      %dma_wait3A_40 = tpu.memref_slice %arg2[%add3A, %dma_wait3A_38, %dma_wait3A_39] : memref<32x40x128xi32, #tpu.memory_space<hbm>> -> memref<1x40x128xi32, #tpu.memory_space<hbm>>
      %dma_wait3A_41 = tpu.memref_squeeze %dma_wait3A_40 : memref<1x40x128xi32, #tpu.memory_space<hbm>> -> memref<40x128xi32, #tpu.memory_space<hbm>>
      tpu.wait_dma2 semaphore(%run_scoped3A : memref<!tpu.dma_semaphore, #tpu.memory_space<semaphore_mem>>) src(%dma_wait3A_41 : memref<40x128xi32, #tpu.memory_space<hbm>>) dst(%arg4 : memref<40x128xi32, #tpu.memory_space<vmem>>)
      tpu.yield
    }) : () -> ()
    %scan3A = arith.constant 0 : i32
    %scan3A_1 = arith.constant 0 : i32
    %scan3A_2 = arith.constant 8 : i32
    %scan3A_3 = arith.addi %scan3A_1, %scan3A_2 : i32
    %scan3A_4 = arith.constant 1 : i32
    %scan3A_5 = scf.for %scan3A_28 = %scan3A_1 to %scan3A_3 step %scan3A_4 iter_args(%scan3A_29 = %scan3A) -> (i32)  : i32 {
      %broadcast_in_dim3A = arith.constant 1.000000e+00 : f32
      %broadcast_in_dim3A_30 = vector.broadcast %broadcast_in_dim3A : f32 to vector<16xf32>
      %mul3A_31 = arith.constant 16 : i32
      %mul3A_32 = arith.muli %scan3A_28, %mul3A_31 : i32
      %swap3A = arith.index_cast %mul3A_32 : i32 to index
      %swap3A_33 = tpu.vector_load %arg5[%swap3A] {strides = array<i32>} : memref<128xf32, #tpu.memory_space<vmem>>, vector<16xf32>,
      %swap3A_34 = vector.shape_cast %swap3A_33 : vector<16xf32> to vector<16xf32>
      %swap3A_35 = vector.shape_cast %broadcast_in_dim3A_30 : vector<16xf32> to vector<16xf32>
      tpu.vector_store %arg5[%swap3A], %swap3A_35 {strides = array<i32>} : memref<128xf32, #tpu.memory_space<vmem>>, vector<16xf32>,
      %broadcast_in_dim3A_36 = arith.constant 0.000000e+00 : f32
      %broadcast_in_dim3A_37 = vector.broadcast %broadcast_in_dim3A_36 : f32 to vector<16xf32>
      %mul3A_38 = arith.constant 16 : i32
      %mul3A_39 = arith.muli %scan3A_28, %mul3A_38 : i32
      %swap3A_40 = arith.index_cast %mul3A_39 : i32 to index
      %swap3A_41 = tpu.vector_load %arg6[%swap3A_40] {strides = array<i32>} : memref<640xf32, #tpu.memory_space<vmem>>, vector<16xf32>,
      %swap3A_42 = vector.shape_cast %swap3A_41 : vector<16xf32> to vector<16xf32>
      %swap3A_43 = vector.shape_cast %broadcast_in_dim3A_37 : vector<16xf32> to vector<16xf32>
      tpu.vector_store %arg6[%swap3A_40], %swap3A_43 {strides = array<i32>} : memref<640xf32, #tpu.memory_space<vmem>>, vector<16xf32>,
      %scan3A_44 = arith.constant 0 : i32
      scf.yield %scan3A_44 : i32
    }
    %scan3A_6 = arith.constant 8 : i32
    %scan3A_7 = arith.constant 0 : i32
    %scan3A_8 = arith.constant 0 : i32
    %scan3A_9 = arith.constant 32 : i32
    %scan3A_10 = arith.addi %scan3A_8, %scan3A_9 : i32
    %scan3A_11 = arith.constant 1 : i32
    %scan3A_12 = scf.for %scan3A_28 = %scan3A_8 to %scan3A_10 step %scan3A_11 iter_args(%scan3A_29 = %scan3A_7) -> (i32)  : i32 {
      %broadcast_in_dim3A = arith.constant 0.000000e+00 : f32
      %broadcast_in_dim3A_30 = vector.broadcast %broadcast_in_dim3A : f32 to vector<16xf32>
      %mul3A_31 = arith.constant 16 : i32
      %mul3A_32 = arith.muli %scan3A_28, %mul3A_31 : i32
      %add3A_33 = arith.constant 128 : i32
      %add3A_34 = arith.addi %add3A_33, %mul3A_32 : i32
      %swap3A = arith.index_cast %add3A_34 : i32 to index
      %swap3A_35 = tpu.vector_load %arg6[%swap3A] {strides = array<i32>} : memref<640xf32, #tpu.memory_space<vmem>>, vector<16xf32>,
      %swap3A_36 = vector.shape_cast %swap3A_35 : vector<16xf32> to vector<16xf32>
      %swap3A_37 = vector.shape_cast %broadcast_in_dim3A_30 : vector<16xf32> to vector<16xf32>
      tpu.vector_store %arg6[%swap3A], %swap3A_37 {strides = array<i32>} : memref<640xf32, #tpu.memory_space<vmem>>, vector<16xf32>,
      %scan3A_38 = arith.constant 0 : i32
      scf.yield %scan3A_38 : i32
    }
    %scan3A_13 = arith.constant 32 : i32
    %mul3A_14 = arith.constant 640 : i32
    %mul3A_15 = arith.muli %arg1, %mul3A_14 : i32
    "tpu.region"() ({
      %run_scoped3A = tpu.sem_alloc : memref<!tpu.dma_semaphore, #tpu.memory_space<semaphore_mem>>
      %dma_start3A = tpu.memref_slice %arg7[%mul3A_15] : memref<10240xf32, #tpu.memory_space<vmem_shared>> -> memref<640xf32, #tpu.memory_space<vmem_shared>>
      %dma_start3A_28 = tpu.memref_slice %arg7[%mul3A_15] : memref<10240xf32, #tpu.memory_space<vmem_shared>> -> memref<640xf32, #tpu.memory_space<vmem_shared>>
      tpu.enqueue_dma source(%arg6 : memref<640xf32, #tpu.memory_space<vmem>>) target(%dma_start3A_28 : memref<640xf32, #tpu.memory_space<vmem_shared>>) target_semaphore(%run_scoped3A : memref<!tpu.dma_semaphore, #tpu.memory_space<semaphore_mem>>)
      %dma_wait3A = tpu.memref_slice %arg7[%mul3A_15] : memref<10240xf32, #tpu.memory_space<vmem_shared>> -> memref<640xf32, #tpu.memory_space<vmem_shared>>
      %dma_wait3A_29 = tpu.memref_slice %arg7[%mul3A_15] : memref<10240xf32, #tpu.memory_space<vmem_shared>> -> memref<640xf32, #tpu.memory_space<vmem_shared>>
      tpu.wait_dma2 semaphore(%run_scoped3A : memref<!tpu.dma_semaphore, #tpu.memory_space<semaphore_mem>>) src(%arg6 : memref<640xf32, #tpu.memory_space<vmem>>) dst(%dma_wait3A_29 : memref<640xf32, #tpu.memory_space<vmem_shared>>)
      tpu.yield
    }) : () -> ()
    %barrier3A = arith.constant 0 : index
    tpu.barrier barrier_id(%barrier3A)
    %scan3A_16 = arith.constant 0 : i32
    %scan3A_17 = arith.constant 0 : i32
    %scan3A_18 = arith.constant 40 : i32
    %scan3A_19 = arith.addi %scan3A_17, %scan3A_18 : i32
    %scan3A_20 = arith.constant 1 : i32
    %scan3A_21 = scf.for %scan3A_28 = %scan3A_17 to %scan3A_19 step %scan3A_20 iter_args(%scan3A_29 = %scan3A_16) -> (i32)  : i32 {
      "tpu.region"() ({
        %run_scoped3A = tpu.sem_alloc : memref<!tpu.dma_semaphore, #tpu.memory_space<semaphore_mem>>
        %dma_start3A = arith.constant 0 : i32
        %dma_start3A_31 = tpu.memref_slice %arg4[%scan3A_28, %dma_start3A] : memref<40x128xi32, #tpu.memory_space<vmem>> -> memref<1x128xi32, #tpu.memory_space<vmem>>
        %dma_start3A_32 = tpu.memref_squeeze %dma_start3A_31 : memref<1x128xi32, #tpu.memory_space<vmem>> -> memref<128xi32, #tpu.memory_space<vmem>>
        %dma_start3A_33 = arith.constant 0 : i32
        %dma_start3A_34 = tpu.memref_slice %arg7[%dma_start3A_33] : memref<10240xf32, #tpu.memory_space<vmem_shared>> -> memref<10240xf32, #tpu.memory_space<vmem_shared>>
        tpu.enqueue_indirect_dma source(%arg5 : memref<128xf32, #tpu.memory_space<vmem>>) target(%dma_start3A_34 : memref<10240xf32, #tpu.memory_space<vmem_shared>>) offsets(%dma_start3A_32 : memref<128xi32, #tpu.memory_space<vmem>>) semaphore(%run_scoped3A : memref<!tpu.dma_semaphore, #tpu.memory_space<semaphore_mem>>) {add = true}
        %dma_wait3A = arith.constant 0 : i32
        %dma_wait3A_35 = tpu.memref_slice %arg4[%scan3A_28, %dma_wait3A] : memref<40x128xi32, #tpu.memory_space<vmem>> -> memref<1x128xi32, #tpu.memory_space<vmem>>
        %dma_wait3A_36 = tpu.memref_squeeze %dma_wait3A_35 : memref<1x128xi32, #tpu.memory_space<vmem>> -> memref<128xi32, #tpu.memory_space<vmem>>
        %dma_wait3A_37 = arith.constant 0 : i32
        %dma_wait3A_38 = tpu.memref_slice %arg7[%dma_wait3A_37] : memref<10240xf32, #tpu.memory_space<vmem_shared>> -> memref<10240xf32, #tpu.memory_space<vmem_shared>>
        tpu.wait_indirect_dma semaphore(%run_scoped3A : memref<!tpu.dma_semaphore, #tpu.memory_space<semaphore_mem>>) src(%arg5 : memref<128xf32, #tpu.memory_space<vmem>>) dst(%dma_wait3A_38 : memref<10240xf32, #tpu.memory_space<vmem_shared>>)
        tpu.yield
      }) : () -> ()
      %scan3A_30 = arith.constant 0 : i32
      scf.yield %scan3A_30 : i32
    }
    %scan3A_22 = arith.constant 40 : i32
    %barrier3A_23 = arith.constant 0 : index
    tpu.barrier barrier_id(%barrier3A_23)
    %mul3A_24 = arith.constant 640 : i32
    %mul3A_25 = arith.muli %arg1, %mul3A_24 : i32
    "tpu.region"() ({
      %run_scoped3A = tpu.sem_alloc : memref<!tpu.dma_semaphore, #tpu.memory_space<semaphore_mem>>
      %dma_start3A = tpu.memref_slice %arg7[%mul3A_25] : memref<10240xf32, #tpu.memory_space<vmem_shared>> -> memref<640xf32, #tpu.memory_space<vmem_shared>>
      %dma_start3A_28 = tpu.memref_slice %arg7[%mul3A_25] : memref<10240xf32, #tpu.memory_space<vmem_shared>> -> memref<640xf32, #tpu.memory_space<vmem_shared>>
      tpu.enqueue_dma source(%dma_start3A_28 : memref<640xf32, #tpu.memory_space<vmem_shared>>) target(%arg6 : memref<640xf32, #tpu.memory_space<vmem>>) target_semaphore(%run_scoped3A : memref<!tpu.dma_semaphore, #tpu.memory_space<semaphore_mem>>)
      %dma_wait3A = tpu.memref_slice %arg7[%mul3A_25] : memref<10240xf32, #tpu.memory_space<vmem_shared>> -> memref<640xf32, #tpu.memory_space<vmem_shared>>
      %dma_wait3A_29 = tpu.memref_slice %arg7[%mul3A_25] : memref<10240xf32, #tpu.memory_space<vmem_shared>> -> memref<640xf32, #tpu.memory_space<vmem_shared>>
      tpu.wait_dma2 semaphore(%run_scoped3A : memref<!tpu.dma_semaphore, #tpu.memory_space<semaphore_mem>>) src(%dma_wait3A_29 : memref<640xf32, #tpu.memory_space<vmem_shared>>) dst(%arg6 : memref<640xf32, #tpu.memory_space<vmem>>)
      tpu.yield
    }) : () -> ()
    %mul3A_26 = arith.constant 640 : i32
    %mul3A_27 = arith.muli %arg1, %mul3A_26 : i32
    "tpu.region"() ({
      %run_scoped3A = tpu.sem_alloc : memref<!tpu.dma_semaphore, #tpu.memory_space<semaphore_mem>>
      %dma_start3A = tpu.memref_slice %arg3[%arg0, %mul3A_27] : memref<2x10240xf32, #tpu.memory_space<hbm>> -> memref<1x640xf32, #tpu.memory_space<hbm>>
      %dma_start3A_28 = tpu.memref_squeeze %dma_start3A : memref<1x640xf32, #tpu.memory_space<hbm>> -> memref<640xf32, #tpu.memory_space<hbm>>
      %dma_start3A_29 = tpu.memref_slice %arg3[%arg0, %mul3A_27] : memref<2x10240xf32, #tpu.memory_space<hbm>> -> memref<1x640xf32, #tpu.memory_space<hbm>>
      %dma_start3A_30 = tpu.memref_squeeze %dma_start3A_29 : memref<1x640xf32, #tpu.memory_space<hbm>> -> memref<640xf32, #tpu.memory_space<hbm>>
      tpu.enqueue_dma source(%arg6 : memref<640xf32, #tpu.memory_space<vmem>>) target(%dma_start3A_30 : memref<640xf32, #tpu.memory_space<hbm>>) target_semaphore(%run_scoped3A : memref<!tpu.dma_semaphore, #tpu.memory_space<semaphore_mem>>)
      %dma_wait3A = tpu.memref_slice %arg3[%arg0, %mul3A_27] : memref<2x10240xf32, #tpu.memory_space<hbm>> -> memref<1x640xf32, #tpu.memory_space<hbm>>
      %dma_wait3A_31 = tpu.memref_squeeze %dma_wait3A : memref<1x640xf32, #tpu.memory_space<hbm>> -> memref<640xf32, #tpu.memory_space<hbm>>
      %dma_wait3A_32 = tpu.memref_slice %arg3[%arg0, %mul3A_27] : memref<2x10240xf32, #tpu.memory_space<hbm>> -> memref<1x640xf32, #tpu.memory_space<hbm>>
      %dma_wait3A_33 = tpu.memref_squeeze %dma_wait3A_32 : memref<1x640xf32, #tpu.memory_space<hbm>> -> memref<640xf32, #tpu.memory_space<hbm>>
      tpu.wait_dma2 semaphore(%run_scoped3A : memref<!tpu.dma_semaphore, #tpu.memory_space<semaphore_mem>>) src(%arg6 : memref<640xf32, #tpu.memory_space<vmem>>) dst(%dma_wait3A_33 : memref<640xf32, #tpu.memory_space<hbm>>)
      tpu.yield
    }) : () -> ()
    return
  }
}

#map = affine_map<(d0, d1) -> (0, 0, 0)>
#map1 = affine_map<(d0, d1) -> (0, 0)>
module attributes {stable_mosaic.version = 14 : i64} {
  func.func @_edge_kernel(%arg0: i32, %arg1: i32, %arg2: memref<32x63x80xi32, #tpu.memory_space<hbm>>, %arg3: memref<32x63x80xi32, #tpu.memory_space<hbm>>, %arg4: memref<10000x128xf32, #tpu.memory_space<hbm>>, %arg5: memref<10000x128xf32, #tpu.memory_space<hbm>>, %arg6: memref<2x10240x128xf32, #tpu.memory_space<hbm>>, %arg7: memref<63x80xi32, #tpu.memory_space<vmem>>, %arg8: memref<63x80xi32, #tpu.memory_space<vmem>>, %arg9: memref<80x128xf32, #tpu.memory_space<vmem>>, %arg10: memref<80x128xf32, #tpu.memory_space<vmem>>, %arg11: memref<80x128xf32, #tpu.memory_space<vmem>>, %arg12: memref<10240x128xf32, #tpu.memory_space<vmem_shared>>, %arg13: memref<!tpu.dma_semaphore, #tpu.memory_space<semaphore_mem>>, %arg14: memref<!tpu.dma_semaphore, #tpu.memory_space<semaphore_mem>>, %arg15: memref<!tpu.dma_semaphore, #tpu.memory_space<semaphore_mem>>, %arg16: memref<!tpu.dma_semaphore, #tpu.memory_space<semaphore_mem>>, %arg17: memref<!tpu.dma_semaphore, #tpu.memory_space<semaphore_mem>>, %arg18: memref<!tpu.dma_semaphore, #tpu.memory_space<semaphore_mem>>) attributes {dimension_semantics = [#tpu.dimension_semantics<core_parallel>, #tpu.dimension_semantics<subcore_parallel>], iteration_bounds = array<i64: 2, 16>, scalar_prefetch = 0 : i64, scratch_operands = 12 : i64, tpu.core_type = #tpu.core_type<sc_vector_subcore>, window_params = [{transform_indices = #map}, {transform_indices = #map}, {transform_indices = #map1}, {transform_indices = #map1}, {transform_indices = #map}]} {
    %scan3A = arith.constant 0 : i32
    %scan3A_0 = arith.constant 0 : i32
    %scan3A_1 = arith.constant 80 : i32
    %scan3A_2 = arith.addi %scan3A_0, %scan3A_1 : i32
    %scan3A_3 = arith.constant 1 : i32
    %scan3A_4 = scf.for %scan3A_28 = %scan3A_0 to %scan3A_2 step %scan3A_3 iter_args(%scan3A_29 = %scan3A) -> (i32)  : i32 {
      %scan3A_30 = arith.constant 0 : i32
      %scan3A_31 = arith.constant 0 : i32
      %scan3A_32 = arith.constant 8 : i32
      %scan3A_33 = arith.addi %scan3A_31, %scan3A_32 : i32
      %scan3A_34 = arith.constant 1 : i32
      %scan3A_35 = scf.for %scan3A_38 = %scan3A_31 to %scan3A_33 step %scan3A_34 iter_args(%scan3A_39 = %scan3A_30) -> (i32)  : i32 {
        %broadcast_in_dim3A = arith.constant 0.000000e+00 : f32
        %broadcast_in_dim3A_40 = vector.broadcast %broadcast_in_dim3A : f32 to vector<16xf32>
        %mul3A = arith.constant 16 : i32
        %mul3A_41 = arith.muli %scan3A_38, %mul3A : i32
        %swap3A = arith.index_cast %scan3A_28 : i32 to index
        %swap3A_42 = arith.index_cast %mul3A_41 : i32 to index
        %swap3A_43 = tpu.vector_load %arg9[%swap3A, %swap3A_42] {strides = array<i32>} : memref<80x128xf32, #tpu.memory_space<vmem>>, vector<1x16xf32>,
        %swap3A_44 = vector.shape_cast %swap3A_43 : vector<1x16xf32> to vector<16xf32>
        %swap3A_45 = vector.shape_cast %broadcast_in_dim3A_40 : vector<16xf32> to vector<1x16xf32>
        tpu.vector_store %arg9[%swap3A, %swap3A_42], %swap3A_45 {strides = array<i32>} : memref<80x128xf32, #tpu.memory_space<vmem>>, vector<1x16xf32>,
        %scan3A_46 = arith.constant 0 : i32
        scf.yield %scan3A_46 : i32
      }
      %scan3A_36 = arith.constant 8 : i32
      %scan3A_37 = arith.constant 0 : i32
      scf.yield %scan3A_37 : i32
    }
    %scan3A_5 = arith.constant 80 : i32
    %scan3A_6 = arith.constant 0 : i32
    %scan3A_7 = arith.constant 0 : i32
    %scan3A_8 = arith.constant 8 : i32
    %scan3A_9 = arith.addi %scan3A_7, %scan3A_8 : i32
    %scan3A_10 = arith.constant 1 : i32
    %scan3A_11 = scf.for %scan3A_28 = %scan3A_7 to %scan3A_9 step %scan3A_10 iter_args(%scan3A_29 = %scan3A_6) -> (i32)  : i32 {
      %mul3A = arith.constant 640 : i32
      %mul3A_30 = arith.muli %arg1, %mul3A : i32
      %mul3A_31 = arith.constant 80 : i32
      %mul3A_32 = arith.muli %scan3A_28, %mul3A_31 : i32
      %add3A = arith.addi %mul3A_30, %mul3A_32 : i32
      "tpu.region"() ({
        %run_scoped3A = tpu.sem_alloc : memref<!tpu.dma_semaphore, #tpu.memory_space<semaphore_mem>>
        %dma_start3A = arith.constant 0 : i32
        %dma_start3A_34 = tpu.memref_slice %arg12[%add3A, %dma_start3A] : memref<10240x128xf32, #tpu.memory_space<vmem_shared>> -> memref<80x128xf32, #tpu.memory_space<vmem_shared>>
        %dma_start3A_35 = arith.constant 0 : i32
        %dma_start3A_36 = tpu.memref_slice %arg12[%add3A, %dma_start3A_35] : memref<10240x128xf32, #tpu.memory_space<vmem_shared>> -> memref<80x128xf32, #tpu.memory_space<vmem_shared>>
        tpu.enqueue_dma source(%arg9 : memref<80x128xf32, #tpu.memory_space<vmem>>) target(%dma_start3A_36 : memref<80x128xf32, #tpu.memory_space<vmem_shared>>) target_semaphore(%run_scoped3A : memref<!tpu.dma_semaphore, #tpu.memory_space<semaphore_mem>>)
        %dma_wait3A = arith.constant 0 : i32
        %dma_wait3A_37 = tpu.memref_slice %arg12[%add3A, %dma_wait3A] : memref<10240x128xf32, #tpu.memory_space<vmem_shared>> -> memref<80x128xf32, #tpu.memory_space<vmem_shared>>
        %dma_wait3A_38 = arith.constant 0 : i32
        %dma_wait3A_39 = tpu.memref_slice %arg12[%add3A, %dma_wait3A_38] : memref<10240x128xf32, #tpu.memory_space<vmem_shared>> -> memref<80x128xf32, #tpu.memory_space<vmem_shared>>
        tpu.wait_dma2 semaphore(%run_scoped3A : memref<!tpu.dma_semaphore, #tpu.memory_space<semaphore_mem>>) src(%arg9 : memref<80x128xf32, #tpu.memory_space<vmem>>) dst(%dma_wait3A_39 : memref<80x128xf32, #tpu.memory_space<vmem_shared>>)
        tpu.yield
      }) : () -> ()
      %scan3A_33 = arith.constant 0 : i32
      scf.yield %scan3A_33 : i32
    }
    %scan3A_12 = arith.constant 8 : i32
    %barrier3A = arith.constant 0 : index
    tpu.barrier barrier_id(%barrier3A)
    %eq3A = arith.constant 0 : i32
    %eq3A_13 = arith.cmpi eq, %arg0, %eq3A : i32
    %convert_element_type3A = arith.extui %eq3A_13 : i1 to i32
    %cond3A = arith.constant 0 : i32
    %cond3A_14 = arith.cmpi ne, %convert_element_type3A, %cond3A : i32
    scf.if %cond3A_14 {
      %mul3A = arith.constant 2 : i32
      %mul3A_28 = arith.muli %mul3A, %arg1 : i32
      %add3A = arith.constant 0 : i32
      %add3A_29 = arith.addi %mul3A_28, %add3A : i32
      "tpu.region"() ({
        %run_scoped3A = tpu.sem_alloc : memref<!tpu.dma_semaphore, #tpu.memory_space<semaphore_mem>>
        %dma_start3A_214 = arith.constant 0 : i32
        %dma_start3A_215 = arith.constant 0 : i32
        %dma_start3A_216 = tpu.memref_slice %arg2[%add3A_29, %dma_start3A_214, %dma_start3A_215] : memref<32x63x80xi32, #tpu.memory_space<hbm>> -> memref<1x63x80xi32, #tpu.memory_space<hbm>>
        %dma_start3A_217 = tpu.memref_squeeze %dma_start3A_216 : memref<1x63x80xi32, #tpu.memory_space<hbm>> -> memref<63x80xi32, #tpu.memory_space<hbm>>
        %dma_start3A_218 = arith.constant 0 : i32
        %dma_start3A_219 = arith.constant 0 : i32
        %dma_start3A_220 = tpu.memref_slice %arg2[%add3A_29, %dma_start3A_218, %dma_start3A_219] : memref<32x63x80xi32, #tpu.memory_space<hbm>> -> memref<1x63x80xi32, #tpu.memory_space<hbm>>
        %dma_start3A_221 = tpu.memref_squeeze %dma_start3A_220 : memref<1x63x80xi32, #tpu.memory_space<hbm>> -> memref<63x80xi32, #tpu.memory_space<hbm>>
        tpu.enqueue_dma source(%dma_start3A_221 : memref<63x80xi32, #tpu.memory_space<hbm>>) target(%arg7 : memref<63x80xi32, #tpu.memory_space<vmem>>) target_semaphore(%run_scoped3A : memref<!tpu.dma_semaphore, #tpu.memory_space<semaphore_mem>>)
        %dma_wait3A_222 = arith.constant 0 : i32
        %dma_wait3A_223 = arith.constant 0 : i32
        %dma_wait3A_224 = tpu.memref_slice %arg2[%add3A_29, %dma_wait3A_222, %dma_wait3A_223] : memref<32x63x80xi32, #tpu.memory_space<hbm>> -> memref<1x63x80xi32, #tpu.memory_space<hbm>>
        %dma_wait3A_225 = tpu.memref_squeeze %dma_wait3A_224 : memref<1x63x80xi32, #tpu.memory_space<hbm>> -> memref<63x80xi32, #tpu.memory_space<hbm>>
        %dma_wait3A_226 = arith.constant 0 : i32
        %dma_wait3A_227 = arith.constant 0 : i32
        %dma_wait3A_228 = tpu.memref_slice %arg2[%add3A_29, %dma_wait3A_226, %dma_wait3A_227] : memref<32x63x80xi32, #tpu.memory_space<hbm>> -> memref<1x63x80xi32, #tpu.memory_space<hbm>>
        %dma_wait3A_229 = tpu.memref_squeeze %dma_wait3A_228 : memref<1x63x80xi32, #tpu.memory_space<hbm>> -> memref<63x80xi32, #tpu.memory_space<hbm>>
        tpu.wait_dma2 semaphore(%run_scoped3A : memref<!tpu.dma_semaphore, #tpu.memory_space<semaphore_mem>>) src(%dma_wait3A_229 : memref<63x80xi32, #tpu.memory_space<hbm>>) dst(%arg7 : memref<63x80xi32, #tpu.memory_space<vmem>>)
        tpu.yield
      }) : () -> ()
      "tpu.region"() ({
        %run_scoped3A = tpu.sem_alloc : memref<!tpu.dma_semaphore, #tpu.memory_space<semaphore_mem>>
        %dma_start3A_214 = arith.constant 0 : i32
        %dma_start3A_215 = arith.constant 0 : i32
        %dma_start3A_216 = tpu.memref_slice %arg3[%add3A_29, %dma_start3A_214, %dma_start3A_215] : memref<32x63x80xi32, #tpu.memory_space<hbm>> -> memref<1x63x80xi32, #tpu.memory_space<hbm>>
        %dma_start3A_217 = tpu.memref_squeeze %dma_start3A_216 : memref<1x63x80xi32, #tpu.memory_space<hbm>> -> memref<63x80xi32, #tpu.memory_space<hbm>>
        %dma_start3A_218 = arith.constant 0 : i32
        %dma_start3A_219 = arith.constant 0 : i32
        %dma_start3A_220 = tpu.memref_slice %arg3[%add3A_29, %dma_start3A_218, %dma_start3A_219] : memref<32x63x80xi32, #tpu.memory_space<hbm>> -> memref<1x63x80xi32, #tpu.memory_space<hbm>>
        %dma_start3A_221 = tpu.memref_squeeze %dma_start3A_220 : memref<1x63x80xi32, #tpu.memory_space<hbm>> -> memref<63x80xi32, #tpu.memory_space<hbm>>
        tpu.enqueue_dma source(%dma_start3A_221 : memref<63x80xi32, #tpu.memory_space<hbm>>) target(%arg8 : memref<63x80xi32, #tpu.memory_space<vmem>>) target_semaphore(%run_scoped3A : memref<!tpu.dma_semaphore, #tpu.memory_space<semaphore_mem>>)
        %dma_wait3A_222 = arith.constant 0 : i32
        %dma_wait3A_223 = arith.constant 0 : i32
        %dma_wait3A_224 = tpu.memref_slice %arg3[%add3A_29, %dma_wait3A_222, %dma_wait3A_223] : memref<32x63x80xi32, #tpu.memory_space<hbm>> -> memref<1x63x80xi32, #tpu.memory_space<hbm>>
        %dma_wait3A_225 = tpu.memref_squeeze %dma_wait3A_224 : memref<1x63x80xi32, #tpu.memory_space<hbm>> -> memref<63x80xi32, #tpu.memory_space<hbm>>
        %dma_wait3A_226 = arith.constant 0 : i32
        %dma_wait3A_227 = arith.constant 0 : i32
        %dma_wait3A_228 = tpu.memref_slice %arg3[%add3A_29, %dma_wait3A_226, %dma_wait3A_227] : memref<32x63x80xi32, #tpu.memory_space<hbm>> -> memref<1x63x80xi32, #tpu.memory_space<hbm>>
        %dma_wait3A_229 = tpu.memref_squeeze %dma_wait3A_228 : memref<1x63x80xi32, #tpu.memory_space<hbm>> -> memref<63x80xi32, #tpu.memory_space<hbm>>
        tpu.wait_dma2 semaphore(%run_scoped3A : memref<!tpu.dma_semaphore, #tpu.memory_space<semaphore_mem>>) src(%dma_wait3A_229 : memref<63x80xi32, #tpu.memory_space<hbm>>) dst(%arg8 : memref<63x80xi32, #tpu.memory_space<vmem>>)
        tpu.yield
      }) : () -> ()
      %dma_start3A = arith.constant 0 : i32
      %dma_start3A_30 = arith.constant 0 : i32
      %dma_start3A_31 = tpu.memref_slice %arg7[%dma_start3A, %dma_start3A_30] : memref<63x80xi32, #tpu.memory_space<vmem>> -> memref<1x80xi32, #tpu.memory_space<vmem>>
      %dma_start3A_32 = tpu.memref_squeeze %dma_start3A_31 : memref<1x80xi32, #tpu.memory_space<vmem>> -> memref<80xi32, #tpu.memory_space<vmem>>
      %dma_start3A_33 = arith.constant 0 : i32
      %dma_start3A_34 = arith.constant 0 : i32
      %dma_start3A_35 = tpu.memref_slice %arg4[%dma_start3A_33, %dma_start3A_34] : memref<10000x128xf32, #tpu.memory_space<hbm>> -> memref<10000x128xf32, #tpu.memory_space<hbm>>
      tpu.enqueue_indirect_dma source(%dma_start3A_35 : memref<10000x128xf32, #tpu.memory_space<hbm>>) target(%arg9 : memref<80x128xf32, #tpu.memory_space<vmem>>) offsets(%dma_start3A_32 : memref<80xi32, #tpu.memory_space<vmem>>) semaphore(%arg13 : memref<!tpu.dma_semaphore, #tpu.memory_space<semaphore_mem>>)
      %dma_start3A_36 = arith.constant 1 : i32
      %dma_start3A_37 = arith.constant 0 : i32
      %dma_start3A_38 = tpu.memref_slice %arg7[%dma_start3A_36, %dma_start3A_37] : memref<63x80xi32, #tpu.memory_space<vmem>> -> memref<1x80xi32, #tpu.memory_space<vmem>>
      %dma_start3A_39 = tpu.memref_squeeze %dma_start3A_38 : memref<1x80xi32, #tpu.memory_space<vmem>> -> memref<80xi32, #tpu.memory_space<vmem>>
      %dma_start3A_40 = arith.constant 0 : i32
      %dma_start3A_41 = arith.constant 0 : i32
      %dma_start3A_42 = tpu.memref_slice %arg4[%dma_start3A_40, %dma_start3A_41] : memref<10000x128xf32, #tpu.memory_space<hbm>> -> memref<10000x128xf32, #tpu.memory_space<hbm>>
      tpu.enqueue_indirect_dma source(%dma_start3A_42 : memref<10000x128xf32, #tpu.memory_space<hbm>>) target(%arg10 : memref<80x128xf32, #tpu.memory_space<vmem>>) offsets(%dma_start3A_39 : memref<80xi32, #tpu.memory_space<vmem>>) semaphore(%arg14 : memref<!tpu.dma_semaphore, #tpu.memory_space<semaphore_mem>>)
      %dma_start3A_43 = arith.constant 2 : i32
      %dma_start3A_44 = arith.constant 0 : i32
      %dma_start3A_45 = tpu.memref_slice %arg7[%dma_start3A_43, %dma_start3A_44] : memref<63x80xi32, #tpu.memory_space<vmem>> -> memref<1x80xi32, #tpu.memory_space<vmem>>
      %dma_start3A_46 = tpu.memref_squeeze %dma_start3A_45 : memref<1x80xi32, #tpu.memory_space<vmem>> -> memref<80xi32, #tpu.memory_space<vmem>>
      %dma_start3A_47 = arith.constant 0 : i32
      %dma_start3A_48 = arith.constant 0 : i32
      %dma_start3A_49 = tpu.memref_slice %arg4[%dma_start3A_47, %dma_start3A_48] : memref<10000x128xf32, #tpu.memory_space<hbm>> -> memref<10000x128xf32, #tpu.memory_space<hbm>>
      tpu.enqueue_indirect_dma source(%dma_start3A_49 : memref<10000x128xf32, #tpu.memory_space<hbm>>) target(%arg11 : memref<80x128xf32, #tpu.memory_space<vmem>>) offsets(%dma_start3A_46 : memref<80xi32, #tpu.memory_space<vmem>>) semaphore(%arg15 : memref<!tpu.dma_semaphore, #tpu.memory_space<semaphore_mem>>)
      %dma_wait3A = arith.constant 0 : i32
      %dma_wait3A_50 = arith.constant 0 : i32
      %dma_wait3A_51 = tpu.memref_slice %arg7[%dma_wait3A, %dma_wait3A_50] : memref<63x80xi32, #tpu.memory_space<vmem>> -> memref<1x80xi32, #tpu.memory_space<vmem>>
      %dma_wait3A_52 = tpu.memref_squeeze %dma_wait3A_51 : memref<1x80xi32, #tpu.memory_space<vmem>> -> memref<80xi32, #tpu.memory_space<vmem>>
      %dma_wait3A_53 = arith.constant 0 : i32
      %dma_wait3A_54 = arith.constant 0 : i32
      %dma_wait3A_55 = tpu.memref_slice %arg4[%dma_wait3A_53, %dma_wait3A_54] : memref<10000x128xf32, #tpu.memory_space<hbm>> -> memref<10000x128xf32, #tpu.memory_space<hbm>>
      tpu.wait_indirect_dma semaphore(%arg13 : memref<!tpu.dma_semaphore, #tpu.memory_space<semaphore_mem>>) src(%dma_wait3A_55 : memref<10000x128xf32, #tpu.memory_space<hbm>>) dst(%arg9 : memref<80x128xf32, #tpu.memory_space<vmem>>)
      %dma_start3A_56 = arith.constant 0 : i32
      %dma_start3A_57 = arith.constant 0 : i32
      %dma_start3A_58 = tpu.memref_slice %arg8[%dma_start3A_56, %dma_start3A_57] : memref<63x80xi32, #tpu.memory_space<vmem>> -> memref<1x80xi32, #tpu.memory_space<vmem>>
      %dma_start3A_59 = tpu.memref_squeeze %dma_start3A_58 : memref<1x80xi32, #tpu.memory_space<vmem>> -> memref<80xi32, #tpu.memory_space<vmem>>
      %dma_start3A_60 = arith.constant 0 : i32
      %dma_start3A_61 = arith.constant 0 : i32
      %dma_start3A_62 = tpu.memref_slice %arg12[%dma_start3A_60, %dma_start3A_61] : memref<10240x128xf32, #tpu.memory_space<vmem_shared>> -> memref<10240x128xf32, #tpu.memory_space<vmem_shared>>
      tpu.enqueue_indirect_dma source(%arg9 : memref<80x128xf32, #tpu.memory_space<vmem>>) target(%dma_start3A_62 : memref<10240x128xf32, #tpu.memory_space<vmem_shared>>) offsets(%dma_start3A_59 : memref<80xi32, #tpu.memory_space<vmem>>) semaphore(%arg16 : memref<!tpu.dma_semaphore, #tpu.memory_space<semaphore_mem>>) {add = true}
      %scan3A_63 = arith.constant 0 : i32
      %scan3A_64 = arith.constant 1 : i32
      %scan3A_65 = arith.constant 20 : i32
      %scan3A_66 = arith.addi %scan3A_64, %scan3A_65 : i32
      %scan3A_67 = arith.constant 1 : i32
      %scan3A_68 = scf.for %scan3A_214 = %scan3A_64 to %scan3A_66 step %scan3A_67 iter_args(%scan3A_215 = %scan3A_63) -> (i32)  : i32 {
        %mul3A_216 = arith.constant 3 : i32
        %mul3A_217 = arith.muli %mul3A_216, %scan3A_214 : i32
        %sub3A = arith.constant 3 : i32
        %sub3A_218 = arith.subi %mul3A_217, %sub3A : i32
        %dma_wait3A_219 = arith.constant 0 : i32
        %dma_wait3A_220 = tpu.memref_slice %arg8[%sub3A_218, %dma_wait3A_219] : memref<63x80xi32, #tpu.memory_space<vmem>> -> memref<1x80xi32, #tpu.memory_space<vmem>>
        %dma_wait3A_221 = tpu.memref_squeeze %dma_wait3A_220 : memref<1x80xi32, #tpu.memory_space<vmem>> -> memref<80xi32, #tpu.memory_space<vmem>>
        %dma_wait3A_222 = arith.constant 0 : i32
        %dma_wait3A_223 = arith.constant 0 : i32
        %dma_wait3A_224 = tpu.memref_slice %arg12[%dma_wait3A_222, %dma_wait3A_223] : memref<10240x128xf32, #tpu.memory_space<vmem_shared>> -> memref<10240x128xf32, #tpu.memory_space<vmem_shared>>
        tpu.wait_indirect_dma semaphore(%arg16 : memref<!tpu.dma_semaphore, #tpu.memory_space<semaphore_mem>>) src(%arg9 : memref<80x128xf32, #tpu.memory_space<vmem>>) dst(%dma_wait3A_224 : memref<10240x128xf32, #tpu.memory_space<vmem_shared>>)
        %dma_start3A_225 = arith.constant 0 : i32
        %dma_start3A_226 = tpu.memref_slice %arg7[%mul3A_217, %dma_start3A_225] : memref<63x80xi32, #tpu.memory_space<vmem>> -> memref<1x80xi32, #tpu.memory_space<vmem>>
        %dma_start3A_227 = tpu.memref_squeeze %dma_start3A_226 : memref<1x80xi32, #tpu.memory_space<vmem>> -> memref<80xi32, #tpu.memory_space<vmem>>
        %dma_start3A_228 = arith.constant 0 : i32
        %dma_start3A_229 = arith.constant 0 : i32
        %dma_start3A_230 = tpu.memref_slice %arg4[%dma_start3A_228, %dma_start3A_229] : memref<10000x128xf32, #tpu.memory_space<hbm>> -> memref<10000x128xf32, #tpu.memory_space<hbm>>
        tpu.enqueue_indirect_dma source(%dma_start3A_230 : memref<10000x128xf32, #tpu.memory_space<hbm>>) target(%arg9 : memref<80x128xf32, #tpu.memory_space<vmem>>) offsets(%dma_start3A_227 : memref<80xi32, #tpu.memory_space<vmem>>) semaphore(%arg13 : memref<!tpu.dma_semaphore, #tpu.memory_space<semaphore_mem>>)
        %sub3A_231 = arith.constant 2 : i32
        %sub3A_232 = arith.subi %mul3A_217, %sub3A_231 : i32
        %dma_wait3A_233 = arith.constant 0 : i32
        %dma_wait3A_234 = tpu.memref_slice %arg7[%sub3A_232, %dma_wait3A_233] : memref<63x80xi32, #tpu.memory_space<vmem>> -> memref<1x80xi32, #tpu.memory_space<vmem>>
        %dma_wait3A_235 = tpu.memref_squeeze %dma_wait3A_234 : memref<1x80xi32, #tpu.memory_space<vmem>> -> memref<80xi32, #tpu.memory_space<vmem>>
        %dma_wait3A_236 = arith.constant 0 : i32
        %dma_wait3A_237 = arith.constant 0 : i32
        %dma_wait3A_238 = tpu.memref_slice %arg4[%dma_wait3A_236, %dma_wait3A_237] : memref<10000x128xf32, #tpu.memory_space<hbm>> -> memref<10000x128xf32, #tpu.memory_space<hbm>>
        tpu.wait_indirect_dma semaphore(%arg14 : memref<!tpu.dma_semaphore, #tpu.memory_space<semaphore_mem>>) src(%dma_wait3A_238 : memref<10000x128xf32, #tpu.memory_space<hbm>>) dst(%arg10 : memref<80x128xf32, #tpu.memory_space<vmem>>)
        %sub3A_239 = arith.constant 2 : i32
        %sub3A_240 = arith.subi %mul3A_217, %sub3A_239 : i32
        %dma_start3A_241 = arith.constant 0 : i32
        %dma_start3A_242 = tpu.memref_slice %arg8[%sub3A_240, %dma_start3A_241] : memref<63x80xi32, #tpu.memory_space<vmem>> -> memref<1x80xi32, #tpu.memory_space<vmem>>
        %dma_start3A_243 = tpu.memref_squeeze %dma_start3A_242 : memref<1x80xi32, #tpu.memory_space<vmem>> -> memref<80xi32, #tpu.memory_space<vmem>>
        %dma_start3A_244 = arith.constant 0 : i32
        %dma_start3A_245 = arith.constant 0 : i32
        %dma_start3A_246 = tpu.memref_slice %arg12[%dma_start3A_244, %dma_start3A_245] : memref<10240x128xf32, #tpu.memory_space<vmem_shared>> -> memref<10240x128xf32, #tpu.memory_space<vmem_shared>>
        tpu.enqueue_indirect_dma source(%arg10 : memref<80x128xf32, #tpu.memory_space<vmem>>) target(%dma_start3A_246 : memref<10240x128xf32, #tpu.memory_space<vmem_shared>>) offsets(%dma_start3A_243 : memref<80xi32, #tpu.memory_space<vmem>>) semaphore(%arg17 : memref<!tpu.dma_semaphore, #tpu.memory_space<semaphore_mem>>) {add = true}
        %mul3A_247 = arith.constant 3 : i32
        %mul3A_248 = arith.muli %mul3A_247, %scan3A_214 : i32
        %add3A_249 = arith.constant 1 : i32
        %add3A_250 = arith.addi %mul3A_248, %add3A_249 : i32
        %sub3A_251 = arith.constant 3 : i32
        %sub3A_252 = arith.subi %add3A_250, %sub3A_251 : i32
        %dma_wait3A_253 = arith.constant 0 : i32
        %dma_wait3A_254 = tpu.memref_slice %arg8[%sub3A_252, %dma_wait3A_253] : memref<63x80xi32, #tpu.memory_space<vmem>> -> memref<1x80xi32, #tpu.memory_space<vmem>>
        %dma_wait3A_255 = tpu.memref_squeeze %dma_wait3A_254 : memref<1x80xi32, #tpu.memory_space<vmem>> -> memref<80xi32, #tpu.memory_space<vmem>>
        %dma_wait3A_256 = arith.constant 0 : i32
        %dma_wait3A_257 = arith.constant 0 : i32
        %dma_wait3A_258 = tpu.memref_slice %arg12[%dma_wait3A_256, %dma_wait3A_257] : memref<10240x128xf32, #tpu.memory_space<vmem_shared>> -> memref<10240x128xf32, #tpu.memory_space<vmem_shared>>
        tpu.wait_indirect_dma semaphore(%arg17 : memref<!tpu.dma_semaphore, #tpu.memory_space<semaphore_mem>>) src(%arg10 : memref<80x128xf32, #tpu.memory_space<vmem>>) dst(%dma_wait3A_258 : memref<10240x128xf32, #tpu.memory_space<vmem_shared>>)
        %dma_start3A_259 = arith.constant 0 : i32
        %dma_start3A_260 = tpu.memref_slice %arg7[%add3A_250, %dma_start3A_259] : memref<63x80xi32, #tpu.memory_space<vmem>> -> memref<1x80xi32, #tpu.memory_space<vmem>>
        %dma_start3A_261 = tpu.memref_squeeze %dma_start3A_260 : memref<1x80xi32, #tpu.memory_space<vmem>> -> memref<80xi32, #tpu.memory_space<vmem>>
        %dma_start3A_262 = arith.constant 0 : i32
        %dma_start3A_263 = arith.constant 0 : i32
        %dma_start3A_264 = tpu.memref_slice %arg4[%dma_start3A_262, %dma_start3A_263] : memref<10000x128xf32, #tpu.memory_space<hbm>> -> memref<10000x128xf32, #tpu.memory_space<hbm>>
        tpu.enqueue_indirect_dma source(%dma_start3A_264 : memref<10000x128xf32, #tpu.memory_space<hbm>>) target(%arg10 : memref<80x128xf32, #tpu.memory_space<vmem>>) offsets(%dma_start3A_261 : memref<80xi32, #tpu.memory_space<vmem>>) semaphore(%arg14 : memref<!tpu.dma_semaphore, #tpu.memory_space<semaphore_mem>>)
        %sub3A_265 = arith.constant 2 : i32
        %sub3A_266 = arith.subi %add3A_250, %sub3A_265 : i32
        %dma_wait3A_267 = arith.constant 0 : i32
        %dma_wait3A_268 = tpu.memref_slice %arg7[%sub3A_266, %dma_wait3A_267] : memref<63x80xi32, #tpu.memory_space<vmem>> -> memref<1x80xi32, #tpu.memory_space<vmem>>
        %dma_wait3A_269 = tpu.memref_squeeze %dma_wait3A_268 : memref<1x80xi32, #tpu.memory_space<vmem>> -> memref<80xi32, #tpu.memory_space<vmem>>
        %dma_wait3A_270 = arith.constant 0 : i32
        %dma_wait3A_271 = arith.constant 0 : i32
        %dma_wait3A_272 = tpu.memref_slice %arg4[%dma_wait3A_270, %dma_wait3A_271] : memref<10000x128xf32, #tpu.memory_space<hbm>> -> memref<10000x128xf32, #tpu.memory_space<hbm>>
        tpu.wait_indirect_dma semaphore(%arg15 : memref<!tpu.dma_semaphore, #tpu.memory_space<semaphore_mem>>) src(%dma_wait3A_272 : memref<10000x128xf32, #tpu.memory_space<hbm>>) dst(%arg11 : memref<80x128xf32, #tpu.memory_space<vmem>>)
        %sub3A_273 = arith.constant 2 : i32
        %sub3A_274 = arith.subi %add3A_250, %sub3A_273 : i32
        %dma_start3A_275 = arith.constant 0 : i32
        %dma_start3A_276 = tpu.memref_slice %arg8[%sub3A_274, %dma_start3A_275] : memref<63x80xi32, #tpu.memory_space<vmem>> -> memref<1x80xi32, #tpu.memory_space<vmem>>
        %dma_start3A_277 = tpu.memref_squeeze %dma_start3A_276 : memref<1x80xi32, #tpu.memory_space<vmem>> -> memref<80xi32, #tpu.memory_space<vmem>>
        %dma_start3A_278 = arith.constant 0 : i32
        %dma_start3A_279 = arith.constant 0 : i32
        %dma_start3A_280 = tpu.memref_slice %arg12[%dma_start3A_278, %dma_start3A_279] : memref<10240x128xf32, #tpu.memory_space<vmem_shared>> -> memref<10240x128xf32, #tpu.memory_space<vmem_shared>>
        tpu.enqueue_indirect_dma source(%arg11 : memref<80x128xf32, #tpu.memory_space<vmem>>) target(%dma_start3A_280 : memref<10240x128xf32, #tpu.memory_space<vmem_shared>>) offsets(%dma_start3A_277 : memref<80xi32, #tpu.memory_space<vmem>>) semaphore(%arg18 : memref<!tpu.dma_semaphore, #tpu.memory_space<semaphore_mem>>) {add = true}
        %mul3A_281 = arith.constant 3 : i32
        %mul3A_282 = arith.muli %mul3A_281, %scan3A_214 : i32
        %add3A_283 = arith.constant 2 : i32
        %add3A_284 = arith.addi %mul3A_282, %add3A_283 : i32
        %sub3A_285 = arith.constant 3 : i32
        %sub3A_286 = arith.subi %add3A_284, %sub3A_285 : i32
        %dma_wait3A_287 = arith.constant 0 : i32
        %dma_wait3A_288 = tpu.memref_slice %arg8[%sub3A_286, %dma_wait3A_287] : memref<63x80xi32, #tpu.memory_space<vmem>> -> memref<1x80xi32, #tpu.memory_space<vmem>>
        %dma_wait3A_289 = tpu.memref_squeeze %dma_wait3A_288 : memref<1x80xi32, #tpu.memory_space<vmem>> -> memref<80xi32, #tpu.memory_space<vmem>>
        %dma_wait3A_290 = arith.constant 0 : i32
        %dma_wait3A_291 = arith.constant 0 : i32
        %dma_wait3A_292 = tpu.memref_slice %arg12[%dma_wait3A_290, %dma_wait3A_291] : memref<10240x128xf32, #tpu.memory_space<vmem_shared>> -> memref<10240x128xf32, #tpu.memory_space<vmem_shared>>
        tpu.wait_indirect_dma semaphore(%arg18 : memref<!tpu.dma_semaphore, #tpu.memory_space<semaphore_mem>>) src(%arg11 : memref<80x128xf32, #tpu.memory_space<vmem>>) dst(%dma_wait3A_292 : memref<10240x128xf32, #tpu.memory_space<vmem_shared>>)
        %dma_start3A_293 = arith.constant 0 : i32
        %dma_start3A_294 = tpu.memref_slice %arg7[%add3A_284, %dma_start3A_293] : memref<63x80xi32, #tpu.memory_space<vmem>> -> memref<1x80xi32, #tpu.memory_space<vmem>>
        %dma_start3A_295 = tpu.memref_squeeze %dma_start3A_294 : memref<1x80xi32, #tpu.memory_space<vmem>> -> memref<80xi32, #tpu.memory_space<vmem>>
        %dma_start3A_296 = arith.constant 0 : i32
        %dma_start3A_297 = arith.constant 0 : i32
        %dma_start3A_298 = tpu.memref_slice %arg4[%dma_start3A_296, %dma_start3A_297] : memref<10000x128xf32, #tpu.memory_space<hbm>> -> memref<10000x128xf32, #tpu.memory_space<hbm>>
        tpu.enqueue_indirect_dma source(%dma_start3A_298 : memref<10000x128xf32, #tpu.memory_space<hbm>>) target(%arg11 : memref<80x128xf32, #tpu.memory_space<vmem>>) offsets(%dma_start3A_295 : memref<80xi32, #tpu.memory_space<vmem>>) semaphore(%arg15 : memref<!tpu.dma_semaphore, #tpu.memory_space<semaphore_mem>>)
        %sub3A_299 = arith.constant 2 : i32
        %sub3A_300 = arith.subi %add3A_284, %sub3A_299 : i32
        %dma_wait3A_301 = arith.constant 0 : i32
        %dma_wait3A_302 = tpu.memref_slice %arg7[%sub3A_300, %dma_wait3A_301] : memref<63x80xi32, #tpu.memory_space<vmem>> -> memref<1x80xi32, #tpu.memory_space<vmem>>
        %dma_wait3A_303 = tpu.memref_squeeze %dma_wait3A_302 : memref<1x80xi32, #tpu.memory_space<vmem>> -> memref<80xi32, #tpu.memory_space<vmem>>
        %dma_wait3A_304 = arith.constant 0 : i32
        %dma_wait3A_305 = arith.constant 0 : i32
        %dma_wait3A_306 = tpu.memref_slice %arg4[%dma_wait3A_304, %dma_wait3A_305] : memref<10000x128xf32, #tpu.memory_space<hbm>> -> memref<10000x128xf32, #tpu.memory_space<hbm>>
        tpu.wait_indirect_dma semaphore(%arg13 : memref<!tpu.dma_semaphore, #tpu.memory_space<semaphore_mem>>) src(%dma_wait3A_306 : memref<10000x128xf32, #tpu.memory_space<hbm>>) dst(%arg9 : memref<80x128xf32, #tpu.memory_space<vmem>>)
        %sub3A_307 = arith.constant 2 : i32
        %sub3A_308 = arith.subi %add3A_284, %sub3A_307 : i32
        %dma_start3A_309 = arith.constant 0 : i32
        %dma_start3A_310 = tpu.memref_slice %arg8[%sub3A_308, %dma_start3A_309] : memref<63x80xi32, #tpu.memory_space<vmem>> -> memref<1x80xi32, #tpu.memory_space<vmem>>
        %dma_start3A_311 = tpu.memref_squeeze %dma_start3A_310 : memref<1x80xi32, #tpu.memory_space<vmem>> -> memref<80xi32, #tpu.memory_space<vmem>>
        %dma_start3A_312 = arith.constant 0 : i32
        %dma_start3A_313 = arith.constant 0 : i32
        %dma_start3A_314 = tpu.memref_slice %arg12[%dma_start3A_312, %dma_start3A_313] : memref<10240x128xf32, #tpu.memory_space<vmem_shared>> -> memref<10240x128xf32, #tpu.memory_space<vmem_shared>>
        tpu.enqueue_indirect_dma source(%arg9 : memref<80x128xf32, #tpu.memory_space<vmem>>) target(%dma_start3A_314 : memref<10240x128xf32, #tpu.memory_space<vmem_shared>>) offsets(%dma_start3A_311 : memref<80xi32, #tpu.memory_space<vmem>>) semaphore(%arg16 : memref<!tpu.dma_semaphore, #tpu.memory_space<semaphore_mem>>) {add = true}
        %scan3A_315 = arith.constant 0 : i32
        scf.yield %scan3A_315 : i32
      }
      %scan3A_69 = arith.constant 20 : i32
      %dma_wait3A_70 = arith.constant 61 : i32
      %dma_wait3A_71 = arith.constant 0 : i32
      %dma_wait3A_72 = tpu.memref_slice %arg7[%dma_wait3A_70, %dma_wait3A_71] : memref<63x80xi32, #tpu.memory_space<vmem>> -> memref<1x80xi32, #tpu.memory_space<vmem>>
      %dma_wait3A_73 = tpu.memref_squeeze %dma_wait3A_72 : memref<1x80xi32, #tpu.memory_space<vmem>> -> memref<80xi32, #tpu.memory_space<vmem>>
      %dma_wait3A_74 = arith.constant 0 : i32
      %dma_wait3A_75 = arith.constant 0 : i32
      %dma_wait3A_76 = tpu.memref_slice %arg4[%dma_wait3A_74, %dma_wait3A_75] : memref<10000x128xf32, #tpu.memory_space<hbm>> -> memref<10000x128xf32, #tpu.memory_space<hbm>>
      tpu.wait_indirect_dma semaphore(%arg14 : memref<!tpu.dma_semaphore, #tpu.memory_space<semaphore_mem>>) src(%dma_wait3A_76 : memref<10000x128xf32, #tpu.memory_space<hbm>>) dst(%arg10 : memref<80x128xf32, #tpu.memory_space<vmem>>)
      %dma_start3A_77 = arith.constant 61 : i32
      %dma_start3A_78 = arith.constant 0 : i32
      %dma_start3A_79 = tpu.memref_slice %arg8[%dma_start3A_77, %dma_start3A_78] : memref<63x80xi32, #tpu.memory_space<vmem>> -> memref<1x80xi32, #tpu.memory_space<vmem>>
      %dma_start3A_80 = tpu.memref_squeeze %dma_start3A_79 : memref<1x80xi32, #tpu.memory_space<vmem>> -> memref<80xi32, #tpu.memory_space<vmem>>
      %dma_start3A_81 = arith.constant 0 : i32
      %dma_start3A_82 = arith.constant 0 : i32
      %dma_start3A_83 = tpu.memref_slice %arg12[%dma_start3A_81, %dma_start3A_82] : memref<10240x128xf32, #tpu.memory_space<vmem_shared>> -> memref<10240x128xf32, #tpu.memory_space<vmem_shared>>
      tpu.enqueue_indirect_dma source(%arg10 : memref<80x128xf32, #tpu.memory_space<vmem>>) target(%dma_start3A_83 : memref<10240x128xf32, #tpu.memory_space<vmem_shared>>) offsets(%dma_start3A_80 : memref<80xi32, #tpu.memory_space<vmem>>) semaphore(%arg17 : memref<!tpu.dma_semaphore, #tpu.memory_space<semaphore_mem>>) {add = true}
      %dma_wait3A_84 = arith.constant 62 : i32
      %dma_wait3A_85 = arith.constant 0 : i32
      %dma_wait3A_86 = tpu.memref_slice %arg7[%dma_wait3A_84, %dma_wait3A_85] : memref<63x80xi32, #tpu.memory_space<vmem>> -> memref<1x80xi32, #tpu.memory_space<vmem>>
      %dma_wait3A_87 = tpu.memref_squeeze %dma_wait3A_86 : memref<1x80xi32, #tpu.memory_space<vmem>> -> memref<80xi32, #tpu.memory_space<vmem>>
      %dma_wait3A_88 = arith.constant 0 : i32
      %dma_wait3A_89 = arith.constant 0 : i32
      %dma_wait3A_90 = tpu.memref_slice %arg4[%dma_wait3A_88, %dma_wait3A_89] : memref<10000x128xf32, #tpu.memory_space<hbm>> -> memref<10000x128xf32, #tpu.memory_space<hbm>>
      tpu.wait_indirect_dma semaphore(%arg15 : memref<!tpu.dma_semaphore, #tpu.memory_space<semaphore_mem>>) src(%dma_wait3A_90 : memref<10000x128xf32, #tpu.memory_space<hbm>>) dst(%arg11 : memref<80x128xf32, #tpu.memory_space<vmem>>)
      %dma_start3A_91 = arith.constant 62 : i32
      %dma_start3A_92 = arith.constant 0 : i32
      %dma_start3A_93 = tpu.memref_slice %arg8[%dma_start3A_91, %dma_start3A_92] : memref<63x80xi32, #tpu.memory_space<vmem>> -> memref<1x80xi32, #tpu.memory_space<vmem>>
      %dma_start3A_94 = tpu.memref_squeeze %dma_start3A_93 : memref<1x80xi32, #tpu.memory_space<vmem>> -> memref<80xi32, #tpu.memory_space<vmem>>
      %dma_start3A_95 = arith.constant 0 : i32
      %dma_start3A_96 = arith.constant 0 : i32
      %dma_start3A_97 = tpu.memref_slice %arg12[%dma_start3A_95, %dma_start3A_96] : memref<10240x128xf32, #tpu.memory_space<vmem_shared>> -> memref<10240x128xf32, #tpu.memory_space<vmem_shared>>
      tpu.enqueue_indirect_dma source(%arg11 : memref<80x128xf32, #tpu.memory_space<vmem>>) target(%dma_start3A_97 : memref<10240x128xf32, #tpu.memory_space<vmem_shared>>) offsets(%dma_start3A_94 : memref<80xi32, #tpu.memory_space<vmem>>) semaphore(%arg18 : memref<!tpu.dma_semaphore, #tpu.memory_space<semaphore_mem>>) {add = true}
      %dma_wait3A_98 = arith.constant 60 : i32
      %dma_wait3A_99 = arith.constant 0 : i32
      %dma_wait3A_100 = tpu.memref_slice %arg8[%dma_wait3A_98, %dma_wait3A_99] : memref<63x80xi32, #tpu.memory_space<vmem>> -> memref<1x80xi32, #tpu.memory_space<vmem>>
      %dma_wait3A_101 = tpu.memref_squeeze %dma_wait3A_100 : memref<1x80xi32, #tpu.memory_space<vmem>> -> memref<80xi32, #tpu.memory_space<vmem>>
      %dma_wait3A_102 = arith.constant 0 : i32
      %dma_wait3A_103 = arith.constant 0 : i32
      %dma_wait3A_104 = tpu.memref_slice %arg12[%dma_wait3A_102, %dma_wait3A_103] : memref<10240x128xf32, #tpu.memory_space<vmem_shared>> -> memref<10240x128xf32, #tpu.memory_space<vmem_shared>>
      tpu.wait_indirect_dma semaphore(%arg16 : memref<!tpu.dma_semaphore, #tpu.memory_space<semaphore_mem>>) src(%arg9 : memref<80x128xf32, #tpu.memory_space<vmem>>) dst(%dma_wait3A_104 : memref<10240x128xf32, #tpu.memory_space<vmem_shared>>)
      %dma_wait3A_105 = arith.constant 61 : i32
      %dma_wait3A_106 = arith.constant 0 : i32
      %dma_wait3A_107 = tpu.memref_slice %arg8[%dma_wait3A_105, %dma_wait3A_106] : memref<63x80xi32, #tpu.memory_space<vmem>> -> memref<1x80xi32, #tpu.memory_space<vmem>>
      %dma_wait3A_108 = tpu.memref_squeeze %dma_wait3A_107 : memref<1x80xi32, #tpu.memory_space<vmem>> -> memref<80xi32, #tpu.memory_space<vmem>>
      %dma_wait3A_109 = arith.constant 0 : i32
      %dma_wait3A_110 = arith.constant 0 : i32
      %dma_wait3A_111 = tpu.memref_slice %arg12[%dma_wait3A_109, %dma_wait3A_110] : memref<10240x128xf32, #tpu.memory_space<vmem_shared>> -> memref<10240x128xf32, #tpu.memory_space<vmem_shared>>
      tpu.wait_indirect_dma semaphore(%arg17 : memref<!tpu.dma_semaphore, #tpu.memory_space<semaphore_mem>>) src(%arg10 : memref<80x128xf32, #tpu.memory_space<vmem>>) dst(%dma_wait3A_111 : memref<10240x128xf32, #tpu.memory_space<vmem_shared>>)
      %dma_wait3A_112 = arith.constant 62 : i32
      %dma_wait3A_113 = arith.constant 0 : i32
      %dma_wait3A_114 = tpu.memref_slice %arg8[%dma_wait3A_112, %dma_wait3A_113] : memref<63x80xi32, #tpu.memory_space<vmem>> -> memref<1x80xi32, #tpu.memory_space<vmem>>
      %dma_wait3A_115 = tpu.memref_squeeze %dma_wait3A_114 : memref<1x80xi32, #tpu.memory_space<vmem>> -> memref<80xi32, #tpu.memory_space<vmem>>
      %dma_wait3A_116 = arith.constant 0 : i32
      %dma_wait3A_117 = arith.constant 0 : i32
      %dma_wait3A_118 = tpu.memref_slice %arg12[%dma_wait3A_116, %dma_wait3A_117] : memref<10240x128xf32, #tpu.memory_space<vmem_shared>> -> memref<10240x128xf32, #tpu.memory_space<vmem_shared>>
      tpu.wait_indirect_dma semaphore(%arg18 : memref<!tpu.dma_semaphore, #tpu.memory_space<semaphore_mem>>) src(%arg11 : memref<80x128xf32, #tpu.memory_space<vmem>>) dst(%dma_wait3A_118 : memref<10240x128xf32, #tpu.memory_space<vmem_shared>>)
      %mul3A_119 = arith.constant 2 : i32
      %mul3A_120 = arith.muli %mul3A_119, %arg1 : i32
      %add3A_121 = arith.constant 1 : i32
      %add3A_122 = arith.addi %mul3A_120, %add3A_121 : i32
      "tpu.region"() ({
        %run_scoped3A = tpu.sem_alloc : memref<!tpu.dma_semaphore, #tpu.memory_space<semaphore_mem>>
        %dma_start3A_214 = arith.constant 0 : i32
        %dma_start3A_215 = arith.constant 0 : i32
        %dma_start3A_216 = tpu.memref_slice %arg2[%add3A_122, %dma_start3A_214, %dma_start3A_215] : memref<32x63x80xi32, #tpu.memory_space<hbm>> -> memref<1x63x80xi32, #tpu.memory_space<hbm>>
        %dma_start3A_217 = tpu.memref_squeeze %dma_start3A_216 : memref<1x63x80xi32, #tpu.memory_space<hbm>> -> memref<63x80xi32, #tpu.memory_space<hbm>>
        %dma_start3A_218 = arith.constant 0 : i32
        %dma_start3A_219 = arith.constant 0 : i32
        %dma_start3A_220 = tpu.memref_slice %arg2[%add3A_122, %dma_start3A_218, %dma_start3A_219] : memref<32x63x80xi32, #tpu.memory_space<hbm>> -> memref<1x63x80xi32, #tpu.memory_space<hbm>>
        %dma_start3A_221 = tpu.memref_squeeze %dma_start3A_220 : memref<1x63x80xi32, #tpu.memory_space<hbm>> -> memref<63x80xi32, #tpu.memory_space<hbm>>
        tpu.enqueue_dma source(%dma_start3A_221 : memref<63x80xi32, #tpu.memory_space<hbm>>) target(%arg7 : memref<63x80xi32, #tpu.memory_space<vmem>>) target_semaphore(%run_scoped3A : memref<!tpu.dma_semaphore, #tpu.memory_space<semaphore_mem>>)
        %dma_wait3A_222 = arith.constant 0 : i32
        %dma_wait3A_223 = arith.constant 0 : i32
        %dma_wait3A_224 = tpu.memref_slice %arg2[%add3A_122, %dma_wait3A_222, %dma_wait3A_223] : memref<32x63x80xi32, #tpu.memory_space<hbm>> -> memref<1x63x80xi32, #tpu.memory_space<hbm>>
        %dma_wait3A_225 = tpu.memref_squeeze %dma_wait3A_224 : memref<1x63x80xi32, #tpu.memory_space<hbm>> -> memref<63x80xi32, #tpu.memory_space<hbm>>
        %dma_wait3A_226 = arith.constant 0 : i32
        %dma_wait3A_227 = arith.constant 0 : i32
        %dma_wait3A_228 = tpu.memref_slice %arg2[%add3A_122, %dma_wait3A_226, %dma_wait3A_227] : memref<32x63x80xi32, #tpu.memory_space<hbm>> -> memref<1x63x80xi32, #tpu.memory_space<hbm>>
        %dma_wait3A_229 = tpu.memref_squeeze %dma_wait3A_228 : memref<1x63x80xi32, #tpu.memory_space<hbm>> -> memref<63x80xi32, #tpu.memory_space<hbm>>
        tpu.wait_dma2 semaphore(%run_scoped3A : memref<!tpu.dma_semaphore, #tpu.memory_space<semaphore_mem>>) src(%dma_wait3A_229 : memref<63x80xi32, #tpu.memory_space<hbm>>) dst(%arg7 : memref<63x80xi32, #tpu.memory_space<vmem>>)
        tpu.yield
      }) : () -> ()
      "tpu.region"() ({
        %run_scoped3A = tpu.sem_alloc : memref<!tpu.dma_semaphore, #tpu.memory_space<semaphore_mem>>
        %dma_start3A_214 = arith.constant 0 : i32
        %dma_start3A_215 = arith.constant 0 : i32
        %dma_start3A_216 = tpu.memref_slice %arg3[%add3A_122, %dma_start3A_214, %dma_start3A_215] : memref<32x63x80xi32, #tpu.memory_space<hbm>> -> memref<1x63x80xi32, #tpu.memory_space<hbm>>
        %dma_start3A_217 = tpu.memref_squeeze %dma_start3A_216 : memref<1x63x80xi32, #tpu.memory_space<hbm>> -> memref<63x80xi32, #tpu.memory_space<hbm>>
        %dma_start3A_218 = arith.constant 0 : i32
        %dma_start3A_219 = arith.constant 0 : i32
        %dma_start3A_220 = tpu.memref_slice %arg3[%add3A_122, %dma_start3A_218, %dma_start3A_219] : memref<32x63x80xi32, #tpu.memory_space<hbm>> -> memref<1x63x80xi32, #tpu.memory_space<hbm>>
        %dma_start3A_221 = tpu.memref_squeeze %dma_start3A_220 : memref<1x63x80xi32, #tpu.memory_space<hbm>> -> memref<63x80xi32, #tpu.memory_space<hbm>>
        tpu.enqueue_dma source(%dma_start3A_221 : memref<63x80xi32, #tpu.memory_space<hbm>>) target(%arg8 : memref<63x80xi32, #tpu.memory_space<vmem>>) target_semaphore(%run_scoped3A : memref<!tpu.dma_semaphore, #tpu.memory_space<semaphore_mem>>)
        %dma_wait3A_222 = arith.constant 0 : i32
        %dma_wait3A_223 = arith.constant 0 : i32
        %dma_wait3A_224 = tpu.memref_slice %arg3[%add3A_122, %dma_wait3A_222, %dma_wait3A_223] : memref<32x63x80xi32, #tpu.memory_space<hbm>> -> memref<1x63x80xi32, #tpu.memory_space<hbm>>
        %dma_wait3A_225 = tpu.memref_squeeze %dma_wait3A_224 : memref<1x63x80xi32, #tpu.memory_space<hbm>> -> memref<63x80xi32, #tpu.memory_space<hbm>>
        %dma_wait3A_226 = arith.constant 0 : i32
        %dma_wait3A_227 = arith.constant 0 : i32
        %dma_wait3A_228 = tpu.memref_slice %arg3[%add3A_122, %dma_wait3A_226, %dma_wait3A_227] : memref<32x63x80xi32, #tpu.memory_space<hbm>> -> memref<1x63x80xi32, #tpu.memory_space<hbm>>
        %dma_wait3A_229 = tpu.memref_squeeze %dma_wait3A_228 : memref<1x63x80xi32, #tpu.memory_space<hbm>> -> memref<63x80xi32, #tpu.memory_space<hbm>>
        tpu.wait_dma2 semaphore(%run_scoped3A : memref<!tpu.dma_semaphore, #tpu.memory_space<semaphore_mem>>) src(%dma_wait3A_229 : memref<63x80xi32, #tpu.memory_space<hbm>>) dst(%arg8 : memref<63x80xi32, #tpu.memory_space<vmem>>)
        tpu.yield
      }) : () -> ()
      %dma_start3A_123 = arith.constant 0 : i32
      %dma_start3A_124 = arith.constant 0 : i32
      %dma_start3A_125 = tpu.memref_slice %arg7[%dma_start3A_123, %dma_start3A_124] : memref<63x80xi32, #tpu.memory_space<vmem>> -> memref<1x80xi32, #tpu.memory_space<vmem>>
      %dma_start3A_126 = tpu.memref_squeeze %dma_start3A_125 : memref<1x80xi32, #tpu.memory_space<vmem>> -> memref<80xi32, #tpu.memory_space<vmem>>
      %dma_start3A_127 = arith.constant 0 : i32
      %dma_start3A_128 = arith.constant 0 : i32
      %dma_start3A_129 = tpu.memref_slice %arg4[%dma_start3A_127, %dma_start3A_128] : memref<10000x128xf32, #tpu.memory_space<hbm>> -> memref<10000x128xf32, #tpu.memory_space<hbm>>
      tpu.enqueue_indirect_dma source(%dma_start3A_129 : memref<10000x128xf32, #tpu.memory_space<hbm>>) target(%arg9 : memref<80x128xf32, #tpu.memory_space<vmem>>) offsets(%dma_start3A_126 : memref<80xi32, #tpu.memory_space<vmem>>) semaphore(%arg13 : memref<!tpu.dma_semaphore, #tpu.memory_space<semaphore_mem>>)
      %dma_start3A_130 = arith.constant 1 : i32
      %dma_start3A_131 = arith.constant 0 : i32
      %dma_start3A_132 = tpu.memref_slice %arg7[%dma_start3A_130, %dma_start3A_131] : memref<63x80xi32, #tpu.memory_space<vmem>> -> memref<1x80xi32, #tpu.memory_space<vmem>>
      %dma_start3A_133 = tpu.memref_squeeze %dma_start3A_132 : memref<1x80xi32, #tpu.memory_space<vmem>> -> memref<80xi32, #tpu.memory_space<vmem>>
      %dma_start3A_134 = arith.constant 0 : i32
      %dma_start3A_135 = arith.constant 0 : i32
      %dma_start3A_136 = tpu.memref_slice %arg4[%dma_start3A_134, %dma_start3A_135] : memref<10000x128xf32, #tpu.memory_space<hbm>> -> memref<10000x128xf32, #tpu.memory_space<hbm>>
      tpu.enqueue_indirect_dma source(%dma_start3A_136 : memref<10000x128xf32, #tpu.memory_space<hbm>>) target(%arg10 : memref<80x128xf32, #tpu.memory_space<vmem>>) offsets(%dma_start3A_133 : memref<80xi32, #tpu.memory_space<vmem>>) semaphore(%arg14 : memref<!tpu.dma_semaphore, #tpu.memory_space<semaphore_mem>>)
      %dma_start3A_137 = arith.constant 2 : i32
      %dma_start3A_138 = arith.constant 0 : i32
      %dma_start3A_139 = tpu.memref_slice %arg7[%dma_start3A_137, %dma_start3A_138] : memref<63x80xi32, #tpu.memory_space<vmem>> -> memref<1x80xi32, #tpu.memory_space<vmem>>
      %dma_start3A_140 = tpu.memref_squeeze %dma_start3A_139 : memref<1x80xi32, #tpu.memory_space<vmem>> -> memref<80xi32, #tpu.memory_space<vmem>>
      %dma_start3A_141 = arith.constant 0 : i32
      %dma_start3A_142 = arith.constant 0 : i32
      %dma_start3A_143 = tpu.memref_slice %arg4[%dma_start3A_141, %dma_start3A_142] : memref<10000x128xf32, #tpu.memory_space<hbm>> -> memref<10000x128xf32, #tpu.memory_space<hbm>>
      tpu.enqueue_indirect_dma source(%dma_start3A_143 : memref<10000x128xf32, #tpu.memory_space<hbm>>) target(%arg11 : memref<80x128xf32, #tpu.memory_space<vmem>>) offsets(%dma_start3A_140 : memref<80xi32, #tpu.memory_space<vmem>>) semaphore(%arg15 : memref<!tpu.dma_semaphore, #tpu.memory_space<semaphore_mem>>)
      %dma_wait3A_144 = arith.constant 0 : i32
      %dma_wait3A_145 = arith.constant 0 : i32
      %dma_wait3A_146 = tpu.memref_slice %arg7[%dma_wait3A_144, %dma_wait3A_145] : memref<63x80xi32, #tpu.memory_space<vmem>> -> memref<1x80xi32, #tpu.memory_space<vmem>>
      %dma_wait3A_147 = tpu.memref_squeeze %dma_wait3A_146 : memref<1x80xi32, #tpu.memory_space<vmem>> -> memref<80xi32, #tpu.memory_space<vmem>>
      %dma_wait3A_148 = arith.constant 0 : i32
      %dma_wait3A_149 = arith.constant 0 : i32
      %dma_wait3A_150 = tpu.memref_slice %arg4[%dma_wait3A_148, %dma_wait3A_149] : memref<10000x128xf32, #tpu.memory_space<hbm>> -> memref<10000x128xf32, #tpu.memory_space<hbm>>
      tpu.wait_indirect_dma semaphore(%arg13 : memref<!tpu.dma_semaphore, #tpu.memory_space<semaphore_mem>>) src(%dma_wait3A_150 : memref<10000x128xf32, #tpu.memory_space<hbm>>) dst(%arg9 : memref<80x128xf32, #tpu.memory_space<vmem>>)
      %dma_start3A_151 = arith.constant 0 : i32
      %dma_start3A_152 = arith.constant 0 : i32
      %dma_start3A_153 = tpu.memref_slice %arg8[%dma_start3A_151, %dma_start3A_152] : memref<63x80xi32, #tpu.memory_space<vmem>> -> memref<1x80xi32, #tpu.memory_space<vmem>>
      %dma_start3A_154 = tpu.memref_squeeze %dma_start3A_153 : memref<1x80xi32, #tpu.memory_space<vmem>> -> memref<80xi32, #tpu.memory_space<vmem>>
      %dma_start3A_155 = arith.constant 0 : i32
      %dma_start3A_156 = arith.constant 0 : i32
      %dma_start3A_157 = tpu.memref_slice %arg12[%dma_start3A_155, %dma_start3A_156] : memref<10240x128xf32, #tpu.memory_space<vmem_shared>> -> memref<10240x128xf32, #tpu.memory_space<vmem_shared>>
      tpu.enqueue_indirect_dma source(%arg9 : memref<80x128xf32, #tpu.memory_space<vmem>>) target(%dma_start3A_157 : memref<10240x128xf32, #tpu.memory_space<vmem_shared>>) offsets(%dma_start3A_154 : memref<80xi32, #tpu.memory_space<vmem>>) semaphore(%arg16 : memref<!tpu.dma_semaphore, #tpu.memory_space<semaphore_mem>>) {add = true}
      %scan3A_158 = arith.constant 0 : i32
      %scan3A_159 = arith.constant 1 : i32
      %scan3A_160 = arith.constant 20 : i32
      %scan3A_161 = arith.addi %scan3A_159, %scan3A_160 : i32
      %scan3A_162 = arith.constant 1 : i32
      %scan3A_163 = scf.for %scan3A_214 = %scan3A_159 to %scan3A_161 step %scan3A_162 iter_args(%scan3A_215 = %scan3A_158) -> (i32)  : i32 {
        %mul3A_216 = arith.constant 3 : i32
        %mul3A_217 = arith.muli %mul3A_216, %scan3A_214 : i32
        %sub3A = arith.constant 3 : i32
        %sub3A_218 = arith.subi %mul3A_217, %sub3A : i32
        %dma_wait3A_219 = arith.constant 0 : i32
        %dma_wait3A_220 = tpu.memref_slice %arg8[%sub3A_218, %dma_wait3A_219] : memref<63x80xi32, #tpu.memory_space<vmem>> -> memref<1x80xi32, #tpu.memory_space<vmem>>
        %dma_wait3A_221 = tpu.memref_squeeze %dma_wait3A_220 : memref<1x80xi32, #tpu.memory_space<vmem>> -> memref<80xi32, #tpu.memory_space<vmem>>
        %dma_wait3A_222 = arith.constant 0 : i32
        %dma_wait3A_223 = arith.constant 0 : i32
        %dma_wait3A_224 = tpu.memref_slice %arg12[%dma_wait3A_222, %dma_wait3A_223] : memref<10240x128xf32, #tpu.memory_space<vmem_shared>> -> memref<10240x128xf32, #tpu.memory_space<vmem_shared>>
        tpu.wait_indirect_dma semaphore(%arg16 : memref<!tpu.dma_semaphore, #tpu.memory_space<semaphore_mem>>) src(%arg9 : memref<80x128xf32, #tpu.memory_space<vmem>>) dst(%dma_wait3A_224 : memref<10240x128xf32, #tpu.memory_space<vmem_shared>>)
        %dma_start3A_225 = arith.constant 0 : i32
        %dma_start3A_226 = tpu.memref_slice %arg7[%mul3A_217, %dma_start3A_225] : memref<63x80xi32, #tpu.memory_space<vmem>> -> memref<1x80xi32, #tpu.memory_space<vmem>>
        %dma_start3A_227 = tpu.memref_squeeze %dma_start3A_226 : memref<1x80xi32, #tpu.memory_space<vmem>> -> memref<80xi32, #tpu.memory_space<vmem>>
        %dma_start3A_228 = arith.constant 0 : i32
        %dma_start3A_229 = arith.constant 0 : i32
        %dma_start3A_230 = tpu.memref_slice %arg4[%dma_start3A_228, %dma_start3A_229] : memref<10000x128xf32, #tpu.memory_space<hbm>> -> memref<10000x128xf32, #tpu.memory_space<hbm>>
        tpu.enqueue_indirect_dma source(%dma_start3A_230 : memref<10000x128xf32, #tpu.memory_space<hbm>>) target(%arg9 : memref<80x128xf32, #tpu.memory_space<vmem>>) offsets(%dma_start3A_227 : memref<80xi32, #tpu.memory_space<vmem>>) semaphore(%arg13 : memref<!tpu.dma_semaphore, #tpu.memory_space<semaphore_mem>>)
        %sub3A_231 = arith.constant 2 : i32
        %sub3A_232 = arith.subi %mul3A_217, %sub3A_231 : i32
        %dma_wait3A_233 = arith.constant 0 : i32
        %dma_wait3A_234 = tpu.memref_slice %arg7[%sub3A_232, %dma_wait3A_233] : memref<63x80xi32, #tpu.memory_space<vmem>> -> memref<1x80xi32, #tpu.memory_space<vmem>>
        %dma_wait3A_235 = tpu.memref_squeeze %dma_wait3A_234 : memref<1x80xi32, #tpu.memory_space<vmem>> -> memref<80xi32, #tpu.memory_space<vmem>>
        %dma_wait3A_236 = arith.constant 0 : i32
        %dma_wait3A_237 = arith.constant 0 : i32
        %dma_wait3A_238 = tpu.memref_slice %arg4[%dma_wait3A_236, %dma_wait3A_237] : memref<10000x128xf32, #tpu.memory_space<hbm>> -> memref<10000x128xf32, #tpu.memory_space<hbm>>
        tpu.wait_indirect_dma semaphore(%arg14 : memref<!tpu.dma_semaphore, #tpu.memory_space<semaphore_mem>>) src(%dma_wait3A_238 : memref<10000x128xf32, #tpu.memory_space<hbm>>) dst(%arg10 : memref<80x128xf32, #tpu.memory_space<vmem>>)
        %sub3A_239 = arith.constant 2 : i32
        %sub3A_240 = arith.subi %mul3A_217, %sub3A_239 : i32
        %dma_start3A_241 = arith.constant 0 : i32
        %dma_start3A_242 = tpu.memref_slice %arg8[%sub3A_240, %dma_start3A_241] : memref<63x80xi32, #tpu.memory_space<vmem>> -> memref<1x80xi32, #tpu.memory_space<vmem>>
        %dma_start3A_243 = tpu.memref_squeeze %dma_start3A_242 : memref<1x80xi32, #tpu.memory_space<vmem>> -> memref<80xi32, #tpu.memory_space<vmem>>
        %dma_start3A_244 = arith.constant 0 : i32
        %dma_start3A_245 = arith.constant 0 : i32
        %dma_start3A_246 = tpu.memref_slice %arg12[%dma_start3A_244, %dma_start3A_245] : memref<10240x128xf32, #tpu.memory_space<vmem_shared>> -> memref<10240x128xf32, #tpu.memory_space<vmem_shared>>
        tpu.enqueue_indirect_dma source(%arg10 : memref<80x128xf32, #tpu.memory_space<vmem>>) target(%dma_start3A_246 : memref<10240x128xf32, #tpu.memory_space<vmem_shared>>) offsets(%dma_start3A_243 : memref<80xi32, #tpu.memory_space<vmem>>) semaphore(%arg17 : memref<!tpu.dma_semaphore, #tpu.memory_space<semaphore_mem>>) {add = true}
        %mul3A_247 = arith.constant 3 : i32
        %mul3A_248 = arith.muli %mul3A_247, %scan3A_214 : i32
        %add3A_249 = arith.constant 1 : i32
        %add3A_250 = arith.addi %mul3A_248, %add3A_249 : i32
        %sub3A_251 = arith.constant 3 : i32
        %sub3A_252 = arith.subi %add3A_250, %sub3A_251 : i32
        %dma_wait3A_253 = arith.constant 0 : i32
        %dma_wait3A_254 = tpu.memref_slice %arg8[%sub3A_252, %dma_wait3A_253] : memref<63x80xi32, #tpu.memory_space<vmem>> -> memref<1x80xi32, #tpu.memory_space<vmem>>
        %dma_wait3A_255 = tpu.memref_squeeze %dma_wait3A_254 : memref<1x80xi32, #tpu.memory_space<vmem>> -> memref<80xi32, #tpu.memory_space<vmem>>
        %dma_wait3A_256 = arith.constant 0 : i32
        %dma_wait3A_257 = arith.constant 0 : i32
        %dma_wait3A_258 = tpu.memref_slice %arg12[%dma_wait3A_256, %dma_wait3A_257] : memref<10240x128xf32, #tpu.memory_space<vmem_shared>> -> memref<10240x128xf32, #tpu.memory_space<vmem_shared>>
        tpu.wait_indirect_dma semaphore(%arg17 : memref<!tpu.dma_semaphore, #tpu.memory_space<semaphore_mem>>) src(%arg10 : memref<80x128xf32, #tpu.memory_space<vmem>>) dst(%dma_wait3A_258 : memref<10240x128xf32, #tpu.memory_space<vmem_shared>>)
        %dma_start3A_259 = arith.constant 0 : i32
        %dma_start3A_260 = tpu.memref_slice %arg7[%add3A_250, %dma_start3A_259] : memref<63x80xi32, #tpu.memory_space<vmem>> -> memref<1x80xi32, #tpu.memory_space<vmem>>
        %dma_start3A_261 = tpu.memref_squeeze %dma_start3A_260 : memref<1x80xi32, #tpu.memory_space<vmem>> -> memref<80xi32, #tpu.memory_space<vmem>>
        %dma_start3A_262 = arith.constant 0 : i32
        %dma_start3A_263 = arith.constant 0 : i32
        %dma_start3A_264 = tpu.memref_slice %arg4[%dma_start3A_262, %dma_start3A_263] : memref<10000x128xf32, #tpu.memory_space<hbm>> -> memref<10000x128xf32, #tpu.memory_space<hbm>>
        tpu.enqueue_indirect_dma source(%dma_start3A_264 : memref<10000x128xf32, #tpu.memory_space<hbm>>) target(%arg10 : memref<80x128xf32, #tpu.memory_space<vmem>>) offsets(%dma_start3A_261 : memref<80xi32, #tpu.memory_space<vmem>>) semaphore(%arg14 : memref<!tpu.dma_semaphore, #tpu.memory_space<semaphore_mem>>)
        %sub3A_265 = arith.constant 2 : i32
        %sub3A_266 = arith.subi %add3A_250, %sub3A_265 : i32
        %dma_wait3A_267 = arith.constant 0 : i32
        %dma_wait3A_268 = tpu.memref_slice %arg7[%sub3A_266, %dma_wait3A_267] : memref<63x80xi32, #tpu.memory_space<vmem>> -> memref<1x80xi32, #tpu.memory_space<vmem>>
        %dma_wait3A_269 = tpu.memref_squeeze %dma_wait3A_268 : memref<1x80xi32, #tpu.memory_space<vmem>> -> memref<80xi32, #tpu.memory_space<vmem>>
        %dma_wait3A_270 = arith.constant 0 : i32
        %dma_wait3A_271 = arith.constant 0 : i32
        %dma_wait3A_272 = tpu.memref_slice %arg4[%dma_wait3A_270, %dma_wait3A_271] : memref<10000x128xf32, #tpu.memory_space<hbm>> -> memref<10000x128xf32, #tpu.memory_space<hbm>>
        tpu.wait_indirect_dma semaphore(%arg15 : memref<!tpu.dma_semaphore, #tpu.memory_space<semaphore_mem>>) src(%dma_wait3A_272 : memref<10000x128xf32, #tpu.memory_space<hbm>>) dst(%arg11 : memref<80x128xf32, #tpu.memory_space<vmem>>)
        %sub3A_273 = arith.constant 2 : i32
        %sub3A_274 = arith.subi %add3A_250, %sub3A_273 : i32
        %dma_start3A_275 = arith.constant 0 : i32
        %dma_start3A_276 = tpu.memref_slice %arg8[%sub3A_274, %dma_start3A_275] : memref<63x80xi32, #tpu.memory_space<vmem>> -> memref<1x80xi32, #tpu.memory_space<vmem>>
        %dma_start3A_277 = tpu.memref_squeeze %dma_start3A_276 : memref<1x80xi32, #tpu.memory_space<vmem>> -> memref<80xi32, #tpu.memory_space<vmem>>
        %dma_start3A_278 = arith.constant 0 : i32
        %dma_start3A_279 = arith.constant 0 : i32
        %dma_start3A_280 = tpu.memref_slice %arg12[%dma_start3A_278, %dma_start3A_279] : memref<10240x128xf32, #tpu.memory_space<vmem_shared>> -> memref<10240x128xf32, #tpu.memory_space<vmem_shared>>
        tpu.enqueue_indirect_dma source(%arg11 : memref<80x128xf32, #tpu.memory_space<vmem>>) target(%dma_start3A_280 : memref<10240x128xf32, #tpu.memory_space<vmem_shared>>) offsets(%dma_start3A_277 : memref<80xi32, #tpu.memory_space<vmem>>) semaphore(%arg18 : memref<!tpu.dma_semaphore, #tpu.memory_space<semaphore_mem>>) {add = true}
        %mul3A_281 = arith.constant 3 : i32
        %mul3A_282 = arith.muli %mul3A_281, %scan3A_214 : i32
        %add3A_283 = arith.constant 2 : i32
        %add3A_284 = arith.addi %mul3A_282, %add3A_283 : i32
        %sub3A_285 = arith.constant 3 : i32
        %sub3A_286 = arith.subi %add3A_284, %sub3A_285 : i32
        %dma_wait3A_287 = arith.constant 0 : i32
        %dma_wait3A_288 = tpu.memref_slice %arg8[%sub3A_286, %dma_wait3A_287] : memref<63x80xi32, #tpu.memory_space<vmem>> -> memref<1x80xi32, #tpu.memory_space<vmem>>
        %dma_wait3A_289 = tpu.memref_squeeze %dma_wait3A_288 : memref<1x80xi32, #tpu.memory_space<vmem>> -> memref<80xi32, #tpu.memory_space<vmem>>
        %dma_wait3A_290 = arith.constant 0 : i32
        %dma_wait3A_291 = arith.constant 0 : i32
        %dma_wait3A_292 = tpu.memref_slice %arg12[%dma_wait3A_290, %dma_wait3A_291] : memref<10240x128xf32, #tpu.memory_space<vmem_shared>> -> memref<10240x128xf32, #tpu.memory_space<vmem_shared>>
        tpu.wait_indirect_dma semaphore(%arg18 : memref<!tpu.dma_semaphore, #tpu.memory_space<semaphore_mem>>) src(%arg11 : memref<80x128xf32, #tpu.memory_space<vmem>>) dst(%dma_wait3A_292 : memref<10240x128xf32, #tpu.memory_space<vmem_shared>>)
        %dma_start3A_293 = arith.constant 0 : i32
        %dma_start3A_294 = tpu.memref_slice %arg7[%add3A_284, %dma_start3A_293] : memref<63x80xi32, #tpu.memory_space<vmem>> -> memref<1x80xi32, #tpu.memory_space<vmem>>
        %dma_start3A_295 = tpu.memref_squeeze %dma_start3A_294 : memref<1x80xi32, #tpu.memory_space<vmem>> -> memref<80xi32, #tpu.memory_space<vmem>>
        %dma_start3A_296 = arith.constant 0 : i32
        %dma_start3A_297 = arith.constant 0 : i32
        %dma_start3A_298 = tpu.memref_slice %arg4[%dma_start3A_296, %dma_start3A_297] : memref<10000x128xf32, #tpu.memory_space<hbm>> -> memref<10000x128xf32, #tpu.memory_space<hbm>>
        tpu.enqueue_indirect_dma source(%dma_start3A_298 : memref<10000x128xf32, #tpu.memory_space<hbm>>) target(%arg11 : memref<80x128xf32, #tpu.memory_space<vmem>>) offsets(%dma_start3A_295 : memref<80xi32, #tpu.memory_space<vmem>>) semaphore(%arg15 : memref<!tpu.dma_semaphore, #tpu.memory_space<semaphore_mem>>)
        %sub3A_299 = arith.constant 2 : i32
        %sub3A_300 = arith.subi %add3A_284, %sub3A_299 : i32
        %dma_wait3A_301 = arith.constant 0 : i32
        %dma_wait3A_302 = tpu.memref_slice %arg7[%sub3A_300, %dma_wait3A_301] : memref<63x80xi32, #tpu.memory_space<vmem>> -> memref<1x80xi32, #tpu.memory_space<vmem>>
        %dma_wait3A_303 = tpu.memref_squeeze %dma_wait3A_302 : memref<1x80xi32, #tpu.memory_space<vmem>> -> memref<80xi32, #tpu.memory_space<vmem>>
        %dma_wait3A_304 = arith.constant 0 : i32
        %dma_wait3A_305 = arith.constant 0 : i32
        %dma_wait3A_306 = tpu.memref_slice %arg4[%dma_wait3A_304, %dma_wait3A_305] : memref<10000x128xf32, #tpu.memory_space<hbm>> -> memref<10000x128xf32, #tpu.memory_space<hbm>>
        tpu.wait_indirect_dma semaphore(%arg13 : memref<!tpu.dma_semaphore, #tpu.memory_space<semaphore_mem>>) src(%dma_wait3A_306 : memref<10000x128xf32, #tpu.memory_space<hbm>>) dst(%arg9 : memref<80x128xf32, #tpu.memory_space<vmem>>)
        %sub3A_307 = arith.constant 2 : i32
        %sub3A_308 = arith.subi %add3A_284, %sub3A_307 : i32
        %dma_start3A_309 = arith.constant 0 : i32
        %dma_start3A_310 = tpu.memref_slice %arg8[%sub3A_308, %dma_start3A_309] : memref<63x80xi32, #tpu.memory_space<vmem>> -> memref<1x80xi32, #tpu.memory_space<vmem>>
        %dma_start3A_311 = tpu.memref_squeeze %dma_start3A_310 : memref<1x80xi32, #tpu.memory_space<vmem>> -> memref<80xi32, #tpu.memory_space<vmem>>
        %dma_start3A_312 = arith.constant 0 : i32
        %dma_start3A_313 = arith.constant 0 : i32
        %dma_start3A_314 = tpu.memref_slice %arg12[%dma_start3A_312, %dma_start3A_313] : memref<10240x128xf32, #tpu.memory_space<vmem_shared>> -> memref<10240x128xf32, #tpu.memory_space<vmem_shared>>
        tpu.enqueue_indirect_dma source(%arg9 : memref<80x128xf32, #tpu.memory_space<vmem>>) target(%dma_start3A_314 : memref<10240x128xf32, #tpu.memory_space<vmem_shared>>) offsets(%dma_start3A_311 : memref<80xi32, #tpu.memory_space<vmem>>) semaphore(%arg16 : memref<!tpu.dma_semaphore, #tpu.memory_space<semaphore_mem>>) {add = true}
        %scan3A_315 = arith.constant 0 : i32
        scf.yield %scan3A_315 : i32
      }
      %scan3A_164 = arith.constant 20 : i32
      %dma_wait3A_165 = arith.constant 61 : i32
      %dma_wait3A_166 = arith.constant 0 : i32
      %dma_wait3A_167 = tpu.memref_slice %arg7[%dma_wait3A_165, %dma_wait3A_166] : memref<63x80xi32, #tpu.memory_space<vmem>> -> memref<1x80xi32, #tpu.memory_space<vmem>>
      %dma_wait3A_168 = tpu.memref_squeeze %dma_wait3A_167 : memref<1x80xi32, #tpu.memory_space<vmem>> -> memref<80xi32, #tpu.memory_space<vmem>>
      %dma_wait3A_169 = arith.constant 0 : i32
      %dma_wait3A_170 = arith.constant 0 : i32
      %dma_wait3A_171 = tpu.memref_slice %arg4[%dma_wait3A_169, %dma_wait3A_170] : memref<10000x128xf32, #tpu.memory_space<hbm>> -> memref<10000x128xf32, #tpu.memory_space<hbm>>
      tpu.wait_indirect_dma semaphore(%arg14 : memref<!tpu.dma_semaphore, #tpu.memory_space<semaphore_mem>>) src(%dma_wait3A_171 : memref<10000x128xf32, #tpu.memory_space<hbm>>) dst(%arg10 : memref<80x128xf32, #tpu.memory_space<vmem>>)
      %dma_start3A_172 = arith.constant 61 : i32
      %dma_start3A_173 = arith.constant 0 : i32
      %dma_start3A_174 = tpu.memref_slice %arg8[%dma_start3A_172, %dma_start3A_173] : memref<63x80xi32, #tpu.memory_space<vmem>> -> memref<1x80xi32, #tpu.memory_space<vmem>>
      %dma_start3A_175 = tpu.memref_squeeze %dma_start3A_174 : memref<1x80xi32, #tpu.memory_space<vmem>> -> memref<80xi32, #tpu.memory_space<vmem>>
      %dma_start3A_176 = arith.constant 0 : i32
      %dma_start3A_177 = arith.constant 0 : i32
      %dma_start3A_178 = tpu.memref_slice %arg12[%dma_start3A_176, %dma_start3A_177] : memref<10240x128xf32, #tpu.memory_space<vmem_shared>> -> memref<10240x128xf32, #tpu.memory_space<vmem_shared>>
      tpu.enqueue_indirect_dma source(%arg10 : memref<80x128xf32, #tpu.memory_space<vmem>>) target(%dma_start3A_178 : memref<10240x128xf32, #tpu.memory_space<vmem_shared>>) offsets(%dma_start3A_175 : memref<80xi32, #tpu.memory_space<vmem>>) semaphore(%arg17 : memref<!tpu.dma_semaphore, #tpu.memory_space<semaphore_mem>>) {add = true}
      %dma_wait3A_179 = arith.constant 62 : i32
      %dma_wait3A_180 = arith.constant 0 : i32
      %dma_wait3A_181 = tpu.memref_slice %arg7[%dma_wait3A_179, %dma_wait3A_180] : memref<63x80xi32, #tpu.memory_space<vmem>> -> memref<1x80xi32, #tpu.memory_space<vmem>>
      %dma_wait3A_182 = tpu.memref_squeeze %dma_wait3A_181 : memref<1x80xi32, #tpu.memory_space<vmem>> -> memref<80xi32, #tpu.memory_space<vmem>>
      %dma_wait3A_183 = arith.constant 0 : i32
      %dma_wait3A_184 = arith.constant 0 : i32
      %dma_wait3A_185 = tpu.memref_slice %arg4[%dma_wait3A_183, %dma_wait3A_184] : memref<10000x128xf32, #tpu.memory_space<hbm>> -> memref<10000x128xf32, #tpu.memory_space<hbm>>
      tpu.wait_indirect_dma semaphore(%arg15 : memref<!tpu.dma_semaphore, #tpu.memory_space<semaphore_mem>>) src(%dma_wait3A_185 : memref<10000x128xf32, #tpu.memory_space<hbm>>) dst(%arg11 : memref<80x128xf32, #tpu.memory_space<vmem>>)
      %dma_start3A_186 = arith.constant 62 : i32
      %dma_start3A_187 = arith.constant 0 : i32
      %dma_start3A_188 = tpu.memref_slice %arg8[%dma_start3A_186, %dma_start3A_187] : memref<63x80xi32, #tpu.memory_space<vmem>> -> memref<1x80xi32, #tpu.memory_space<vmem>>
      %dma_start3A_189 = tpu.memref_squeeze %dma_start3A_188 : memref<1x80xi32, #tpu.memory_space<vmem>> -> memref<80xi32, #tpu.memory_space<vmem>>
      %dma_start3A_190 = arith.constant 0 : i32
      %dma_start3A_191 = arith.constant 0 : i32
      %dma_start3A_192 = tpu.memref_slice %arg12[%dma_start3A_190, %dma_start3A_191] : memref<10240x128xf32, #tpu.memory_space<vmem_shared>> -> memref<10240x128xf32, #tpu.memory_space<vmem_shared>>
      tpu.enqueue_indirect_dma source(%arg11 : memref<80x128xf32, #tpu.memory_space<vmem>>) target(%dma_start3A_192 : memref<10240x128xf32, #tpu.memory_space<vmem_shared>>) offsets(%dma_start3A_189 : memref<80xi32, #tpu.memory_space<vmem>>) semaphore(%arg18 : memref<!tpu.dma_semaphore, #tpu.memory_space<semaphore_mem>>) {add = true}
      %dma_wait3A_193 = arith.constant 60 : i32
      %dma_wait3A_194 = arith.constant 0 : i32
      %dma_wait3A_195 = tpu.memref_slice %arg8[%dma_wait3A_193, %dma_wait3A_194] : memref<63x80xi32, #tpu.memory_space<vmem>> -> memref<1x80xi32, #tpu.memory_space<vmem>>
      %dma_wait3A_196 = tpu.memref_squeeze %dma_wait3A_195 : memref<1x80xi32, #tpu.memory_space<vmem>> -> memref<80xi32, #tpu.memory_space<vmem>>
      %dma_wait3A_197 = arith.constant 0 : i32
      %dma_wait3A_198 = arith.constant 0 : i32
      %dma_wait3A_199 = tpu.memref_slice %arg12[%dma_wait3A_197, %dma_wait3A_198] : memref<10240x128xf32, #tpu.memory_space<vmem_shared>> -> memref<10240x128xf32, #tpu.memory_space<vmem_shared>>
      tpu.wait_indirect_dma semaphore(%arg16 : memref<!tpu.dma_semaphore, #tpu.memory_space<semaphore_mem>>) src(%arg9 : memref<80x128xf32, #tpu.memory_space<vmem>>) dst(%dma_wait3A_199 : memref<10240x128xf32, #tpu.memory_space<vmem_shared>>)
      %dma_wait3A_200 = arith.constant 61 : i32
      %dma_wait3A_201 = arith.constant 0 : i32
      %dma_wait3A_202 = tpu.memref_slice %arg8[%dma_wait3A_200, %dma_wait3A_201] : memref<63x80xi32, #tpu.memory_space<vmem>> -> memref<1x80xi32, #tpu.memory_space<vmem>>
      %dma_wait3A_203 = tpu.memref_squeeze %dma_wait3A_202 : memref<1x80xi32, #tpu.memory_space<vmem>> -> memref<80xi32, #tpu.memory_space<vmem>>
      %dma_wait3A_204 = arith.constant 0 : i32
      %dma_wait3A_205 = arith.constant 0 : i32
      %dma_wait3A_206 = tpu.memref_slice %arg12[%dma_wait3A_204, %dma_wait3A_205] : memref<10240x128xf32, #tpu.memory_space<vmem_shared>> -> memref<10240x128xf32, #tpu.memory_space<vmem_shared>>
      tpu.wait_indirect_dma semaphore(%arg17 : memref<!tpu.dma_semaphore, #tpu.memory_space<semaphore_mem>>) src(%arg10 : memref<80x128xf32, #tpu.memory_space<vmem>>) dst(%dma_wait3A_206 : memref<10240x128xf32, #tpu.memory_space<vmem_shared>>)
      %dma_wait3A_207 = arith.constant 62 : i32
      %dma_wait3A_208 = arith.constant 0 : i32
      %dma_wait3A_209 = tpu.memref_slice %arg8[%dma_wait3A_207, %dma_wait3A_208] : memref<63x80xi32, #tpu.memory_space<vmem>> -> memref<1x80xi32, #tpu.memory_space<vmem>>
      %dma_wait3A_210 = tpu.memref_squeeze %dma_wait3A_209 : memref<1x80xi32, #tpu.memory_space<vmem>> -> memref<80xi32, #tpu.memory_space<vmem>>
      %dma_wait3A_211 = arith.constant 0 : i32
      %dma_wait3A_212 = arith.constant 0 : i32
      %dma_wait3A_213 = tpu.memref_slice %arg12[%dma_wait3A_211, %dma_wait3A_212] : memref<10240x128xf32, #tpu.memory_space<vmem_shared>> -> memref<10240x128xf32, #tpu.memory_space<vmem_shared>>
      tpu.wait_indirect_dma semaphore(%arg18 : memref<!tpu.dma_semaphore, #tpu.memory_space<semaphore_mem>>) src(%arg11 : memref<80x128xf32, #tpu.memory_space<vmem>>) dst(%dma_wait3A_213 : memref<10240x128xf32, #tpu.memory_space<vmem_shared>>)
    } else {
    }
    %eq3A_15 = arith.constant 1 : i32
    %eq3A_16 = arith.cmpi eq, %arg0, %eq3A_15 : i32
    %convert_element_type3A_17 = arith.extui %eq3A_16 : i1 to i32
    %cond3A_18 = arith.constant 0 : i32
    %cond3A_19 = arith.cmpi ne, %convert_element_type3A_17, %cond3A_18 : i32
    scf.if %cond3A_19 {
      %mul3A = arith.constant 2 : i32
      %mul3A_28 = arith.muli %mul3A, %arg1 : i32
      %add3A = arith.constant 0 : i32
      %add3A_29 = arith.addi %mul3A_28, %add3A : i32
      "tpu.region"() ({
        %run_scoped3A = tpu.sem_alloc : memref<!tpu.dma_semaphore, #tpu.memory_space<semaphore_mem>>
        %dma_start3A_214 = arith.constant 0 : i32
        %dma_start3A_215 = arith.constant 0 : i32
        %dma_start3A_216 = tpu.memref_slice %arg2[%add3A_29, %dma_start3A_214, %dma_start3A_215] : memref<32x63x80xi32, #tpu.memory_space<hbm>> -> memref<1x63x80xi32, #tpu.memory_space<hbm>>
        %dma_start3A_217 = tpu.memref_squeeze %dma_start3A_216 : memref<1x63x80xi32, #tpu.memory_space<hbm>> -> memref<63x80xi32, #tpu.memory_space<hbm>>
        %dma_start3A_218 = arith.constant 0 : i32
        %dma_start3A_219 = arith.constant 0 : i32
        %dma_start3A_220 = tpu.memref_slice %arg2[%add3A_29, %dma_start3A_218, %dma_start3A_219] : memref<32x63x80xi32, #tpu.memory_space<hbm>> -> memref<1x63x80xi32, #tpu.memory_space<hbm>>
        %dma_start3A_221 = tpu.memref_squeeze %dma_start3A_220 : memref<1x63x80xi32, #tpu.memory_space<hbm>> -> memref<63x80xi32, #tpu.memory_space<hbm>>
        tpu.enqueue_dma source(%dma_start3A_221 : memref<63x80xi32, #tpu.memory_space<hbm>>) target(%arg7 : memref<63x80xi32, #tpu.memory_space<vmem>>) target_semaphore(%run_scoped3A : memref<!tpu.dma_semaphore, #tpu.memory_space<semaphore_mem>>)
        %dma_wait3A_222 = arith.constant 0 : i32
        %dma_wait3A_223 = arith.constant 0 : i32
        %dma_wait3A_224 = tpu.memref_slice %arg2[%add3A_29, %dma_wait3A_222, %dma_wait3A_223] : memref<32x63x80xi32, #tpu.memory_space<hbm>> -> memref<1x63x80xi32, #tpu.memory_space<hbm>>
        %dma_wait3A_225 = tpu.memref_squeeze %dma_wait3A_224 : memref<1x63x80xi32, #tpu.memory_space<hbm>> -> memref<63x80xi32, #tpu.memory_space<hbm>>
        %dma_wait3A_226 = arith.constant 0 : i32
        %dma_wait3A_227 = arith.constant 0 : i32
        %dma_wait3A_228 = tpu.memref_slice %arg2[%add3A_29, %dma_wait3A_226, %dma_wait3A_227] : memref<32x63x80xi32, #tpu.memory_space<hbm>> -> memref<1x63x80xi32, #tpu.memory_space<hbm>>
        %dma_wait3A_229 = tpu.memref_squeeze %dma_wait3A_228 : memref<1x63x80xi32, #tpu.memory_space<hbm>> -> memref<63x80xi32, #tpu.memory_space<hbm>>
        tpu.wait_dma2 semaphore(%run_scoped3A : memref<!tpu.dma_semaphore, #tpu.memory_space<semaphore_mem>>) src(%dma_wait3A_229 : memref<63x80xi32, #tpu.memory_space<hbm>>) dst(%arg7 : memref<63x80xi32, #tpu.memory_space<vmem>>)
        tpu.yield
      }) : () -> ()
      "tpu.region"() ({
        %run_scoped3A = tpu.sem_alloc : memref<!tpu.dma_semaphore, #tpu.memory_space<semaphore_mem>>
        %dma_start3A_214 = arith.constant 0 : i32
        %dma_start3A_215 = arith.constant 0 : i32
        %dma_start3A_216 = tpu.memref_slice %arg3[%add3A_29, %dma_start3A_214, %dma_start3A_215] : memref<32x63x80xi32, #tpu.memory_space<hbm>> -> memref<1x63x80xi32, #tpu.memory_space<hbm>>
        %dma_start3A_217 = tpu.memref_squeeze %dma_start3A_216 : memref<1x63x80xi32, #tpu.memory_space<hbm>> -> memref<63x80xi32, #tpu.memory_space<hbm>>
        %dma_start3A_218 = arith.constant 0 : i32
        %dma_start3A_219 = arith.constant 0 : i32
        %dma_start3A_220 = tpu.memref_slice %arg3[%add3A_29, %dma_start3A_218, %dma_start3A_219] : memref<32x63x80xi32, #tpu.memory_space<hbm>> -> memref<1x63x80xi32, #tpu.memory_space<hbm>>
        %dma_start3A_221 = tpu.memref_squeeze %dma_start3A_220 : memref<1x63x80xi32, #tpu.memory_space<hbm>> -> memref<63x80xi32, #tpu.memory_space<hbm>>
        tpu.enqueue_dma source(%dma_start3A_221 : memref<63x80xi32, #tpu.memory_space<hbm>>) target(%arg8 : memref<63x80xi32, #tpu.memory_space<vmem>>) target_semaphore(%run_scoped3A : memref<!tpu.dma_semaphore, #tpu.memory_space<semaphore_mem>>)
        %dma_wait3A_222 = arith.constant 0 : i32
        %dma_wait3A_223 = arith.constant 0 : i32
        %dma_wait3A_224 = tpu.memref_slice %arg3[%add3A_29, %dma_wait3A_222, %dma_wait3A_223] : memref<32x63x80xi32, #tpu.memory_space<hbm>> -> memref<1x63x80xi32, #tpu.memory_space<hbm>>
        %dma_wait3A_225 = tpu.memref_squeeze %dma_wait3A_224 : memref<1x63x80xi32, #tpu.memory_space<hbm>> -> memref<63x80xi32, #tpu.memory_space<hbm>>
        %dma_wait3A_226 = arith.constant 0 : i32
        %dma_wait3A_227 = arith.constant 0 : i32
        %dma_wait3A_228 = tpu.memref_slice %arg3[%add3A_29, %dma_wait3A_226, %dma_wait3A_227] : memref<32x63x80xi32, #tpu.memory_space<hbm>> -> memref<1x63x80xi32, #tpu.memory_space<hbm>>
        %dma_wait3A_229 = tpu.memref_squeeze %dma_wait3A_228 : memref<1x63x80xi32, #tpu.memory_space<hbm>> -> memref<63x80xi32, #tpu.memory_space<hbm>>
        tpu.wait_dma2 semaphore(%run_scoped3A : memref<!tpu.dma_semaphore, #tpu.memory_space<semaphore_mem>>) src(%dma_wait3A_229 : memref<63x80xi32, #tpu.memory_space<hbm>>) dst(%arg8 : memref<63x80xi32, #tpu.memory_space<vmem>>)
        tpu.yield
      }) : () -> ()
      %dma_start3A = arith.constant 0 : i32
      %dma_start3A_30 = arith.constant 0 : i32
      %dma_start3A_31 = tpu.memref_slice %arg7[%dma_start3A, %dma_start3A_30] : memref<63x80xi32, #tpu.memory_space<vmem>> -> memref<1x80xi32, #tpu.memory_space<vmem>>
      %dma_start3A_32 = tpu.memref_squeeze %dma_start3A_31 : memref<1x80xi32, #tpu.memory_space<vmem>> -> memref<80xi32, #tpu.memory_space<vmem>>
      %dma_start3A_33 = arith.constant 0 : i32
      %dma_start3A_34 = arith.constant 0 : i32
      %dma_start3A_35 = tpu.memref_slice %arg5[%dma_start3A_33, %dma_start3A_34] : memref<10000x128xf32, #tpu.memory_space<hbm>> -> memref<10000x128xf32, #tpu.memory_space<hbm>>
      tpu.enqueue_indirect_dma source(%dma_start3A_35 : memref<10000x128xf32, #tpu.memory_space<hbm>>) target(%arg9 : memref<80x128xf32, #tpu.memory_space<vmem>>) offsets(%dma_start3A_32 : memref<80xi32, #tpu.memory_space<vmem>>) semaphore(%arg13 : memref<!tpu.dma_semaphore, #tpu.memory_space<semaphore_mem>>)
      %dma_start3A_36 = arith.constant 1 : i32
      %dma_start3A_37 = arith.constant 0 : i32
      %dma_start3A_38 = tpu.memref_slice %arg7[%dma_start3A_36, %dma_start3A_37] : memref<63x80xi32, #tpu.memory_space<vmem>> -> memref<1x80xi32, #tpu.memory_space<vmem>>
      %dma_start3A_39 = tpu.memref_squeeze %dma_start3A_38 : memref<1x80xi32, #tpu.memory_space<vmem>> -> memref<80xi32, #tpu.memory_space<vmem>>
      %dma_start3A_40 = arith.constant 0 : i32
      %dma_start3A_41 = arith.constant 0 : i32
      %dma_start3A_42 = tpu.memref_slice %arg5[%dma_start3A_40, %dma_start3A_41] : memref<10000x128xf32, #tpu.memory_space<hbm>> -> memref<10000x128xf32, #tpu.memory_space<hbm>>
      tpu.enqueue_indirect_dma source(%dma_start3A_42 : memref<10000x128xf32, #tpu.memory_space<hbm>>) target(%arg10 : memref<80x128xf32, #tpu.memory_space<vmem>>) offsets(%dma_start3A_39 : memref<80xi32, #tpu.memory_space<vmem>>) semaphore(%arg14 : memref<!tpu.dma_semaphore, #tpu.memory_space<semaphore_mem>>)
      %dma_start3A_43 = arith.constant 2 : i32
      %dma_start3A_44 = arith.constant 0 : i32
      %dma_start3A_45 = tpu.memref_slice %arg7[%dma_start3A_43, %dma_start3A_44] : memref<63x80xi32, #tpu.memory_space<vmem>> -> memref<1x80xi32, #tpu.memory_space<vmem>>
      %dma_start3A_46 = tpu.memref_squeeze %dma_start3A_45 : memref<1x80xi32, #tpu.memory_space<vmem>> -> memref<80xi32, #tpu.memory_space<vmem>>
      %dma_start3A_47 = arith.constant 0 : i32
      %dma_start3A_48 = arith.constant 0 : i32
      %dma_start3A_49 = tpu.memref_slice %arg5[%dma_start3A_47, %dma_start3A_48] : memref<10000x128xf32, #tpu.memory_space<hbm>> -> memref<10000x128xf32, #tpu.memory_space<hbm>>
      tpu.enqueue_indirect_dma source(%dma_start3A_49 : memref<10000x128xf32, #tpu.memory_space<hbm>>) target(%arg11 : memref<80x128xf32, #tpu.memory_space<vmem>>) offsets(%dma_start3A_46 : memref<80xi32, #tpu.memory_space<vmem>>) semaphore(%arg15 : memref<!tpu.dma_semaphore, #tpu.memory_space<semaphore_mem>>)
      %dma_wait3A = arith.constant 0 : i32
      %dma_wait3A_50 = arith.constant 0 : i32
      %dma_wait3A_51 = tpu.memref_slice %arg7[%dma_wait3A, %dma_wait3A_50] : memref<63x80xi32, #tpu.memory_space<vmem>> -> memref<1x80xi32, #tpu.memory_space<vmem>>
      %dma_wait3A_52 = tpu.memref_squeeze %dma_wait3A_51 : memref<1x80xi32, #tpu.memory_space<vmem>> -> memref<80xi32, #tpu.memory_space<vmem>>
      %dma_wait3A_53 = arith.constant 0 : i32
      %dma_wait3A_54 = arith.constant 0 : i32
      %dma_wait3A_55 = tpu.memref_slice %arg5[%dma_wait3A_53, %dma_wait3A_54] : memref<10000x128xf32, #tpu.memory_space<hbm>> -> memref<10000x128xf32, #tpu.memory_space<hbm>>
      tpu.wait_indirect_dma semaphore(%arg13 : memref<!tpu.dma_semaphore, #tpu.memory_space<semaphore_mem>>) src(%dma_wait3A_55 : memref<10000x128xf32, #tpu.memory_space<hbm>>) dst(%arg9 : memref<80x128xf32, #tpu.memory_space<vmem>>)
      %dma_start3A_56 = arith.constant 0 : i32
      %dma_start3A_57 = arith.constant 0 : i32
      %dma_start3A_58 = tpu.memref_slice %arg8[%dma_start3A_56, %dma_start3A_57] : memref<63x80xi32, #tpu.memory_space<vmem>> -> memref<1x80xi32, #tpu.memory_space<vmem>>
      %dma_start3A_59 = tpu.memref_squeeze %dma_start3A_58 : memref<1x80xi32, #tpu.memory_space<vmem>> -> memref<80xi32, #tpu.memory_space<vmem>>
      %dma_start3A_60 = arith.constant 0 : i32
      %dma_start3A_61 = arith.constant 0 : i32
      %dma_start3A_62 = tpu.memref_slice %arg12[%dma_start3A_60, %dma_start3A_61] : memref<10240x128xf32, #tpu.memory_space<vmem_shared>> -> memref<10240x128xf32, #tpu.memory_space<vmem_shared>>
      tpu.enqueue_indirect_dma source(%arg9 : memref<80x128xf32, #tpu.memory_space<vmem>>) target(%dma_start3A_62 : memref<10240x128xf32, #tpu.memory_space<vmem_shared>>) offsets(%dma_start3A_59 : memref<80xi32, #tpu.memory_space<vmem>>) semaphore(%arg16 : memref<!tpu.dma_semaphore, #tpu.memory_space<semaphore_mem>>) {add = true}
      %scan3A_63 = arith.constant 0 : i32
      %scan3A_64 = arith.constant 1 : i32
      %scan3A_65 = arith.constant 20 : i32
      %scan3A_66 = arith.addi %scan3A_64, %scan3A_65 : i32
      %scan3A_67 = arith.constant 1 : i32
      %scan3A_68 = scf.for %scan3A_214 = %scan3A_64 to %scan3A_66 step %scan3A_67 iter_args(%scan3A_215 = %scan3A_63) -> (i32)  : i32 {
        %mul3A_216 = arith.constant 3 : i32
        %mul3A_217 = arith.muli %mul3A_216, %scan3A_214 : i32
        %sub3A = arith.constant 3 : i32
        %sub3A_218 = arith.subi %mul3A_217, %sub3A : i32
        %dma_wait3A_219 = arith.constant 0 : i32
        %dma_wait3A_220 = tpu.memref_slice %arg8[%sub3A_218, %dma_wait3A_219] : memref<63x80xi32, #tpu.memory_space<vmem>> -> memref<1x80xi32, #tpu.memory_space<vmem>>
        %dma_wait3A_221 = tpu.memref_squeeze %dma_wait3A_220 : memref<1x80xi32, #tpu.memory_space<vmem>> -> memref<80xi32, #tpu.memory_space<vmem>>
        %dma_wait3A_222 = arith.constant 0 : i32
        %dma_wait3A_223 = arith.constant 0 : i32
        %dma_wait3A_224 = tpu.memref_slice %arg12[%dma_wait3A_222, %dma_wait3A_223] : memref<10240x128xf32, #tpu.memory_space<vmem_shared>> -> memref<10240x128xf32, #tpu.memory_space<vmem_shared>>
        tpu.wait_indirect_dma semaphore(%arg16 : memref<!tpu.dma_semaphore, #tpu.memory_space<semaphore_mem>>) src(%arg9 : memref<80x128xf32, #tpu.memory_space<vmem>>) dst(%dma_wait3A_224 : memref<10240x128xf32, #tpu.memory_space<vmem_shared>>)
        %dma_start3A_225 = arith.constant 0 : i32
        %dma_start3A_226 = tpu.memref_slice %arg7[%mul3A_217, %dma_start3A_225] : memref<63x80xi32, #tpu.memory_space<vmem>> -> memref<1x80xi32, #tpu.memory_space<vmem>>
        %dma_start3A_227 = tpu.memref_squeeze %dma_start3A_226 : memref<1x80xi32, #tpu.memory_space<vmem>> -> memref<80xi32, #tpu.memory_space<vmem>>
        %dma_start3A_228 = arith.constant 0 : i32
        %dma_start3A_229 = arith.constant 0 : i32
        %dma_start3A_230 = tpu.memref_slice %arg5[%dma_start3A_228, %dma_start3A_229] : memref<10000x128xf32, #tpu.memory_space<hbm>> -> memref<10000x128xf32, #tpu.memory_space<hbm>>
        tpu.enqueue_indirect_dma source(%dma_start3A_230 : memref<10000x128xf32, #tpu.memory_space<hbm>>) target(%arg9 : memref<80x128xf32, #tpu.memory_space<vmem>>) offsets(%dma_start3A_227 : memref<80xi32, #tpu.memory_space<vmem>>) semaphore(%arg13 : memref<!tpu.dma_semaphore, #tpu.memory_space<semaphore_mem>>)
        %sub3A_231 = arith.constant 2 : i32
        %sub3A_232 = arith.subi %mul3A_217, %sub3A_231 : i32
        %dma_wait3A_233 = arith.constant 0 : i32
        %dma_wait3A_234 = tpu.memref_slice %arg7[%sub3A_232, %dma_wait3A_233] : memref<63x80xi32, #tpu.memory_space<vmem>> -> memref<1x80xi32, #tpu.memory_space<vmem>>
        %dma_wait3A_235 = tpu.memref_squeeze %dma_wait3A_234 : memref<1x80xi32, #tpu.memory_space<vmem>> -> memref<80xi32, #tpu.memory_space<vmem>>
        %dma_wait3A_236 = arith.constant 0 : i32
        %dma_wait3A_237 = arith.constant 0 : i32
        %dma_wait3A_238 = tpu.memref_slice %arg5[%dma_wait3A_236, %dma_wait3A_237] : memref<10000x128xf32, #tpu.memory_space<hbm>> -> memref<10000x128xf32, #tpu.memory_space<hbm>>
        tpu.wait_indirect_dma semaphore(%arg14 : memref<!tpu.dma_semaphore, #tpu.memory_space<semaphore_mem>>) src(%dma_wait3A_238 : memref<10000x128xf32, #tpu.memory_space<hbm>>) dst(%arg10 : memref<80x128xf32, #tpu.memory_space<vmem>>)
        %sub3A_239 = arith.constant 2 : i32
        %sub3A_240 = arith.subi %mul3A_217, %sub3A_239 : i32
        %dma_start3A_241 = arith.constant 0 : i32
        %dma_start3A_242 = tpu.memref_slice %arg8[%sub3A_240, %dma_start3A_241] : memref<63x80xi32, #tpu.memory_space<vmem>> -> memref<1x80xi32, #tpu.memory_space<vmem>>
        %dma_start3A_243 = tpu.memref_squeeze %dma_start3A_242 : memref<1x80xi32, #tpu.memory_space<vmem>> -> memref<80xi32, #tpu.memory_space<vmem>>
        %dma_start3A_244 = arith.constant 0 : i32
        %dma_start3A_245 = arith.constant 0 : i32
        %dma_start3A_246 = tpu.memref_slice %arg12[%dma_start3A_244, %dma_start3A_245] : memref<10240x128xf32, #tpu.memory_space<vmem_shared>> -> memref<10240x128xf32, #tpu.memory_space<vmem_shared>>
        tpu.enqueue_indirect_dma source(%arg10 : memref<80x128xf32, #tpu.memory_space<vmem>>) target(%dma_start3A_246 : memref<10240x128xf32, #tpu.memory_space<vmem_shared>>) offsets(%dma_start3A_243 : memref<80xi32, #tpu.memory_space<vmem>>) semaphore(%arg17 : memref<!tpu.dma_semaphore, #tpu.memory_space<semaphore_mem>>) {add = true}
        %mul3A_247 = arith.constant 3 : i32
        %mul3A_248 = arith.muli %mul3A_247, %scan3A_214 : i32
        %add3A_249 = arith.constant 1 : i32
        %add3A_250 = arith.addi %mul3A_248, %add3A_249 : i32
        %sub3A_251 = arith.constant 3 : i32
        %sub3A_252 = arith.subi %add3A_250, %sub3A_251 : i32
        %dma_wait3A_253 = arith.constant 0 : i32
        %dma_wait3A_254 = tpu.memref_slice %arg8[%sub3A_252, %dma_wait3A_253] : memref<63x80xi32, #tpu.memory_space<vmem>> -> memref<1x80xi32, #tpu.memory_space<vmem>>
        %dma_wait3A_255 = tpu.memref_squeeze %dma_wait3A_254 : memref<1x80xi32, #tpu.memory_space<vmem>> -> memref<80xi32, #tpu.memory_space<vmem>>
        %dma_wait3A_256 = arith.constant 0 : i32
        %dma_wait3A_257 = arith.constant 0 : i32
        %dma_wait3A_258 = tpu.memref_slice %arg12[%dma_wait3A_256, %dma_wait3A_257] : memref<10240x128xf32, #tpu.memory_space<vmem_shared>> -> memref<10240x128xf32, #tpu.memory_space<vmem_shared>>
        tpu.wait_indirect_dma semaphore(%arg17 : memref<!tpu.dma_semaphore, #tpu.memory_space<semaphore_mem>>) src(%arg10 : memref<80x128xf32, #tpu.memory_space<vmem>>) dst(%dma_wait3A_258 : memref<10240x128xf32, #tpu.memory_space<vmem_shared>>)
        %dma_start3A_259 = arith.constant 0 : i32
        %dma_start3A_260 = tpu.memref_slice %arg7[%add3A_250, %dma_start3A_259] : memref<63x80xi32, #tpu.memory_space<vmem>> -> memref<1x80xi32, #tpu.memory_space<vmem>>
        %dma_start3A_261 = tpu.memref_squeeze %dma_start3A_260 : memref<1x80xi32, #tpu.memory_space<vmem>> -> memref<80xi32, #tpu.memory_space<vmem>>
        %dma_start3A_262 = arith.constant 0 : i32
        %dma_start3A_263 = arith.constant 0 : i32
        %dma_start3A_264 = tpu.memref_slice %arg5[%dma_start3A_262, %dma_start3A_263] : memref<10000x128xf32, #tpu.memory_space<hbm>> -> memref<10000x128xf32, #tpu.memory_space<hbm>>
        tpu.enqueue_indirect_dma source(%dma_start3A_264 : memref<10000x128xf32, #tpu.memory_space<hbm>>) target(%arg10 : memref<80x128xf32, #tpu.memory_space<vmem>>) offsets(%dma_start3A_261 : memref<80xi32, #tpu.memory_space<vmem>>) semaphore(%arg14 : memref<!tpu.dma_semaphore, #tpu.memory_space<semaphore_mem>>)
        %sub3A_265 = arith.constant 2 : i32
        %sub3A_266 = arith.subi %add3A_250, %sub3A_265 : i32
        %dma_wait3A_267 = arith.constant 0 : i32
        %dma_wait3A_268 = tpu.memref_slice %arg7[%sub3A_266, %dma_wait3A_267] : memref<63x80xi32, #tpu.memory_space<vmem>> -> memref<1x80xi32, #tpu.memory_space<vmem>>
        %dma_wait3A_269 = tpu.memref_squeeze %dma_wait3A_268 : memref<1x80xi32, #tpu.memory_space<vmem>> -> memref<80xi32, #tpu.memory_space<vmem>>
        %dma_wait3A_270 = arith.constant 0 : i32
        %dma_wait3A_271 = arith.constant 0 : i32
        %dma_wait3A_272 = tpu.memref_slice %arg5[%dma_wait3A_270, %dma_wait3A_271] : memref<10000x128xf32, #tpu.memory_space<hbm>> -> memref<10000x128xf32, #tpu.memory_space<hbm>>
        tpu.wait_indirect_dma semaphore(%arg15 : memref<!tpu.dma_semaphore, #tpu.memory_space<semaphore_mem>>) src(%dma_wait3A_272 : memref<10000x128xf32, #tpu.memory_space<hbm>>) dst(%arg11 : memref<80x128xf32, #tpu.memory_space<vmem>>)
        %sub3A_273 = arith.constant 2 : i32
        %sub3A_274 = arith.subi %add3A_250, %sub3A_273 : i32
        %dma_start3A_275 = arith.constant 0 : i32
        %dma_start3A_276 = tpu.memref_slice %arg8[%sub3A_274, %dma_start3A_275] : memref<63x80xi32, #tpu.memory_space<vmem>> -> memref<1x80xi32, #tpu.memory_space<vmem>>
        %dma_start3A_277 = tpu.memref_squeeze %dma_start3A_276 : memref<1x80xi32, #tpu.memory_space<vmem>> -> memref<80xi32, #tpu.memory_space<vmem>>
        %dma_start3A_278 = arith.constant 0 : i32
        %dma_start3A_279 = arith.constant 0 : i32
        %dma_start3A_280 = tpu.memref_slice %arg12[%dma_start3A_278, %dma_start3A_279] : memref<10240x128xf32, #tpu.memory_space<vmem_shared>> -> memref<10240x128xf32, #tpu.memory_space<vmem_shared>>
        tpu.enqueue_indirect_dma source(%arg11 : memref<80x128xf32, #tpu.memory_space<vmem>>) target(%dma_start3A_280 : memref<10240x128xf32, #tpu.memory_space<vmem_shared>>) offsets(%dma_start3A_277 : memref<80xi32, #tpu.memory_space<vmem>>) semaphore(%arg18 : memref<!tpu.dma_semaphore, #tpu.memory_space<semaphore_mem>>) {add = true}
        %mul3A_281 = arith.constant 3 : i32
        %mul3A_282 = arith.muli %mul3A_281, %scan3A_214 : i32
        %add3A_283 = arith.constant 2 : i32
        %add3A_284 = arith.addi %mul3A_282, %add3A_283 : i32
        %sub3A_285 = arith.constant 3 : i32
        %sub3A_286 = arith.subi %add3A_284, %sub3A_285 : i32
        %dma_wait3A_287 = arith.constant 0 : i32
        %dma_wait3A_288 = tpu.memref_slice %arg8[%sub3A_286, %dma_wait3A_287] : memref<63x80xi32, #tpu.memory_space<vmem>> -> memref<1x80xi32, #tpu.memory_space<vmem>>
        %dma_wait3A_289 = tpu.memref_squeeze %dma_wait3A_288 : memref<1x80xi32, #tpu.memory_space<vmem>> -> memref<80xi32, #tpu.memory_space<vmem>>
        %dma_wait3A_290 = arith.constant 0 : i32
        %dma_wait3A_291 = arith.constant 0 : i32
        %dma_wait3A_292 = tpu.memref_slice %arg12[%dma_wait3A_290, %dma_wait3A_291] : memref<10240x128xf32, #tpu.memory_space<vmem_shared>> -> memref<10240x128xf32, #tpu.memory_space<vmem_shared>>
        tpu.wait_indirect_dma semaphore(%arg18 : memref<!tpu.dma_semaphore, #tpu.memory_space<semaphore_mem>>) src(%arg11 : memref<80x128xf32, #tpu.memory_space<vmem>>) dst(%dma_wait3A_292 : memref<10240x128xf32, #tpu.memory_space<vmem_shared>>)
        %dma_start3A_293 = arith.constant 0 : i32
        %dma_start3A_294 = tpu.memref_slice %arg7[%add3A_284, %dma_start3A_293] : memref<63x80xi32, #tpu.memory_space<vmem>> -> memref<1x80xi32, #tpu.memory_space<vmem>>
        %dma_start3A_295 = tpu.memref_squeeze %dma_start3A_294 : memref<1x80xi32, #tpu.memory_space<vmem>> -> memref<80xi32, #tpu.memory_space<vmem>>
        %dma_start3A_296 = arith.constant 0 : i32
        %dma_start3A_297 = arith.constant 0 : i32
        %dma_start3A_298 = tpu.memref_slice %arg5[%dma_start3A_296, %dma_start3A_297] : memref<10000x128xf32, #tpu.memory_space<hbm>> -> memref<10000x128xf32, #tpu.memory_space<hbm>>
        tpu.enqueue_indirect_dma source(%dma_start3A_298 : memref<10000x128xf32, #tpu.memory_space<hbm>>) target(%arg11 : memref<80x128xf32, #tpu.memory_space<vmem>>) offsets(%dma_start3A_295 : memref<80xi32, #tpu.memory_space<vmem>>) semaphore(%arg15 : memref<!tpu.dma_semaphore, #tpu.memory_space<semaphore_mem>>)
        %sub3A_299 = arith.constant 2 : i32
        %sub3A_300 = arith.subi %add3A_284, %sub3A_299 : i32
        %dma_wait3A_301 = arith.constant 0 : i32
        %dma_wait3A_302 = tpu.memref_slice %arg7[%sub3A_300, %dma_wait3A_301] : memref<63x80xi32, #tpu.memory_space<vmem>> -> memref<1x80xi32, #tpu.memory_space<vmem>>
        %dma_wait3A_303 = tpu.memref_squeeze %dma_wait3A_302 : memref<1x80xi32, #tpu.memory_space<vmem>> -> memref<80xi32, #tpu.memory_space<vmem>>
        %dma_wait3A_304 = arith.constant 0 : i32
        %dma_wait3A_305 = arith.constant 0 : i32
        %dma_wait3A_306 = tpu.memref_slice %arg5[%dma_wait3A_304, %dma_wait3A_305] : memref<10000x128xf32, #tpu.memory_space<hbm>> -> memref<10000x128xf32, #tpu.memory_space<hbm>>
        tpu.wait_indirect_dma semaphore(%arg13 : memref<!tpu.dma_semaphore, #tpu.memory_space<semaphore_mem>>) src(%dma_wait3A_306 : memref<10000x128xf32, #tpu.memory_space<hbm>>) dst(%arg9 : memref<80x128xf32, #tpu.memory_space<vmem>>)
        %sub3A_307 = arith.constant 2 : i32
        %sub3A_308 = arith.subi %add3A_284, %sub3A_307 : i32
        %dma_start3A_309 = arith.constant 0 : i32
        %dma_start3A_310 = tpu.memref_slice %arg8[%sub3A_308, %dma_start3A_309] : memref<63x80xi32, #tpu.memory_space<vmem>> -> memref<1x80xi32, #tpu.memory_space<vmem>>
        %dma_start3A_311 = tpu.memref_squeeze %dma_start3A_310 : memref<1x80xi32, #tpu.memory_space<vmem>> -> memref<80xi32, #tpu.memory_space<vmem>>
        %dma_start3A_312 = arith.constant 0 : i32
        %dma_start3A_313 = arith.constant 0 : i32
        %dma_start3A_314 = tpu.memref_slice %arg12[%dma_start3A_312, %dma_start3A_313] : memref<10240x128xf32, #tpu.memory_space<vmem_shared>> -> memref<10240x128xf32, #tpu.memory_space<vmem_shared>>
        tpu.enqueue_indirect_dma source(%arg9 : memref<80x128xf32, #tpu.memory_space<vmem>>) target(%dma_start3A_314 : memref<10240x128xf32, #tpu.memory_space<vmem_shared>>) offsets(%dma_start3A_311 : memref<80xi32, #tpu.memory_space<vmem>>) semaphore(%arg16 : memref<!tpu.dma_semaphore, #tpu.memory_space<semaphore_mem>>) {add = true}
        %scan3A_315 = arith.constant 0 : i32
        scf.yield %scan3A_315 : i32
      }
      %scan3A_69 = arith.constant 20 : i32
      %dma_wait3A_70 = arith.constant 61 : i32
      %dma_wait3A_71 = arith.constant 0 : i32
      %dma_wait3A_72 = tpu.memref_slice %arg7[%dma_wait3A_70, %dma_wait3A_71] : memref<63x80xi32, #tpu.memory_space<vmem>> -> memref<1x80xi32, #tpu.memory_space<vmem>>
      %dma_wait3A_73 = tpu.memref_squeeze %dma_wait3A_72 : memref<1x80xi32, #tpu.memory_space<vmem>> -> memref<80xi32, #tpu.memory_space<vmem>>
      %dma_wait3A_74 = arith.constant 0 : i32
      %dma_wait3A_75 = arith.constant 0 : i32
      %dma_wait3A_76 = tpu.memref_slice %arg5[%dma_wait3A_74, %dma_wait3A_75] : memref<10000x128xf32, #tpu.memory_space<hbm>> -> memref<10000x128xf32, #tpu.memory_space<hbm>>
      tpu.wait_indirect_dma semaphore(%arg14 : memref<!tpu.dma_semaphore, #tpu.memory_space<semaphore_mem>>) src(%dma_wait3A_76 : memref<10000x128xf32, #tpu.memory_space<hbm>>) dst(%arg10 : memref<80x128xf32, #tpu.memory_space<vmem>>)
      %dma_start3A_77 = arith.constant 61 : i32
      %dma_start3A_78 = arith.constant 0 : i32
      %dma_start3A_79 = tpu.memref_slice %arg8[%dma_start3A_77, %dma_start3A_78] : memref<63x80xi32, #tpu.memory_space<vmem>> -> memref<1x80xi32, #tpu.memory_space<vmem>>
      %dma_start3A_80 = tpu.memref_squeeze %dma_start3A_79 : memref<1x80xi32, #tpu.memory_space<vmem>> -> memref<80xi32, #tpu.memory_space<vmem>>
      %dma_start3A_81 = arith.constant 0 : i32
      %dma_start3A_82 = arith.constant 0 : i32
      %dma_start3A_83 = tpu.memref_slice %arg12[%dma_start3A_81, %dma_start3A_82] : memref<10240x128xf32, #tpu.memory_space<vmem_shared>> -> memref<10240x128xf32, #tpu.memory_space<vmem_shared>>
      tpu.enqueue_indirect_dma source(%arg10 : memref<80x128xf32, #tpu.memory_space<vmem>>) target(%dma_start3A_83 : memref<10240x128xf32, #tpu.memory_space<vmem_shared>>) offsets(%dma_start3A_80 : memref<80xi32, #tpu.memory_space<vmem>>) semaphore(%arg17 : memref<!tpu.dma_semaphore, #tpu.memory_space<semaphore_mem>>) {add = true}
      %dma_wait3A_84 = arith.constant 62 : i32
      %dma_wait3A_85 = arith.constant 0 : i32
      %dma_wait3A_86 = tpu.memref_slice %arg7[%dma_wait3A_84, %dma_wait3A_85] : memref<63x80xi32, #tpu.memory_space<vmem>> -> memref<1x80xi32, #tpu.memory_space<vmem>>
      %dma_wait3A_87 = tpu.memref_squeeze %dma_wait3A_86 : memref<1x80xi32, #tpu.memory_space<vmem>> -> memref<80xi32, #tpu.memory_space<vmem>>
      %dma_wait3A_88 = arith.constant 0 : i32
      %dma_wait3A_89 = arith.constant 0 : i32
      %dma_wait3A_90 = tpu.memref_slice %arg5[%dma_wait3A_88, %dma_wait3A_89] : memref<10000x128xf32, #tpu.memory_space<hbm>> -> memref<10000x128xf32, #tpu.memory_space<hbm>>
      tpu.wait_indirect_dma semaphore(%arg15 : memref<!tpu.dma_semaphore, #tpu.memory_space<semaphore_mem>>) src(%dma_wait3A_90 : memref<10000x128xf32, #tpu.memory_space<hbm>>) dst(%arg11 : memref<80x128xf32, #tpu.memory_space<vmem>>)
      %dma_start3A_91 = arith.constant 62 : i32
      %dma_start3A_92 = arith.constant 0 : i32
      %dma_start3A_93 = tpu.memref_slice %arg8[%dma_start3A_91, %dma_start3A_92] : memref<63x80xi32, #tpu.memory_space<vmem>> -> memref<1x80xi32, #tpu.memory_space<vmem>>
      %dma_start3A_94 = tpu.memref_squeeze %dma_start3A_93 : memref<1x80xi32, #tpu.memory_space<vmem>> -> memref<80xi32, #tpu.memory_space<vmem>>
      %dma_start3A_95 = arith.constant 0 : i32
      %dma_start3A_96 = arith.constant 0 : i32
      %dma_start3A_97 = tpu.memref_slice %arg12[%dma_start3A_95, %dma_start3A_96] : memref<10240x128xf32, #tpu.memory_space<vmem_shared>> -> memref<10240x128xf32, #tpu.memory_space<vmem_shared>>
      tpu.enqueue_indirect_dma source(%arg11 : memref<80x128xf32, #tpu.memory_space<vmem>>) target(%dma_start3A_97 : memref<10240x128xf32, #tpu.memory_space<vmem_shared>>) offsets(%dma_start3A_94 : memref<80xi32, #tpu.memory_space<vmem>>) semaphore(%arg18 : memref<!tpu.dma_semaphore, #tpu.memory_space<semaphore_mem>>) {add = true}
      %dma_wait3A_98 = arith.constant 60 : i32
      %dma_wait3A_99 = arith.constant 0 : i32
      %dma_wait3A_100 = tpu.memref_slice %arg8[%dma_wait3A_98, %dma_wait3A_99] : memref<63x80xi32, #tpu.memory_space<vmem>> -> memref<1x80xi32, #tpu.memory_space<vmem>>
      %dma_wait3A_101 = tpu.memref_squeeze %dma_wait3A_100 : memref<1x80xi32, #tpu.memory_space<vmem>> -> memref<80xi32, #tpu.memory_space<vmem>>
      %dma_wait3A_102 = arith.constant 0 : i32
      %dma_wait3A_103 = arith.constant 0 : i32
      %dma_wait3A_104 = tpu.memref_slice %arg12[%dma_wait3A_102, %dma_wait3A_103] : memref<10240x128xf32, #tpu.memory_space<vmem_shared>> -> memref<10240x128xf32, #tpu.memory_space<vmem_shared>>
      tpu.wait_indirect_dma semaphore(%arg16 : memref<!tpu.dma_semaphore, #tpu.memory_space<semaphore_mem>>) src(%arg9 : memref<80x128xf32, #tpu.memory_space<vmem>>) dst(%dma_wait3A_104 : memref<10240x128xf32, #tpu.memory_space<vmem_shared>>)
      %dma_wait3A_105 = arith.constant 61 : i32
      %dma_wait3A_106 = arith.constant 0 : i32
      %dma_wait3A_107 = tpu.memref_slice %arg8[%dma_wait3A_105, %dma_wait3A_106] : memref<63x80xi32, #tpu.memory_space<vmem>> -> memref<1x80xi32, #tpu.memory_space<vmem>>
      %dma_wait3A_108 = tpu.memref_squeeze %dma_wait3A_107 : memref<1x80xi32, #tpu.memory_space<vmem>> -> memref<80xi32, #tpu.memory_space<vmem>>
      %dma_wait3A_109 = arith.constant 0 : i32
      %dma_wait3A_110 = arith.constant 0 : i32
      %dma_wait3A_111 = tpu.memref_slice %arg12[%dma_wait3A_109, %dma_wait3A_110] : memref<10240x128xf32, #tpu.memory_space<vmem_shared>> -> memref<10240x128xf32, #tpu.memory_space<vmem_shared>>
      tpu.wait_indirect_dma semaphore(%arg17 : memref<!tpu.dma_semaphore, #tpu.memory_space<semaphore_mem>>) src(%arg10 : memref<80x128xf32, #tpu.memory_space<vmem>>) dst(%dma_wait3A_111 : memref<10240x128xf32, #tpu.memory_space<vmem_shared>>)
      %dma_wait3A_112 = arith.constant 62 : i32
      %dma_wait3A_113 = arith.constant 0 : i32
      %dma_wait3A_114 = tpu.memref_slice %arg8[%dma_wait3A_112, %dma_wait3A_113] : memref<63x80xi32, #tpu.memory_space<vmem>> -> memref<1x80xi32, #tpu.memory_space<vmem>>
      %dma_wait3A_115 = tpu.memref_squeeze %dma_wait3A_114 : memref<1x80xi32, #tpu.memory_space<vmem>> -> memref<80xi32, #tpu.memory_space<vmem>>
      %dma_wait3A_116 = arith.constant 0 : i32
      %dma_wait3A_117 = arith.constant 0 : i32
      %dma_wait3A_118 = tpu.memref_slice %arg12[%dma_wait3A_116, %dma_wait3A_117] : memref<10240x128xf32, #tpu.memory_space<vmem_shared>> -> memref<10240x128xf32, #tpu.memory_space<vmem_shared>>
      tpu.wait_indirect_dma semaphore(%arg18 : memref<!tpu.dma_semaphore, #tpu.memory_space<semaphore_mem>>) src(%arg11 : memref<80x128xf32, #tpu.memory_space<vmem>>) dst(%dma_wait3A_118 : memref<10240x128xf32, #tpu.memory_space<vmem_shared>>)
      %mul3A_119 = arith.constant 2 : i32
      %mul3A_120 = arith.muli %mul3A_119, %arg1 : i32
      %add3A_121 = arith.constant 1 : i32
      %add3A_122 = arith.addi %mul3A_120, %add3A_121 : i32
      "tpu.region"() ({
        %run_scoped3A = tpu.sem_alloc : memref<!tpu.dma_semaphore, #tpu.memory_space<semaphore_mem>>
        %dma_start3A_214 = arith.constant 0 : i32
        %dma_start3A_215 = arith.constant 0 : i32
        %dma_start3A_216 = tpu.memref_slice %arg2[%add3A_122, %dma_start3A_214, %dma_start3A_215] : memref<32x63x80xi32, #tpu.memory_space<hbm>> -> memref<1x63x80xi32, #tpu.memory_space<hbm>>
        %dma_start3A_217 = tpu.memref_squeeze %dma_start3A_216 : memref<1x63x80xi32, #tpu.memory_space<hbm>> -> memref<63x80xi32, #tpu.memory_space<hbm>>
        %dma_start3A_218 = arith.constant 0 : i32
        %dma_start3A_219 = arith.constant 0 : i32
        %dma_start3A_220 = tpu.memref_slice %arg2[%add3A_122, %dma_start3A_218, %dma_start3A_219] : memref<32x63x80xi32, #tpu.memory_space<hbm>> -> memref<1x63x80xi32, #tpu.memory_space<hbm>>
        %dma_start3A_221 = tpu.memref_squeeze %dma_start3A_220 : memref<1x63x80xi32, #tpu.memory_space<hbm>> -> memref<63x80xi32, #tpu.memory_space<hbm>>
        tpu.enqueue_dma source(%dma_start3A_221 : memref<63x80xi32, #tpu.memory_space<hbm>>) target(%arg7 : memref<63x80xi32, #tpu.memory_space<vmem>>) target_semaphore(%run_scoped3A : memref<!tpu.dma_semaphore, #tpu.memory_space<semaphore_mem>>)
        %dma_wait3A_222 = arith.constant 0 : i32
        %dma_wait3A_223 = arith.constant 0 : i32
        %dma_wait3A_224 = tpu.memref_slice %arg2[%add3A_122, %dma_wait3A_222, %dma_wait3A_223] : memref<32x63x80xi32, #tpu.memory_space<hbm>> -> memref<1x63x80xi32, #tpu.memory_space<hbm>>
        %dma_wait3A_225 = tpu.memref_squeeze %dma_wait3A_224 : memref<1x63x80xi32, #tpu.memory_space<hbm>> -> memref<63x80xi32, #tpu.memory_space<hbm>>
        %dma_wait3A_226 = arith.constant 0 : i32
        %dma_wait3A_227 = arith.constant 0 : i32
        %dma_wait3A_228 = tpu.memref_slice %arg2[%add3A_122, %dma_wait3A_226, %dma_wait3A_227] : memref<32x63x80xi32, #tpu.memory_space<hbm>> -> memref<1x63x80xi32, #tpu.memory_space<hbm>>
        %dma_wait3A_229 = tpu.memref_squeeze %dma_wait3A_228 : memref<1x63x80xi32, #tpu.memory_space<hbm>> -> memref<63x80xi32, #tpu.memory_space<hbm>>
        tpu.wait_dma2 semaphore(%run_scoped3A : memref<!tpu.dma_semaphore, #tpu.memory_space<semaphore_mem>>) src(%dma_wait3A_229 : memref<63x80xi32, #tpu.memory_space<hbm>>) dst(%arg7 : memref<63x80xi32, #tpu.memory_space<vmem>>)
        tpu.yield
      }) : () -> ()
      "tpu.region"() ({
        %run_scoped3A = tpu.sem_alloc : memref<!tpu.dma_semaphore, #tpu.memory_space<semaphore_mem>>
        %dma_start3A_214 = arith.constant 0 : i32
        %dma_start3A_215 = arith.constant 0 : i32
        %dma_start3A_216 = tpu.memref_slice %arg3[%add3A_122, %dma_start3A_214, %dma_start3A_215] : memref<32x63x80xi32, #tpu.memory_space<hbm>> -> memref<1x63x80xi32, #tpu.memory_space<hbm>>
        %dma_start3A_217 = tpu.memref_squeeze %dma_start3A_216 : memref<1x63x80xi32, #tpu.memory_space<hbm>> -> memref<63x80xi32, #tpu.memory_space<hbm>>
        %dma_start3A_218 = arith.constant 0 : i32
        %dma_start3A_219 = arith.constant 0 : i32
        %dma_start3A_220 = tpu.memref_slice %arg3[%add3A_122, %dma_start3A_218, %dma_start3A_219] : memref<32x63x80xi32, #tpu.memory_space<hbm>> -> memref<1x63x80xi32, #tpu.memory_space<hbm>>
        %dma_start3A_221 = tpu.memref_squeeze %dma_start3A_220 : memref<1x63x80xi32, #tpu.memory_space<hbm>> -> memref<63x80xi32, #tpu.memory_space<hbm>>
        tpu.enqueue_dma source(%dma_start3A_221 : memref<63x80xi32, #tpu.memory_space<hbm>>) target(%arg8 : memref<63x80xi32, #tpu.memory_space<vmem>>) target_semaphore(%run_scoped3A : memref<!tpu.dma_semaphore, #tpu.memory_space<semaphore_mem>>)
        %dma_wait3A_222 = arith.constant 0 : i32
        %dma_wait3A_223 = arith.constant 0 : i32
        %dma_wait3A_224 = tpu.memref_slice %arg3[%add3A_122, %dma_wait3A_222, %dma_wait3A_223] : memref<32x63x80xi32, #tpu.memory_space<hbm>> -> memref<1x63x80xi32, #tpu.memory_space<hbm>>
        %dma_wait3A_225 = tpu.memref_squeeze %dma_wait3A_224 : memref<1x63x80xi32, #tpu.memory_space<hbm>> -> memref<63x80xi32, #tpu.memory_space<hbm>>
        %dma_wait3A_226 = arith.constant 0 : i32
        %dma_wait3A_227 = arith.constant 0 : i32
        %dma_wait3A_228 = tpu.memref_slice %arg3[%add3A_122, %dma_wait3A_226, %dma_wait3A_227] : memref<32x63x80xi32, #tpu.memory_space<hbm>> -> memref<1x63x80xi32, #tpu.memory_space<hbm>>
        %dma_wait3A_229 = tpu.memref_squeeze %dma_wait3A_228 : memref<1x63x80xi32, #tpu.memory_space<hbm>> -> memref<63x80xi32, #tpu.memory_space<hbm>>
        tpu.wait_dma2 semaphore(%run_scoped3A : memref<!tpu.dma_semaphore, #tpu.memory_space<semaphore_mem>>) src(%dma_wait3A_229 : memref<63x80xi32, #tpu.memory_space<hbm>>) dst(%arg8 : memref<63x80xi32, #tpu.memory_space<vmem>>)
        tpu.yield
      }) : () -> ()
      %dma_start3A_123 = arith.constant 0 : i32
      %dma_start3A_124 = arith.constant 0 : i32
      %dma_start3A_125 = tpu.memref_slice %arg7[%dma_start3A_123, %dma_start3A_124] : memref<63x80xi32, #tpu.memory_space<vmem>> -> memref<1x80xi32, #tpu.memory_space<vmem>>
      %dma_start3A_126 = tpu.memref_squeeze %dma_start3A_125 : memref<1x80xi32, #tpu.memory_space<vmem>> -> memref<80xi32, #tpu.memory_space<vmem>>
      %dma_start3A_127 = arith.constant 0 : i32
      %dma_start3A_128 = arith.constant 0 : i32
      %dma_start3A_129 = tpu.memref_slice %arg5[%dma_start3A_127, %dma_start3A_128] : memref<10000x128xf32, #tpu.memory_space<hbm>> -> memref<10000x128xf32, #tpu.memory_space<hbm>>
      tpu.enqueue_indirect_dma source(%dma_start3A_129 : memref<10000x128xf32, #tpu.memory_space<hbm>>) target(%arg9 : memref<80x128xf32, #tpu.memory_space<vmem>>) offsets(%dma_start3A_126 : memref<80xi32, #tpu.memory_space<vmem>>) semaphore(%arg13 : memref<!tpu.dma_semaphore, #tpu.memory_space<semaphore_mem>>)
      %dma_start3A_130 = arith.constant 1 : i32
      %dma_start3A_131 = arith.constant 0 : i32
      %dma_start3A_132 = tpu.memref_slice %arg7[%dma_start3A_130, %dma_start3A_131] : memref<63x80xi32, #tpu.memory_space<vmem>> -> memref<1x80xi32, #tpu.memory_space<vmem>>
      %dma_start3A_133 = tpu.memref_squeeze %dma_start3A_132 : memref<1x80xi32, #tpu.memory_space<vmem>> -> memref<80xi32, #tpu.memory_space<vmem>>
      %dma_start3A_134 = arith.constant 0 : i32
      %dma_start3A_135 = arith.constant 0 : i32
      %dma_start3A_136 = tpu.memref_slice %arg5[%dma_start3A_134, %dma_start3A_135] : memref<10000x128xf32, #tpu.memory_space<hbm>> -> memref<10000x128xf32, #tpu.memory_space<hbm>>
      tpu.enqueue_indirect_dma source(%dma_start3A_136 : memref<10000x128xf32, #tpu.memory_space<hbm>>) target(%arg10 : memref<80x128xf32, #tpu.memory_space<vmem>>) offsets(%dma_start3A_133 : memref<80xi32, #tpu.memory_space<vmem>>) semaphore(%arg14 : memref<!tpu.dma_semaphore, #tpu.memory_space<semaphore_mem>>)
      %dma_start3A_137 = arith.constant 2 : i32
      %dma_start3A_138 = arith.constant 0 : i32
      %dma_start3A_139 = tpu.memref_slice %arg7[%dma_start3A_137, %dma_start3A_138] : memref<63x80xi32, #tpu.memory_space<vmem>> -> memref<1x80xi32, #tpu.memory_space<vmem>>
      %dma_start3A_140 = tpu.memref_squeeze %dma_start3A_139 : memref<1x80xi32, #tpu.memory_space<vmem>> -> memref<80xi32, #tpu.memory_space<vmem>>
      %dma_start3A_141 = arith.constant 0 : i32
      %dma_start3A_142 = arith.constant 0 : i32
      %dma_start3A_143 = tpu.memref_slice %arg5[%dma_start3A_141, %dma_start3A_142] : memref<10000x128xf32, #tpu.memory_space<hbm>> -> memref<10000x128xf32, #tpu.memory_space<hbm>>
      tpu.enqueue_indirect_dma source(%dma_start3A_143 : memref<10000x128xf32, #tpu.memory_space<hbm>>) target(%arg11 : memref<80x128xf32, #tpu.memory_space<vmem>>) offsets(%dma_start3A_140 : memref<80xi32, #tpu.memory_space<vmem>>) semaphore(%arg15 : memref<!tpu.dma_semaphore, #tpu.memory_space<semaphore_mem>>)
      %dma_wait3A_144 = arith.constant 0 : i32
      %dma_wait3A_145 = arith.constant 0 : i32
      %dma_wait3A_146 = tpu.memref_slice %arg7[%dma_wait3A_144, %dma_wait3A_145] : memref<63x80xi32, #tpu.memory_space<vmem>> -> memref<1x80xi32, #tpu.memory_space<vmem>>
      %dma_wait3A_147 = tpu.memref_squeeze %dma_wait3A_146 : memref<1x80xi32, #tpu.memory_space<vmem>> -> memref<80xi32, #tpu.memory_space<vmem>>
      %dma_wait3A_148 = arith.constant 0 : i32
      %dma_wait3A_149 = arith.constant 0 : i32
      %dma_wait3A_150 = tpu.memref_slice %arg5[%dma_wait3A_148, %dma_wait3A_149] : memref<10000x128xf32, #tpu.memory_space<hbm>> -> memref<10000x128xf32, #tpu.memory_space<hbm>>
      tpu.wait_indirect_dma semaphore(%arg13 : memref<!tpu.dma_semaphore, #tpu.memory_space<semaphore_mem>>) src(%dma_wait3A_150 : memref<10000x128xf32, #tpu.memory_space<hbm>>) dst(%arg9 : memref<80x128xf32, #tpu.memory_space<vmem>>)
      %dma_start3A_151 = arith.constant 0 : i32
      %dma_start3A_152 = arith.constant 0 : i32
      %dma_start3A_153 = tpu.memref_slice %arg8[%dma_start3A_151, %dma_start3A_152] : memref<63x80xi32, #tpu.memory_space<vmem>> -> memref<1x80xi32, #tpu.memory_space<vmem>>
      %dma_start3A_154 = tpu.memref_squeeze %dma_start3A_153 : memref<1x80xi32, #tpu.memory_space<vmem>> -> memref<80xi32, #tpu.memory_space<vmem>>
      %dma_start3A_155 = arith.constant 0 : i32
      %dma_start3A_156 = arith.constant 0 : i32
      %dma_start3A_157 = tpu.memref_slice %arg12[%dma_start3A_155, %dma_start3A_156] : memref<10240x128xf32, #tpu.memory_space<vmem_shared>> -> memref<10240x128xf32, #tpu.memory_space<vmem_shared>>
      tpu.enqueue_indirect_dma source(%arg9 : memref<80x128xf32, #tpu.memory_space<vmem>>) target(%dma_start3A_157 : memref<10240x128xf32, #tpu.memory_space<vmem_shared>>) offsets(%dma_start3A_154 : memref<80xi32, #tpu.memory_space<vmem>>) semaphore(%arg16 : memref<!tpu.dma_semaphore, #tpu.memory_space<semaphore_mem>>) {add = true}
      %scan3A_158 = arith.constant 0 : i32
      %scan3A_159 = arith.constant 1 : i32
      %scan3A_160 = arith.constant 20 : i32
      %scan3A_161 = arith.addi %scan3A_159, %scan3A_160 : i32
      %scan3A_162 = arith.constant 1 : i32
      %scan3A_163 = scf.for %scan3A_214 = %scan3A_159 to %scan3A_161 step %scan3A_162 iter_args(%scan3A_215 = %scan3A_158) -> (i32)  : i32 {
        %mul3A_216 = arith.constant 3 : i32
        %mul3A_217 = arith.muli %mul3A_216, %scan3A_214 : i32
        %sub3A = arith.constant 3 : i32
        %sub3A_218 = arith.subi %mul3A_217, %sub3A : i32
        %dma_wait3A_219 = arith.constant 0 : i32
        %dma_wait3A_220 = tpu.memref_slice %arg8[%sub3A_218, %dma_wait3A_219] : memref<63x80xi32, #tpu.memory_space<vmem>> -> memref<1x80xi32, #tpu.memory_space<vmem>>
        %dma_wait3A_221 = tpu.memref_squeeze %dma_wait3A_220 : memref<1x80xi32, #tpu.memory_space<vmem>> -> memref<80xi32, #tpu.memory_space<vmem>>
        %dma_wait3A_222 = arith.constant 0 : i32
        %dma_wait3A_223 = arith.constant 0 : i32
        %dma_wait3A_224 = tpu.memref_slice %arg12[%dma_wait3A_222, %dma_wait3A_223] : memref<10240x128xf32, #tpu.memory_space<vmem_shared>> -> memref<10240x128xf32, #tpu.memory_space<vmem_shared>>
        tpu.wait_indirect_dma semaphore(%arg16 : memref<!tpu.dma_semaphore, #tpu.memory_space<semaphore_mem>>) src(%arg9 : memref<80x128xf32, #tpu.memory_space<vmem>>) dst(%dma_wait3A_224 : memref<10240x128xf32, #tpu.memory_space<vmem_shared>>)
        %dma_start3A_225 = arith.constant 0 : i32
        %dma_start3A_226 = tpu.memref_slice %arg7[%mul3A_217, %dma_start3A_225] : memref<63x80xi32, #tpu.memory_space<vmem>> -> memref<1x80xi32, #tpu.memory_space<vmem>>
        %dma_start3A_227 = tpu.memref_squeeze %dma_start3A_226 : memref<1x80xi32, #tpu.memory_space<vmem>> -> memref<80xi32, #tpu.memory_space<vmem>>
        %dma_start3A_228 = arith.constant 0 : i32
        %dma_start3A_229 = arith.constant 0 : i32
        %dma_start3A_230 = tpu.memref_slice %arg5[%dma_start3A_228, %dma_start3A_229] : memref<10000x128xf32, #tpu.memory_space<hbm>> -> memref<10000x128xf32, #tpu.memory_space<hbm>>
        tpu.enqueue_indirect_dma source(%dma_start3A_230 : memref<10000x128xf32, #tpu.memory_space<hbm>>) target(%arg9 : memref<80x128xf32, #tpu.memory_space<vmem>>) offsets(%dma_start3A_227 : memref<80xi32, #tpu.memory_space<vmem>>) semaphore(%arg13 : memref<!tpu.dma_semaphore, #tpu.memory_space<semaphore_mem>>)
        %sub3A_231 = arith.constant 2 : i32
        %sub3A_232 = arith.subi %mul3A_217, %sub3A_231 : i32
        %dma_wait3A_233 = arith.constant 0 : i32
        %dma_wait3A_234 = tpu.memref_slice %arg7[%sub3A_232, %dma_wait3A_233] : memref<63x80xi32, #tpu.memory_space<vmem>> -> memref<1x80xi32, #tpu.memory_space<vmem>>
        %dma_wait3A_235 = tpu.memref_squeeze %dma_wait3A_234 : memref<1x80xi32, #tpu.memory_space<vmem>> -> memref<80xi32, #tpu.memory_space<vmem>>
        %dma_wait3A_236 = arith.constant 0 : i32
        %dma_wait3A_237 = arith.constant 0 : i32
        %dma_wait3A_238 = tpu.memref_slice %arg5[%dma_wait3A_236, %dma_wait3A_237] : memref<10000x128xf32, #tpu.memory_space<hbm>> -> memref<10000x128xf32, #tpu.memory_space<hbm>>
        tpu.wait_indirect_dma semaphore(%arg14 : memref<!tpu.dma_semaphore, #tpu.memory_space<semaphore_mem>>) src(%dma_wait3A_238 : memref<10000x128xf32, #tpu.memory_space<hbm>>) dst(%arg10 : memref<80x128xf32, #tpu.memory_space<vmem>>)
        %sub3A_239 = arith.constant 2 : i32
        %sub3A_240 = arith.subi %mul3A_217, %sub3A_239 : i32
        %dma_start3A_241 = arith.constant 0 : i32
        %dma_start3A_242 = tpu.memref_slice %arg8[%sub3A_240, %dma_start3A_241] : memref<63x80xi32, #tpu.memory_space<vmem>> -> memref<1x80xi32, #tpu.memory_space<vmem>>
        %dma_start3A_243 = tpu.memref_squeeze %dma_start3A_242 : memref<1x80xi32, #tpu.memory_space<vmem>> -> memref<80xi32, #tpu.memory_space<vmem>>
        %dma_start3A_244 = arith.constant 0 : i32
        %dma_start3A_245 = arith.constant 0 : i32
        %dma_start3A_246 = tpu.memref_slice %arg12[%dma_start3A_244, %dma_start3A_245] : memref<10240x128xf32, #tpu.memory_space<vmem_shared>> -> memref<10240x128xf32, #tpu.memory_space<vmem_shared>>
        tpu.enqueue_indirect_dma source(%arg10 : memref<80x128xf32, #tpu.memory_space<vmem>>) target(%dma_start3A_246 : memref<10240x128xf32, #tpu.memory_space<vmem_shared>>) offsets(%dma_start3A_243 : memref<80xi32, #tpu.memory_space<vmem>>) semaphore(%arg17 : memref<!tpu.dma_semaphore, #tpu.memory_space<semaphore_mem>>) {add = true}
        %mul3A_247 = arith.constant 3 : i32
        %mul3A_248 = arith.muli %mul3A_247, %scan3A_214 : i32
        %add3A_249 = arith.constant 1 : i32
        %add3A_250 = arith.addi %mul3A_248, %add3A_249 : i32
        %sub3A_251 = arith.constant 3 : i32
        %sub3A_252 = arith.subi %add3A_250, %sub3A_251 : i32
        %dma_wait3A_253 = arith.constant 0 : i32
        %dma_wait3A_254 = tpu.memref_slice %arg8[%sub3A_252, %dma_wait3A_253] : memref<63x80xi32, #tpu.memory_space<vmem>> -> memref<1x80xi32, #tpu.memory_space<vmem>>
        %dma_wait3A_255 = tpu.memref_squeeze %dma_wait3A_254 : memref<1x80xi32, #tpu.memory_space<vmem>> -> memref<80xi32, #tpu.memory_space<vmem>>
        %dma_wait3A_256 = arith.constant 0 : i32
        %dma_wait3A_257 = arith.constant 0 : i32
        %dma_wait3A_258 = tpu.memref_slice %arg12[%dma_wait3A_256, %dma_wait3A_257] : memref<10240x128xf32, #tpu.memory_space<vmem_shared>> -> memref<10240x128xf32, #tpu.memory_space<vmem_shared>>
        tpu.wait_indirect_dma semaphore(%arg17 : memref<!tpu.dma_semaphore, #tpu.memory_space<semaphore_mem>>) src(%arg10 : memref<80x128xf32, #tpu.memory_space<vmem>>) dst(%dma_wait3A_258 : memref<10240x128xf32, #tpu.memory_space<vmem_shared>>)
        %dma_start3A_259 = arith.constant 0 : i32
        %dma_start3A_260 = tpu.memref_slice %arg7[%add3A_250, %dma_start3A_259] : memref<63x80xi32, #tpu.memory_space<vmem>> -> memref<1x80xi32, #tpu.memory_space<vmem>>
        %dma_start3A_261 = tpu.memref_squeeze %dma_start3A_260 : memref<1x80xi32, #tpu.memory_space<vmem>> -> memref<80xi32, #tpu.memory_space<vmem>>
        %dma_start3A_262 = arith.constant 0 : i32
        %dma_start3A_263 = arith.constant 0 : i32
        %dma_start3A_264 = tpu.memref_slice %arg5[%dma_start3A_262, %dma_start3A_263] : memref<10000x128xf32, #tpu.memory_space<hbm>> -> memref<10000x128xf32, #tpu.memory_space<hbm>>
        tpu.enqueue_indirect_dma source(%dma_start3A_264 : memref<10000x128xf32, #tpu.memory_space<hbm>>) target(%arg10 : memref<80x128xf32, #tpu.memory_space<vmem>>) offsets(%dma_start3A_261 : memref<80xi32, #tpu.memory_space<vmem>>) semaphore(%arg14 : memref<!tpu.dma_semaphore, #tpu.memory_space<semaphore_mem>>)
        %sub3A_265 = arith.constant 2 : i32
        %sub3A_266 = arith.subi %add3A_250, %sub3A_265 : i32
        %dma_wait3A_267 = arith.constant 0 : i32
        %dma_wait3A_268 = tpu.memref_slice %arg7[%sub3A_266, %dma_wait3A_267] : memref<63x80xi32, #tpu.memory_space<vmem>> -> memref<1x80xi32, #tpu.memory_space<vmem>>
        %dma_wait3A_269 = tpu.memref_squeeze %dma_wait3A_268 : memref<1x80xi32, #tpu.memory_space<vmem>> -> memref<80xi32, #tpu.memory_space<vmem>>
        %dma_wait3A_270 = arith.constant 0 : i32
        %dma_wait3A_271 = arith.constant 0 : i32
        %dma_wait3A_272 = tpu.memref_slice %arg5[%dma_wait3A_270, %dma_wait3A_271] : memref<10000x128xf32, #tpu.memory_space<hbm>> -> memref<10000x128xf32, #tpu.memory_space<hbm>>
        tpu.wait_indirect_dma semaphore(%arg15 : memref<!tpu.dma_semaphore, #tpu.memory_space<semaphore_mem>>) src(%dma_wait3A_272 : memref<10000x128xf32, #tpu.memory_space<hbm>>) dst(%arg11 : memref<80x128xf32, #tpu.memory_space<vmem>>)
        %sub3A_273 = arith.constant 2 : i32
        %sub3A_274 = arith.subi %add3A_250, %sub3A_273 : i32
        %dma_start3A_275 = arith.constant 0 : i32
        %dma_start3A_276 = tpu.memref_slice %arg8[%sub3A_274, %dma_start3A_275] : memref<63x80xi32, #tpu.memory_space<vmem>> -> memref<1x80xi32, #tpu.memory_space<vmem>>
        %dma_start3A_277 = tpu.memref_squeeze %dma_start3A_276 : memref<1x80xi32, #tpu.memory_space<vmem>> -> memref<80xi32, #tpu.memory_space<vmem>>
        %dma_start3A_278 = arith.constant 0 : i32
        %dma_start3A_279 = arith.constant 0 : i32
        %dma_start3A_280 = tpu.memref_slice %arg12[%dma_start3A_278, %dma_start3A_279] : memref<10240x128xf32, #tpu.memory_space<vmem_shared>> -> memref<10240x128xf32, #tpu.memory_space<vmem_shared>>
        tpu.enqueue_indirect_dma source(%arg11 : memref<80x128xf32, #tpu.memory_space<vmem>>) target(%dma_start3A_280 : memref<10240x128xf32, #tpu.memory_space<vmem_shared>>) offsets(%dma_start3A_277 : memref<80xi32, #tpu.memory_space<vmem>>) semaphore(%arg18 : memref<!tpu.dma_semaphore, #tpu.memory_space<semaphore_mem>>) {add = true}
        %mul3A_281 = arith.constant 3 : i32
        %mul3A_282 = arith.muli %mul3A_281, %scan3A_214 : i32
        %add3A_283 = arith.constant 2 : i32
        %add3A_284 = arith.addi %mul3A_282, %add3A_283 : i32
        %sub3A_285 = arith.constant 3 : i32
        %sub3A_286 = arith.subi %add3A_284, %sub3A_285 : i32
        %dma_wait3A_287 = arith.constant 0 : i32
        %dma_wait3A_288 = tpu.memref_slice %arg8[%sub3A_286, %dma_wait3A_287] : memref<63x80xi32, #tpu.memory_space<vmem>> -> memref<1x80xi32, #tpu.memory_space<vmem>>
        %dma_wait3A_289 = tpu.memref_squeeze %dma_wait3A_288 : memref<1x80xi32, #tpu.memory_space<vmem>> -> memref<80xi32, #tpu.memory_space<vmem>>
        %dma_wait3A_290 = arith.constant 0 : i32
        %dma_wait3A_291 = arith.constant 0 : i32
        %dma_wait3A_292 = tpu.memref_slice %arg12[%dma_wait3A_290, %dma_wait3A_291] : memref<10240x128xf32, #tpu.memory_space<vmem_shared>> -> memref<10240x128xf32, #tpu.memory_space<vmem_shared>>
        tpu.wait_indirect_dma semaphore(%arg18 : memref<!tpu.dma_semaphore, #tpu.memory_space<semaphore_mem>>) src(%arg11 : memref<80x128xf32, #tpu.memory_space<vmem>>) dst(%dma_wait3A_292 : memref<10240x128xf32, #tpu.memory_space<vmem_shared>>)
        %dma_start3A_293 = arith.constant 0 : i32
        %dma_start3A_294 = tpu.memref_slice %arg7[%add3A_284, %dma_start3A_293] : memref<63x80xi32, #tpu.memory_space<vmem>> -> memref<1x80xi32, #tpu.memory_space<vmem>>
        %dma_start3A_295 = tpu.memref_squeeze %dma_start3A_294 : memref<1x80xi32, #tpu.memory_space<vmem>> -> memref<80xi32, #tpu.memory_space<vmem>>
        %dma_start3A_296 = arith.constant 0 : i32
        %dma_start3A_297 = arith.constant 0 : i32
        %dma_start3A_298 = tpu.memref_slice %arg5[%dma_start3A_296, %dma_start3A_297] : memref<10000x128xf32, #tpu.memory_space<hbm>> -> memref<10000x128xf32, #tpu.memory_space<hbm>>
        tpu.enqueue_indirect_dma source(%dma_start3A_298 : memref<10000x128xf32, #tpu.memory_space<hbm>>) target(%arg11 : memref<80x128xf32, #tpu.memory_space<vmem>>) offsets(%dma_start3A_295 : memref<80xi32, #tpu.memory_space<vmem>>) semaphore(%arg15 : memref<!tpu.dma_semaphore, #tpu.memory_space<semaphore_mem>>)
        %sub3A_299 = arith.constant 2 : i32
        %sub3A_300 = arith.subi %add3A_284, %sub3A_299 : i32
        %dma_wait3A_301 = arith.constant 0 : i32
        %dma_wait3A_302 = tpu.memref_slice %arg7[%sub3A_300, %dma_wait3A_301] : memref<63x80xi32, #tpu.memory_space<vmem>> -> memref<1x80xi32, #tpu.memory_space<vmem>>
        %dma_wait3A_303 = tpu.memref_squeeze %dma_wait3A_302 : memref<1x80xi32, #tpu.memory_space<vmem>> -> memref<80xi32, #tpu.memory_space<vmem>>
        %dma_wait3A_304 = arith.constant 0 : i32
        %dma_wait3A_305 = arith.constant 0 : i32
        %dma_wait3A_306 = tpu.memref_slice %arg5[%dma_wait3A_304, %dma_wait3A_305] : memref<10000x128xf32, #tpu.memory_space<hbm>> -> memref<10000x128xf32, #tpu.memory_space<hbm>>
        tpu.wait_indirect_dma semaphore(%arg13 : memref<!tpu.dma_semaphore, #tpu.memory_space<semaphore_mem>>) src(%dma_wait3A_306 : memref<10000x128xf32, #tpu.memory_space<hbm>>) dst(%arg9 : memref<80x128xf32, #tpu.memory_space<vmem>>)
        %sub3A_307 = arith.constant 2 : i32
        %sub3A_308 = arith.subi %add3A_284, %sub3A_307 : i32
        %dma_start3A_309 = arith.constant 0 : i32
        %dma_start3A_310 = tpu.memref_slice %arg8[%sub3A_308, %dma_start3A_309] : memref<63x80xi32, #tpu.memory_space<vmem>> -> memref<1x80xi32, #tpu.memory_space<vmem>>
        %dma_start3A_311 = tpu.memref_squeeze %dma_start3A_310 : memref<1x80xi32, #tpu.memory_space<vmem>> -> memref<80xi32, #tpu.memory_space<vmem>>
        %dma_start3A_312 = arith.constant 0 : i32
        %dma_start3A_313 = arith.constant 0 : i32
        %dma_start3A_314 = tpu.memref_slice %arg12[%dma_start3A_312, %dma_start3A_313] : memref<10240x128xf32, #tpu.memory_space<vmem_shared>> -> memref<10240x128xf32, #tpu.memory_space<vmem_shared>>
        tpu.enqueue_indirect_dma source(%arg9 : memref<80x128xf32, #tpu.memory_space<vmem>>) target(%dma_start3A_314 : memref<10240x128xf32, #tpu.memory_space<vmem_shared>>) offsets(%dma_start3A_311 : memref<80xi32, #tpu.memory_space<vmem>>) semaphore(%arg16 : memref<!tpu.dma_semaphore, #tpu.memory_space<semaphore_mem>>) {add = true}
        %scan3A_315 = arith.constant 0 : i32
        scf.yield %scan3A_315 : i32
      }
      %scan3A_164 = arith.constant 20 : i32
      %dma_wait3A_165 = arith.constant 61 : i32
      %dma_wait3A_166 = arith.constant 0 : i32
      %dma_wait3A_167 = tpu.memref_slice %arg7[%dma_wait3A_165, %dma_wait3A_166] : memref<63x80xi32, #tpu.memory_space<vmem>> -> memref<1x80xi32, #tpu.memory_space<vmem>>
      %dma_wait3A_168 = tpu.memref_squeeze %dma_wait3A_167 : memref<1x80xi32, #tpu.memory_space<vmem>> -> memref<80xi32, #tpu.memory_space<vmem>>
      %dma_wait3A_169 = arith.constant 0 : i32
      %dma_wait3A_170 = arith.constant 0 : i32
      %dma_wait3A_171 = tpu.memref_slice %arg5[%dma_wait3A_169, %dma_wait3A_170] : memref<10000x128xf32, #tpu.memory_space<hbm>> -> memref<10000x128xf32, #tpu.memory_space<hbm>>
      tpu.wait_indirect_dma semaphore(%arg14 : memref<!tpu.dma_semaphore, #tpu.memory_space<semaphore_mem>>) src(%dma_wait3A_171 : memref<10000x128xf32, #tpu.memory_space<hbm>>) dst(%arg10 : memref<80x128xf32, #tpu.memory_space<vmem>>)
      %dma_start3A_172 = arith.constant 61 : i32
      %dma_start3A_173 = arith.constant 0 : i32
      %dma_start3A_174 = tpu.memref_slice %arg8[%dma_start3A_172, %dma_start3A_173] : memref<63x80xi32, #tpu.memory_space<vmem>> -> memref<1x80xi32, #tpu.memory_space<vmem>>
      %dma_start3A_175 = tpu.memref_squeeze %dma_start3A_174 : memref<1x80xi32, #tpu.memory_space<vmem>> -> memref<80xi32, #tpu.memory_space<vmem>>
      %dma_start3A_176 = arith.constant 0 : i32
      %dma_start3A_177 = arith.constant 0 : i32
      %dma_start3A_178 = tpu.memref_slice %arg12[%dma_start3A_176, %dma_start3A_177] : memref<10240x128xf32, #tpu.memory_space<vmem_shared>> -> memref<10240x128xf32, #tpu.memory_space<vmem_shared>>
      tpu.enqueue_indirect_dma source(%arg10 : memref<80x128xf32, #tpu.memory_space<vmem>>) target(%dma_start3A_178 : memref<10240x128xf32, #tpu.memory_space<vmem_shared>>) offsets(%dma_start3A_175 : memref<80xi32, #tpu.memory_space<vmem>>) semaphore(%arg17 : memref<!tpu.dma_semaphore, #tpu.memory_space<semaphore_mem>>) {add = true}
      %dma_wait3A_179 = arith.constant 62 : i32
      %dma_wait3A_180 = arith.constant 0 : i32
      %dma_wait3A_181 = tpu.memref_slice %arg7[%dma_wait3A_179, %dma_wait3A_180] : memref<63x80xi32, #tpu.memory_space<vmem>> -> memref<1x80xi32, #tpu.memory_space<vmem>>
      %dma_wait3A_182 = tpu.memref_squeeze %dma_wait3A_181 : memref<1x80xi32, #tpu.memory_space<vmem>> -> memref<80xi32, #tpu.memory_space<vmem>>
      %dma_wait3A_183 = arith.constant 0 : i32
      %dma_wait3A_184 = arith.constant 0 : i32
      %dma_wait3A_185 = tpu.memref_slice %arg5[%dma_wait3A_183, %dma_wait3A_184] : memref<10000x128xf32, #tpu.memory_space<hbm>> -> memref<10000x128xf32, #tpu.memory_space<hbm>>
      tpu.wait_indirect_dma semaphore(%arg15 : memref<!tpu.dma_semaphore, #tpu.memory_space<semaphore_mem>>) src(%dma_wait3A_185 : memref<10000x128xf32, #tpu.memory_space<hbm>>) dst(%arg11 : memref<80x128xf32, #tpu.memory_space<vmem>>)
      %dma_start3A_186 = arith.constant 62 : i32
      %dma_start3A_187 = arith.constant 0 : i32
      %dma_start3A_188 = tpu.memref_slice %arg8[%dma_start3A_186, %dma_start3A_187] : memref<63x80xi32, #tpu.memory_space<vmem>> -> memref<1x80xi32, #tpu.memory_space<vmem>>
      %dma_start3A_189 = tpu.memref_squeeze %dma_start3A_188 : memref<1x80xi32, #tpu.memory_space<vmem>> -> memref<80xi32, #tpu.memory_space<vmem>>
      %dma_start3A_190 = arith.constant 0 : i32
      %dma_start3A_191 = arith.constant 0 : i32
      %dma_start3A_192 = tpu.memref_slice %arg12[%dma_start3A_190, %dma_start3A_191] : memref<10240x128xf32, #tpu.memory_space<vmem_shared>> -> memref<10240x128xf32, #tpu.memory_space<vmem_shared>>
      tpu.enqueue_indirect_dma source(%arg11 : memref<80x128xf32, #tpu.memory_space<vmem>>) target(%dma_start3A_192 : memref<10240x128xf32, #tpu.memory_space<vmem_shared>>) offsets(%dma_start3A_189 : memref<80xi32, #tpu.memory_space<vmem>>) semaphore(%arg18 : memref<!tpu.dma_semaphore, #tpu.memory_space<semaphore_mem>>) {add = true}
      %dma_wait3A_193 = arith.constant 60 : i32
      %dma_wait3A_194 = arith.constant 0 : i32
      %dma_wait3A_195 = tpu.memref_slice %arg8[%dma_wait3A_193, %dma_wait3A_194] : memref<63x80xi32, #tpu.memory_space<vmem>> -> memref<1x80xi32, #tpu.memory_space<vmem>>
      %dma_wait3A_196 = tpu.memref_squeeze %dma_wait3A_195 : memref<1x80xi32, #tpu.memory_space<vmem>> -> memref<80xi32, #tpu.memory_space<vmem>>
      %dma_wait3A_197 = arith.constant 0 : i32
      %dma_wait3A_198 = arith.constant 0 : i32
      %dma_wait3A_199 = tpu.memref_slice %arg12[%dma_wait3A_197, %dma_wait3A_198] : memref<10240x128xf32, #tpu.memory_space<vmem_shared>> -> memref<10240x128xf32, #tpu.memory_space<vmem_shared>>
      tpu.wait_indirect_dma semaphore(%arg16 : memref<!tpu.dma_semaphore, #tpu.memory_space<semaphore_mem>>) src(%arg9 : memref<80x128xf32, #tpu.memory_space<vmem>>) dst(%dma_wait3A_199 : memref<10240x128xf32, #tpu.memory_space<vmem_shared>>)
      %dma_wait3A_200 = arith.constant 61 : i32
      %dma_wait3A_201 = arith.constant 0 : i32
      %dma_wait3A_202 = tpu.memref_slice %arg8[%dma_wait3A_200, %dma_wait3A_201] : memref<63x80xi32, #tpu.memory_space<vmem>> -> memref<1x80xi32, #tpu.memory_space<vmem>>
      %dma_wait3A_203 = tpu.memref_squeeze %dma_wait3A_202 : memref<1x80xi32, #tpu.memory_space<vmem>> -> memref<80xi32, #tpu.memory_space<vmem>>
      %dma_wait3A_204 = arith.constant 0 : i32
      %dma_wait3A_205 = arith.constant 0 : i32
      %dma_wait3A_206 = tpu.memref_slice %arg12[%dma_wait3A_204, %dma_wait3A_205] : memref<10240x128xf32, #tpu.memory_space<vmem_shared>> -> memref<10240x128xf32, #tpu.memory_space<vmem_shared>>
      tpu.wait_indirect_dma semaphore(%arg17 : memref<!tpu.dma_semaphore, #tpu.memory_space<semaphore_mem>>) src(%arg10 : memref<80x128xf32, #tpu.memory_space<vmem>>) dst(%dma_wait3A_206 : memref<10240x128xf32, #tpu.memory_space<vmem_shared>>)
      %dma_wait3A_207 = arith.constant 62 : i32
      %dma_wait3A_208 = arith.constant 0 : i32
      %dma_wait3A_209 = tpu.memref_slice %arg8[%dma_wait3A_207, %dma_wait3A_208] : memref<63x80xi32, #tpu.memory_space<vmem>> -> memref<1x80xi32, #tpu.memory_space<vmem>>
      %dma_wait3A_210 = tpu.memref_squeeze %dma_wait3A_209 : memref<1x80xi32, #tpu.memory_space<vmem>> -> memref<80xi32, #tpu.memory_space<vmem>>
      %dma_wait3A_211 = arith.constant 0 : i32
      %dma_wait3A_212 = arith.constant 0 : i32
      %dma_wait3A_213 = tpu.memref_slice %arg12[%dma_wait3A_211, %dma_wait3A_212] : memref<10240x128xf32, #tpu.memory_space<vmem_shared>> -> memref<10240x128xf32, #tpu.memory_space<vmem_shared>>
      tpu.wait_indirect_dma semaphore(%arg18 : memref<!tpu.dma_semaphore, #tpu.memory_space<semaphore_mem>>) src(%arg11 : memref<80x128xf32, #tpu.memory_space<vmem>>) dst(%dma_wait3A_213 : memref<10240x128xf32, #tpu.memory_space<vmem_shared>>)
    } else {
    }
    %barrier3A_20 = arith.constant 0 : index
    tpu.barrier barrier_id(%barrier3A_20)
    %scan3A_21 = arith.constant 0 : i32
    %scan3A_22 = arith.constant 0 : i32
    %scan3A_23 = arith.constant 8 : i32
    %scan3A_24 = arith.addi %scan3A_22, %scan3A_23 : i32
    %scan3A_25 = arith.constant 1 : i32
    %scan3A_26 = scf.for %scan3A_28 = %scan3A_22 to %scan3A_24 step %scan3A_25 iter_args(%scan3A_29 = %scan3A_21) -> (i32)  : i32 {
      %mul3A = arith.constant 640 : i32
      %mul3A_30 = arith.muli %arg1, %mul3A : i32
      %mul3A_31 = arith.constant 80 : i32
      %mul3A_32 = arith.muli %scan3A_28, %mul3A_31 : i32
      %add3A = arith.addi %mul3A_30, %mul3A_32 : i32
      "tpu.region"() ({
        %run_scoped3A = tpu.sem_alloc : memref<!tpu.dma_semaphore, #tpu.memory_space<semaphore_mem>>
        %dma_start3A = arith.constant 0 : i32
        %dma_start3A_34 = tpu.memref_slice %arg12[%add3A, %dma_start3A] : memref<10240x128xf32, #tpu.memory_space<vmem_shared>> -> memref<80x128xf32, #tpu.memory_space<vmem_shared>>
        %dma_start3A_35 = arith.constant 0 : i32
        %dma_start3A_36 = tpu.memref_slice %arg12[%add3A, %dma_start3A_35] : memref<10240x128xf32, #tpu.memory_space<vmem_shared>> -> memref<80x128xf32, #tpu.memory_space<vmem_shared>>
        tpu.enqueue_dma source(%dma_start3A_36 : memref<80x128xf32, #tpu.memory_space<vmem_shared>>) target(%arg9 : memref<80x128xf32, #tpu.memory_space<vmem>>) target_semaphore(%run_scoped3A : memref<!tpu.dma_semaphore, #tpu.memory_space<semaphore_mem>>)
        %dma_wait3A = arith.constant 0 : i32
        %dma_wait3A_37 = tpu.memref_slice %arg12[%add3A, %dma_wait3A] : memref<10240x128xf32, #tpu.memory_space<vmem_shared>> -> memref<80x128xf32, #tpu.memory_space<vmem_shared>>
        %dma_wait3A_38 = arith.constant 0 : i32
        %dma_wait3A_39 = tpu.memref_slice %arg12[%add3A, %dma_wait3A_38] : memref<10240x128xf32, #tpu.memory_space<vmem_shared>> -> memref<80x128xf32, #tpu.memory_space<vmem_shared>>
        tpu.wait_dma2 semaphore(%run_scoped3A : memref<!tpu.dma_semaphore, #tpu.memory_space<semaphore_mem>>) src(%dma_wait3A_39 : memref<80x128xf32, #tpu.memory_space<vmem_shared>>) dst(%arg9 : memref<80x128xf32, #tpu.memory_space<vmem>>)
        tpu.yield
      }) : () -> ()
      "tpu.region"() ({
        %run_scoped3A = tpu.sem_alloc : memref<!tpu.dma_semaphore, #tpu.memory_space<semaphore_mem>>
        %dma_start3A = arith.constant 0 : i32
        %dma_start3A_34 = tpu.memref_slice %arg6[%arg0, %add3A, %dma_start3A] : memref<2x10240x128xf32, #tpu.memory_space<hbm>> -> memref<1x80x128xf32, #tpu.memory_space<hbm>>
        %dma_start3A_35 = tpu.memref_squeeze %dma_start3A_34 : memref<1x80x128xf32, #tpu.memory_space<hbm>> -> memref<80x128xf32, #tpu.memory_space<hbm>>
        %dma_start3A_36 = arith.constant 0 : i32
        %dma_start3A_37 = tpu.memref_slice %arg6[%arg0, %add3A, %dma_start3A_36] : memref<2x10240x128xf32, #tpu.memory_space<hbm>> -> memref<1x80x128xf32, #tpu.memory_space<hbm>>
        %dma_start3A_38 = tpu.memref_squeeze %dma_start3A_37 : memref<1x80x128xf32, #tpu.memory_space<hbm>> -> memref<80x128xf32, #tpu.memory_space<hbm>>
        tpu.enqueue_dma source(%arg9 : memref<80x128xf32, #tpu.memory_space<vmem>>) target(%dma_start3A_38 : memref<80x128xf32, #tpu.memory_space<hbm>>) target_semaphore(%run_scoped3A : memref<!tpu.dma_semaphore, #tpu.memory_space<semaphore_mem>>)
        %dma_wait3A = arith.constant 0 : i32
        %dma_wait3A_39 = tpu.memref_slice %arg6[%arg0, %add3A, %dma_wait3A] : memref<2x10240x128xf32, #tpu.memory_space<hbm>> -> memref<1x80x128xf32, #tpu.memory_space<hbm>>
        %dma_wait3A_40 = tpu.memref_squeeze %dma_wait3A_39 : memref<1x80x128xf32, #tpu.memory_space<hbm>> -> memref<80x128xf32, #tpu.memory_space<hbm>>
        %dma_wait3A_41 = arith.constant 0 : i32
        %dma_wait3A_42 = tpu.memref_slice %arg6[%arg0, %add3A, %dma_wait3A_41] : memref<2x10240x128xf32, #tpu.memory_space<hbm>> -> memref<1x80x128xf32, #tpu.memory_space<hbm>>
        %dma_wait3A_43 = tpu.memref_squeeze %dma_wait3A_42 : memref<1x80x128xf32, #tpu.memory_space<hbm>> -> memref<80x128xf32, #tpu.memory_space<hbm>>
        tpu.wait_dma2 semaphore(%run_scoped3A : memref<!tpu.dma_semaphore, #tpu.memory_space<semaphore_mem>>) src(%arg9 : memref<80x128xf32, #tpu.memory_space<vmem>>) dst(%dma_wait3A_43 : memref<80x128xf32, #tpu.memory_space<hbm>>)
        tpu.yield
      }) : () -> ()
      %scan3A_33 = arith.constant 0 : i32
      scf.yield %scan3A_33 : i32
    }
    %scan3A_27 = arith.constant 8 : i32
    return
  }
}

module attributes {stable_mosaic.version = 14 : i64} {
  func.func @_scale_body(%arg0: i32, %arg1: memref<1000x256xf32, #tpu.memory_space<vmem>>, %arg2: memref<256x256xf32, #tpu.memory_space<vmem>>, %arg3: memref<1000x2xf32, #tpu.memory_space<vmem>>, %arg4: memref<1000x128xf32, #tpu.memory_space<vmem>>, %arg5: memref<1000x128xf32, #tpu.memory_space<vmem>>, %arg6: memref<1000x1xf32, #tpu.memory_space<vmem>>) attributes {dimension_semantics = [#tpu.dimension_semantics<arbitrary>], iteration_bounds = array<i64: 10>, scalar_prefetch = 0 : i64, scratch_operands = 0 : i64, tpu.core_type = #tpu.core_type<tc>, window_params = [{transform_indices = @transform_0, window_bounds = array<i64: 1000, 256>}, {pipeline_mode = #tpu.pipeline_mode<synchronous>, transform_indices = @transform_1, window_bounds = array<i64: 256, 256>}, {transform_indices = @transform_2, window_bounds = array<i64: 1000, 2>}, {transform_indices = @transform_3, window_bounds = array<i64: 1000, 128>}, {transform_indices = @transform_4, window_bounds = array<i64: 1000, 128>}, {transform_indices = @transform_5, window_bounds = array<i64: 1000, 1>}]} {
    %get3A = arith.constant 0 : index
    %get3A_0 = arith.constant 0 : index
    %get3A_1 = vector.load %arg3[%get3A, %get3A_0] : memref<1000x2xf32, #tpu.memory_space<vmem>>, vector<1000x1xf32>
    %get3A_2 = vector.shape_cast %get3A_1 : vector<1000x1xf32> to vector<1000xf32>
    %get3A_3 = arith.constant 0 : index
    %get3A_4 = arith.constant 1 : index
    %get3A_5 = vector.load %arg3[%get3A_3, %get3A_4] : memref<1000x2xf32, #tpu.memory_space<vmem>>, vector<1000x1xf32>
    %get3A_6 = vector.shape_cast %get3A_5 : vector<1000x1xf32> to vector<1000xf32>
    %add3A = arith.addf %get3A_2, %get3A_6 : vector<1000xf32>
    %add3A_7 = arith.constant 1.000000e+00 : f32
    %add3A_8 = vector.broadcast %add3A_7 : f32 to vector<1000xf32>
    %add3A_9 = arith.addf %add3A, %add3A_8 : vector<1000xf32>
    %rsqrt3A = math.rsqrt %add3A_9 : vector<1000xf32>
    %get3A_10 = arith.constant 0 : index
    %get3A_11 = arith.constant 0 : index
    %get3A_12 = vector.load %arg1[%get3A_10, %get3A_11] : memref<1000x256xf32, #tpu.memory_space<vmem>>, vector<1000x256xf32>
    %get3A_13 = arith.constant 0 : index
    %get3A_14 = arith.constant 0 : index
    %get3A_15 = vector.load %arg2[%get3A_13, %get3A_14] : memref<256x256xf32, #tpu.memory_space<vmem>>, vector<256x256xf32>
    %dot_general3A = arith.constant dense<0.000000e+00> : vector<1000x256xf32>
    %dot_general3A_16 = tpu.matmul %get3A_12, %get3A_15, %dot_general3A {dimension_numbers = #tpu.dot_dimension_numbers<[1], [0], [0], [1], [0, 0, 1, 1], [], []>, transpose_lhs_hint = false} : vector<1000x256xf32>, vector<256x256xf32>, vector<1000x256xf32> -> vector<1000x256xf32>
    %broadcast_in_dim3A = vector.shape_cast %rsqrt3A : vector<1000xf32> to vector<1000x1xf32>
    %mul3A = vector.broadcast %broadcast_in_dim3A : vector<1000x1xf32> to vector<1000x256xf32>
    %mul3A_17 = arith.mulf %mul3A, %dot_general3A_16 : vector<1000x256xf32>
    %slice3A = vector.extract_strided_slice %mul3A_17 {offsets = [0, 0], sizes = [1000, 128], strides = [1, 1]} : vector<1000x256xf32> to vector<1000x128xf32>
    %swap3A = arith.constant 0 : index
    %swap3A_18 = arith.constant 0 : index
    %swap3A_19 = vector.load %arg4[%swap3A, %swap3A_18] : memref<1000x128xf32, #tpu.memory_space<vmem>>, vector<1000x128xf32>
    tpu.vector_store %arg4[%swap3A, %swap3A_18], %slice3A {strides = array<i32>} : memref<1000x128xf32, #tpu.memory_space<vmem>>, vector<1000x128xf32>,
    %slice3A_20 = vector.extract_strided_slice %mul3A_17 {offsets = [0, 128], sizes = [1000, 128], strides = [1, 1]} : vector<1000x256xf32> to vector<1000x128xf32>
    %swap3A_21 = arith.constant 0 : index
    %swap3A_22 = arith.constant 0 : index
    %swap3A_23 = vector.load %arg5[%swap3A_21, %swap3A_22] : memref<1000x128xf32, #tpu.memory_space<vmem>>, vector<1000x128xf32>
    tpu.vector_store %arg5[%swap3A_21, %swap3A_22], %slice3A_20 {strides = array<i32>} : memref<1000x128xf32, #tpu.memory_space<vmem>>, vector<1000x128xf32>,
    %broadcast_in_dim3A_24 = vector.shape_cast %rsqrt3A : vector<1000xf32> to vector<1000x1xf32>
    %swap3A_25 = arith.constant 0 : index
    %swap3A_26 = arith.constant 0 : index
    %swap3A_27 = vector.load %arg6[%swap3A_25, %swap3A_26] : memref<1000x1xf32, #tpu.memory_space<vmem>>, vector<1000x1xf32>
    tpu.vector_store %arg6[%swap3A_25, %swap3A_26], %broadcast_in_dim3A_24 {strides = array<i32>} : memref<1000x1xf32, #tpu.memory_space<vmem>>, vector<1000x1xf32>,
    return
  }
  func.func @transform_0(%arg0: i32) -> (i32, i32) {
    %c0_i32 = arith.constant 0 : i32
    %c0_i32_0 = arith.constant 0 : i32
    return %arg0, %c0_i32 : i32, i32
  }
  func.func @transform_1(%arg0: i32) -> (i32, i32) {
    %c0_i32 = arith.constant 0 : i32
    %c0_i32_0 = arith.constant 0 : i32
    %c0_i32_1 = arith.constant 0 : i32
    return %c0_i32, %c0_i32_0 : i32, i32
  }
  func.func @transform_2(%arg0: i32) -> (i32, i32) {
    %c0_i32 = arith.constant 0 : i32
    %c0_i32_0 = arith.constant 0 : i32
    return %arg0, %c0_i32 : i32, i32
  }
  func.func @transform_3(%arg0: i32) -> (i32, i32) {
    %c0_i32 = arith.constant 0 : i32
    %c0_i32_0 = arith.constant 0 : i32
    return %arg0, %c0_i32 : i32, i32
  }
  func.func @transform_4(%arg0: i32) -> (i32, i32) {
    %c0_i32 = arith.constant 0 : i32
    %c0_i32_0 = arith.constant 0 : i32
    return %arg0, %c0_i32 : i32, i32
  }
  func.func @transform_5(%arg0: i32) -> (i32, i32) {
    %c0_i32 = arith.constant 0 : i32
    %c0_i32_0 = arith.constant 0 : i32
    return %arg0, %c0_i32 : i32, i32
  }
}

module attributes {stable_mosaic.version = 14 : i64} {
  func.func @_final_body(%arg0: i32, %arg1: memref<2x1000x128xf32, #tpu.memory_space<vmem>>, %arg2: memref<1000x128xf32, #tpu.memory_space<vmem>>, %arg3: memref<1000x128xf32, #tpu.memory_space<vmem>>, %arg4: memref<1000x1xf32, #tpu.memory_space<vmem>>, %arg5: memref<2x128xf32, #tpu.memory_space<vmem>>, %arg6: memref<1000x256xf32, #tpu.memory_space<vmem>>) attributes {dimension_semantics = [#tpu.dimension_semantics<arbitrary>], iteration_bounds = array<i64: 10>, scalar_prefetch = 0 : i64, scratch_operands = 0 : i64, tpu.core_type = #tpu.core_type<tc>, window_params = [{transform_indices = @transform_0, window_bounds = array<i64: 2, 1000, 128>}, {transform_indices = @transform_1, window_bounds = array<i64: 1000, 128>}, {transform_indices = @transform_2, window_bounds = array<i64: 1000, 128>}, {transform_indices = @transform_3, window_bounds = array<i64: 1000, 1>}, {pipeline_mode = #tpu.pipeline_mode<synchronous>, transform_indices = @transform_4, window_bounds = array<i64: 2, 128>}, {transform_indices = @transform_5, window_bounds = array<i64: 1000, 256>}]} {
    %get3A = arith.constant 0 : index
    %get3A_0 = arith.constant 0 : index
    %get3A_1 = vector.load %arg4[%get3A, %get3A_0] : memref<1000x1xf32, #tpu.memory_space<vmem>>, vector<1000x1xf32>
    %get3A_2 = vector.shape_cast %get3A_1 : vector<1000x1xf32> to vector<1000xf32>
    %broadcast_in_dim3A = vector.shape_cast %get3A_2 : vector<1000xf32> to vector<1000x1xf32>
    %get3A_3 = arith.constant 0 : index
    %get3A_4 = arith.constant 0 : index
    %get3A_5 = arith.constant 0 : index
    %get3A_6 = vector.load %arg1[%get3A_3, %get3A_4, %get3A_5] : memref<2x1000x128xf32, #tpu.memory_space<vmem>>, vector<1x1000x128xf32>
    %get3A_7 = vector.shape_cast %get3A_6 : vector<1x1000x128xf32> to vector<1000x128xf32>
    %get3A_8 = arith.constant 0 : index
    %get3A_9 = arith.constant 0 : index
    %get3A_10 = vector.load %arg2[%get3A_8, %get3A_9] : memref<1000x128xf32, #tpu.memory_space<vmem>>, vector<1000x128xf32>
    %add3A = arith.addf %get3A_7, %get3A_10 : vector<1000x128xf32>
    %mul3A = vector.broadcast %broadcast_in_dim3A : vector<1000x1xf32> to vector<1000x128xf32>
    %mul3A_11 = arith.mulf %mul3A, %add3A : vector<1000x128xf32>
    %get3A_12 = arith.constant 0 : index
    %get3A_13 = arith.constant 0 : index
    %get3A_14 = vector.load %arg5[%get3A_12, %get3A_13] : memref<2x128xf32, #tpu.memory_space<vmem>>, vector<1x128xf32>
    %get3A_15 = vector.shape_cast %get3A_14 : vector<1x128xf32> to vector<128xf32>
    %broadcast_in_dim3A_16 = vector.shape_cast %get3A_15 : vector<128xf32> to vector<1x128xf32>
    %add3A_17 = vector.broadcast %broadcast_in_dim3A_16 : vector<1x128xf32> to vector<1000x128xf32>
    %add3A_18 = arith.addf %mul3A_11, %add3A_17 : vector<1000x128xf32>
    %swap3A = arith.constant 0 : index
    %swap3A_19 = arith.constant 0 : index
    %swap3A_20 = vector.load %arg6[%swap3A, %swap3A_19] : memref<1000x256xf32, #tpu.memory_space<vmem>>, vector<1000x128xf32>
    tpu.vector_store %arg6[%swap3A, %swap3A_19], %add3A_18 {strides = array<i32>} : memref<1000x256xf32, #tpu.memory_space<vmem>>, vector<1000x128xf32>,
    %broadcast_in_dim3A_21 = vector.shape_cast %get3A_2 : vector<1000xf32> to vector<1000x1xf32>
    %get3A_22 = arith.constant 1 : index
    %get3A_23 = arith.constant 0 : index
    %get3A_24 = arith.constant 0 : index
    %get3A_25 = vector.load %arg1[%get3A_22, %get3A_23, %get3A_24] : memref<2x1000x128xf32, #tpu.memory_space<vmem>>, vector<1x1000x128xf32>
    %get3A_26 = vector.shape_cast %get3A_25 : vector<1x1000x128xf32> to vector<1000x128xf32>
    %get3A_27 = arith.constant 0 : index
    %get3A_28 = arith.constant 0 : index
    %get3A_29 = vector.load %arg3[%get3A_27, %get3A_28] : memref<1000x128xf32, #tpu.memory_space<vmem>>, vector<1000x128xf32>
    %add3A_30 = arith.addf %get3A_26, %get3A_29 : vector<1000x128xf32>
    %mul3A_31 = vector.broadcast %broadcast_in_dim3A_21 : vector<1000x1xf32> to vector<1000x128xf32>
    %mul3A_32 = arith.mulf %mul3A_31, %add3A_30 : vector<1000x128xf32>
    %get3A_33 = arith.constant 1 : index
    %get3A_34 = arith.constant 0 : index
    %get3A_35 = vector.load %arg5[%get3A_33, %get3A_34] : memref<2x128xf32, #tpu.memory_space<vmem>>, vector<1x128xf32>
    %get3A_36 = vector.shape_cast %get3A_35 : vector<1x128xf32> to vector<128xf32>
    %broadcast_in_dim3A_37 = vector.shape_cast %get3A_36 : vector<128xf32> to vector<1x128xf32>
    %add3A_38 = vector.broadcast %broadcast_in_dim3A_37 : vector<1x128xf32> to vector<1000x128xf32>
    %add3A_39 = arith.addf %mul3A_32, %add3A_38 : vector<1000x128xf32>
    %swap3A_40 = arith.constant 0 : index
    %swap3A_41 = arith.constant 128 : index
    %swap3A_42 = vector.load %arg6[%swap3A_40, %swap3A_41] : memref<1000x256xf32, #tpu.memory_space<vmem>>, vector<1000x128xf32>
    tpu.vector_store %arg6[%swap3A_40, %swap3A_41], %add3A_39 {strides = array<i32>} : memref<1000x256xf32, #tpu.memory_space<vmem>>, vector<1000x128xf32>,
    return
  }
  func.func @transform_0(%arg0: i32) -> (i32, i32, i32) {
    %c0_i32 = arith.constant 0 : i32
    %c0_i32_0 = arith.constant 0 : i32
    %c0_i32_1 = arith.constant 0 : i32
    return %c0_i32, %arg0, %c0_i32_0 : i32, i32, i32
  }
  func.func @transform_1(%arg0: i32) -> (i32, i32) {
    %c0_i32 = arith.constant 0 : i32
    %c0_i32_0 = arith.constant 0 : i32
    return %arg0, %c0_i32 : i32, i32
  }
  func.func @transform_2(%arg0: i32) -> (i32, i32) {
    %c0_i32 = arith.constant 0 : i32
    %c0_i32_0 = arith.constant 0 : i32
    return %arg0, %c0_i32 : i32, i32
  }
  func.func @transform_3(%arg0: i32) -> (i32, i32) {
    %c0_i32 = arith.constant 0 : i32
    %c0_i32_0 = arith.constant 0 : i32
    return %arg0, %c0_i32 : i32, i32
  }
  func.func @transform_4(%arg0: i32) -> (i32, i32) {
    %c0_i32 = arith.constant 0 : i32
    %c0_i32_0 = arith.constant 0 : i32
    %c0_i32_1 = arith.constant 0 : i32
    return %c0_i32, %c0_i32_0 : i32, i32
  }
  func.func @transform_5(%arg0: i32) -> (i32, i32) {
    %c0_i32 = arith.constant 0 : i32
    %c0_i32_0 = arith.constant 0 : i32
    return %arg0, %c0_i32 : i32, i32
  }
}

</mosaic_0001>

<sc_bundles>
// kernel: kernel.6.cloned.1.call-start
scs
__scs_entry_jumppad:
0x0: {  	(pc) =	sbr.rel $0x88, $3  }
0x1: {  	(tag) =	ssettag $0x0;
	lr =	simm.s32 $0x1  }
0x2: {  	[smem:$0x3F9D] =	sst lr;
	_ =	strace $0xD0000000  }
0x3: {  	_ = 	snop  }
0x4: {  	_ = 	snop  }
0x5: {  	_ = 	snop  }
0x6: {  	_ = 	snop  }
0x7: {  	_ = 	snop  }
__scs_overlays_trampoline_lowered:
0x8: {  	[smem:$0x3FAC] =	sst s0  }
0x9: {  	[smem:$0x3FAD] =	sst s1  }
0xa: {  	[smem:$0x3FAE] =	sst s2  }
0xb: {  	[smem:$0x3FAF] =	sst s3  }
0xc: {  	[smem:$0x3FB0] =	sst s4  }
0xd: {  	[smem:$0x3FB1] =	sst s5  }
0xe: {  	[smem:$0x3FB2] =	sst s6  }
0xf: {  	[smem:$0x3FB3] =	sst s7  }
0x10: {  	[smem:$0x3FB4] =	sst s8  }
0x11: {  	[smem:$0x3FB5] =	sst s9;
	s0 =	simm.s32 @!p0 $0x0  }
0x12: {  	s1 =	sld [smem:$0x3F9B];
	s0 =	simm.s32 @p0 $0x1  }
0x13: {  	[smem:$0x3FB6] =	sst s0;
	s0 =	simm.s32 @!p1 $0x0  }
0x14: {  	s2 =	sld [smem:$0x3F9A];
	s0 =	simm.s32 @p1 $0x1  }
0x15: {  	[smem:$0x3FB7] =	sst s0;
	s0 =	simm.s32 @!p2 $0x0  }
0x16: {  	s3 =	sld [smem:$0x3FDB];
	s0 =	simm.s32 @p2 $0x1  }
0x17: {  	s4 =	simm.s32 $0x1BF5;
	[smem:$0x3FB9] =	sst s0  }
0x18: {  	s0 =	sld [smem:$0x3F9C];
	_ =	swait.ge [sflag:s4], $0x0  }
0x19: {  	s7 =	sld [smem:$0x3F9D]  }
0x1a: {  	s8 =	sadd.s32 $0xFFFFE003, lr  }
0x1b: {  	s9 =	sadd.s32 $0xFFFFFEF7, lr;
	s5 =	simm.s32 $0xFFFFFFFF;
	p2 =	slt.u32 s8, $0xFFFFF086  }
0x1c: {  	p1 =	slt.u32 s9, $0xF7A;
	s5 =	simm.s32 @!p2 $0x0  }
0x1d: {  	s5 =	simm.s32 @p1 $0x1;
	p0 =	seq.s32 s7, s2  }
0x1e: {  	s7 =	smul.u32 @!p0 $0xF7A, s2;
	p2 =	seq.s32 @!p0 s5, $0x0  }
0x1f: {  	s9 =	smul.u32 $0xF7A, s1;
	s8 =	simm.s32 @!p0 $0x1BF5;
	p2 =	por !p2, p0  }
0x20: {  	[sflag:s8] =	ssyncset.s32 @!p0 $0xFFFFF086;
	s6 =	sadd.s32 @!p0 s3, s7;
	s7 =	simm.s32 @!p0 $0x108  }
0x21: {  	s3 =	sadd.s32 s3, s9;
	s6 =	sadd.s32 @!p0 $0x88, s6;
	s7 =	simm.s32 @p2 $0x1082  }
0x22: {  	[simem:s7], [sflag:s8] =	dma.local @!p0 [hbm:s6], $0xF7A  }
0x23: {  	s9 =	sor.u32 $0xD0000000, s2;
	s6 =	simm.s32 $0x108;
	_ =	swait.ge @!p0 [sflag:s8], $0x0  }
0x24: {  	s3 =	sadd.s32 $0x88, s3;
	s6 =	simm.s32 @!p1 $0x1082;
	[sflag:s4] =	ssyncset.s32 $0xFFFFF086  }
0x25: {  	[simem:s6], [sflag:s4] =	dma.local [hbm:s3], $0xF7A  }
0x26: {  	[smem:$0x3F9D] =	sst s1;
	(tag) =	ssettag s2;
	_ =	strace s9  }
0x27: {  	s1 =	sld [smem:$0x3FAD]  }
0x28: {  	s2 =	sld [smem:$0x3FAE]  }
0x29: {  	s4 =	sld [smem:$0x3FB0]  }
0x2a: {  	p0 =	seq.s32 s5, $0x0;
	s5 =	sld [smem:$0x3FB1]  }
0x2b: {  	s6 =	sld [smem:$0x3FB2]  }
0x2c: {  	s7 =	sld [smem:$0x3FB3]  }
0x2d: {  	s3 =	simm.s32 $0x108;
	s8 =	sld [smem:$0x3FB4]  }
0x2e: {  	s3 =	simm.s32 @!p0 $0x1082;
	s9 =	sld [smem:$0x3FB5]  }
0x2f: {  	lr =	sadd.s32 s0, s3;
	s0 =	sld [smem:$0x3FAC]  }
0x30: {  	s3 =	sld [smem:$0x3FAF]  }
0x31: {  	[smem:$0x3FB8] =	sst s10  }
0x32: {  	s10 =	sld [smem:$0x3FB6];
	_ =	sdelay $0x3  }
0x33: {  	p0 =	seq.s32 s10, $0x1;
	s10 =	sld [smem:$0x3FB8];
	_ =	sdelay $0x3  }
0x34: {  	[smem:$0x3FB8] =	sst s10  }
0x35: {  	s10 =	sld [smem:$0x3FB7];
	_ =	sdelay $0x3  }
0x36: {  	p1 =	seq.s32 s10, $0x1;
	s10 =	sld [smem:$0x3FB8];
	_ =	sdelay $0x3  }
0x37: {  	[smem:$0x3FB8] =	sst s10  }
0x38: {  	s10 =	sld [smem:$0x3FB9]  }
0x39: {  	_ = 	snop;
	(pc) =	sbr.ind lr, $3  }
0x3a: {  	_ = 	snop  }
0x3b: {  	_ = 	snop  }
0x3c: {  	p2 =	seq.s32 s10, $0x1;
	s10 =	sld [smem:$0x3FB8]  }
0x3d: {  	_ =	shalt  }
0x3e: {  	_ =	shalt  }
0x3f: {  	_ =	shalt  }
0x40: {  	_ =	shalt  }
0x41: {  	_ =	shalt  }
0x42: {  	_ =	shalt  }
0x43: {  	_ =	shalt  }
0x44: {  	_ =	shalt  }
0x45: {  	_ =	shalt  }
0x46: {  	_ =	shalt  }
0x47: {  	_ =	shalt  }
0x48: {  	_ =	shalt  }
0x49: {  	_ =	shalt  }
0x4a: {  	_ =	shalt  }
0x4b: {  	_ =	shalt  }
0x4c: {  	_ =	shalt  }
0x4d: {  	_ =	shalt  }
0x4e: {  	_ =	shalt  }
0x4f: {  	_ =	shalt  }
0x50: {  	_ =	shalt  }
0x51: {  	_ =	shalt  }
0x52: {  	_ =	shalt  }
0x53: {  	_ =	shalt  }
0x54: {  	_ =	shalt  }
0x55: {  	_ =	shalt  }
0x56: {  	_ =	shalt  }
0x57: {  	_ =	shalt  }
0x58: {  	_ =	shalt  }
0x59: {  	_ =	shalt  }
0x5a: {  	_ =	shalt  }
0x5b: {  	_ =	shalt  }
0x5c: {  	_ =	shalt  }
0x5d: {  	_ =	shalt  }
0x5e: {  	_ =	shalt  }
0x5f: {  	_ =	shalt  }
0x60: {  	_ =	shalt  }
0x61: {  	_ =	shalt  }
0x62: {  	_ =	shalt  }
0x63: {  	_ =	shalt  }
0x64: {  	_ =	shalt  }
0x65: {  	_ =	shalt  }
0x66: {  	_ =	shalt  }
0x67: {  	_ =	shalt  }
0x68: {  	_ =	shalt  }
0x69: {  	_ =	shalt  }
0x6a: {  	_ =	shalt  }
0x6b: {  	_ =	shalt  }
0x6c: {  	_ =	shalt  }
0x6d: {  	_ =	shalt  }
0x6e: {  	_ =	shalt  }
0x6f: {  	_ =	shalt  }
0x70: {  	_ =	shalt  }
0x71: {  	_ =	shalt  }
0x72: {  	_ =	shalt  }
0x73: {  	_ =	shalt  }
0x74: {  	_ =	shalt  }
0x75: {  	_ =	shalt  }
0x76: {  	_ =	shalt  }
0x77: {  	_ =	shalt  }
0x78: {  	_ =	shalt  }
0x79: {  	_ =	shalt  }
0x7a: {  	_ =	shalt  }
0x7b: {  	_ =	shalt  }
0x7c: {  	_ =	shalt  }
0x7d: {  	_ =	shalt  }
0x7e: {  	_ =	shalt  }
0x7f: {  	_ =	shalt  }
0x80: {  	_ =	shalt  }
0x81: {  	_ =	shalt  }
0x82: {  	_ =	shalt  }
0x83: {  	_ =	shalt  }
0x84: {  	_ =	shalt  }
0x85: {  	_ =	shalt  }
0x86: {  	_ =	shalt  }
0x87: {  	_ =	shalt  }
.Lfunc_end0:
.L_simem_size_0:
called_computation_lowered:
.L_overlay_start_0:
0x88: {  	s2 =	sld [smem:$0x3FD9]  }
0x89: {  	s3 =	sld [smem:$0x3FFE];
	_ =	sdelay $0x1  }
0x8a: {  	s1 =	srdreg.scid  }
0x8b: {  	s0 =	sand.u32 $0x1, s1  }
0x8c: {  	s17 =	sshll.u32 s0, $0xA;
	s2 =	sadd.s32 s3, s2  }
0x8d: {  	s2 =	sadd.s32 s2, s17  }
0x8e: {  	[smem:$0x3FC4] =	sst s2  }
0x8f: {  	_ = 	snop  }
0x90: {  	s2 =	sld [smem:$0x3FD0];
	(tm) =	ssettm $0x1  }
0x91: {  	s18 =	sld [smem:$0x3FFB];
	_ =	sdelay $0x3  }
0x92: {  	_ =	strace s18  }
0x93: {  	s3 =	sld [smem:$0x3FFC];
	_ =	sdelay $0x3  }
0x94: {  	_ =	strace s3  }
0x95: {  	s3 =	sld [smem:$0x3FFD];
	_ =	sdelay $0x3  }
0x96: {  	_ =	strace s3  }
0x97: {  	_ =	strace $0x8FFFFFFF  }
0x98: {  	s19 =	sld [smem:$0x3FDB];
	_ =	sdelay $0x1  }
0x99: {  	s4 =	simm.s32 $_scs_section_size  }
0x9a: {  	s5 =	simm.s32 $_size__tile_overlayer_lowered;
	s6 =	simm.s32 $_tile_overlayer_lowered  }
0x9b: {  	s22 =	simm.s32 $0x1BFF;
	s21 =	sshll.u32 s6, $0x1;
	s3 =	sadd.s32 s4, s19  }
0x9c: {  	s7 =	simm.s32 $0x0;
	s20 =	sshll.u32 s5, $0x1;
	s5 =	sadd.s32 s21, s3  }
0x9d: {  	[timem:s7], [sflag:s22] =	dma.local [hbm:s5], s20  }
0x9e: {  	_ =	swait.ge [sflag:s22], s20  }
0x9f: {  	s4 =	ssub.s32 $0x0, s20;
	[sflag:s22] =	ssyncset.done $0x0  }
0xa0: {  	[sflag:s22] =	ssyncadd.s32 s4;
	_ =	sdelay $0x1  }
0xa1: {  	s23 =	simm.s32 $0x1B8B  }
0xa2: {  	_ =	swait.ge [sflag:s23], $0x1  }
0xa3: {  	[sflag:s23] =	ssyncset.done $0x0  }
0xa4: {  	s25 =	simm.s32 $0x1B8E;
	s24 =	sld [smem:$0x3FFE];
	[sflag:s23] =	ssyncadd.s32 $0xFFFFFFFF  }
0xa5: {  	s26 =	simm.s32 $execute0_lowered;
	[smem:$0x3FD2] =	sst s25  }
0xa6: {  	s5 =	sshll.u32 s26, $0x1;
	_ =	strace $0x80000046;
	[dreg:$0x1] =	wrdreg $0xFFFFFFFF  }
0xa7: {  	s28 =	simm.s32 $_size_execute0_lowered;
	s3 =	sadd.s32 s3, s5;
	[dreg:$0x0] =	wrdreg $0x0  }
0xa8: {  	s5 =	sshll.u32 s28, $0x1;
	[dreg:$0x2] =	wrdreg s3  }
0xa9: {  	[dreg:$0x3] =	wrdreg s5  }
0xaa: {  	[dreg:$0x4] =	wrdreg $0xC0  }
0xab: {  	_ =	task [dreg:s7], $0x5FFFF  }
0xac: {  	[dreg:$0x1] =	wrdreg $0xFFFFFFFF  }
0xad: {  	[dreg:$0x0] =	wrdreg $0x60  }
0xae: {  	[dreg:$0x2] =	wrdreg s2  }
0xaf: {  	[dreg:$0x3] =	wrdreg s24  }
0xb0: {  	[dreg:$0x4] =	wrdreg $0x17000  }
0xb1: {  	[dreg:$0x5] =	wrdreg $0x9  }
0xb2: {  	_ =	task.clear_ibuf [dreg:s7], $0x6FFFF;
	_ =	strace $0x90000046  }
0xb3: {  	s29 =	simm.s32 $0x9;
	_ =	strace $0x80000048  }
0xb4: {  	_ =	swait.ge [sflag:s29], $0x1  }
0xb5: {  	[sflag:s29] =	ssyncadd.s32 $0xFFFFFFFF  }
0xb6: {  	_ =	strace $0x90000048  }
0xb7: {  	_ =	sfence  }
0xb8: {  	s30 =	sld [smem:$0x0];
	_ =	sdelay $0x2  }
0xb9: {  	s31 =	sshll.u32 s1, $0xD;
	s1 =	sshrl.u32 s1, $0x2  }
0xba: {  	s3 =	sand.u32 $0x4000, s31;
	s1 =	sadd.s32 s1, s30  }
0xbb: {  	s0 =	sor.u32 s3, s0;
	s1 =	sshll.u32 s1, $0x11  }
0xbc: {  	s0 =	sor.u32 s1, s0  }
0xbd: {  	s0 =	sadd.s32 $0x8F2B, s0  }
0xbe: {  	[sflag:s0] =	ssyncadd.remote.s32 $0x1  }
0xbf: {  	_ =	sfence.sel $0xFFFF  }
0xc0: {  	[dreg:$0x0] =	wrdreg $0xFFFFFFFF;
	(pc) =	sbr.abs _section_cstart, $3  }
0xc1: {  	[dreg:$0x1] =	wrdreg $0xFFFFFFFF  }
0xc2: {  	_ =	task.clear_ibuf [dreg:s7], $0x2FFFF;
	_ =	strace $0x9FFFFFFF  }
0xc3: {  	(tm) =	ssettm $0x7FFFFFFF  }
tec
execute0_lowered:
.L_overlay_start_1:
0x0: {  	(tag) =	ssettag $0x1  }
0x1: {  	s4 =	rddreg [dreg:$0x0]  }
0x2: {  	s5 =	rddreg [dreg:$0x1];
	s0 =	srdreg.scid  }
0x3: {  	s2 =	rddreg [dreg:$0x2];
	s1 =	stileid.u32;
	s3 =	simm.s32 $0x0  }
0x4: {  	s11 =	simm.s32 $0x1400;
	s12 =	simm.s32 $0x100;
	s13 =	simm.s32 $0x0  }
0x5: {  	s6 =	sand.u32 $0x1, s0;
	s0 =	rddreg [dreg:$0x3];
	s7 =	smul.u32 $0x500, s1  }
0x6: {  	[smem:$0x7FF] =	sst s3;
	s29 =	smul.u32 $0xA00, s1;
	s8 =	sshll.u32 s6, $0x4  }
0x7: {  	s9 =	sshll.u32 s6, $0x7;
	s6 =	ssub.s32 $0x2, s6;
	_ =	strace $0x80000047  }
0x8: {  	s8 =	sor.u32 s1, s8;
	s7 =	sor.u32 s9, s7;
	s30 =	sshrl.u32 s6, $0x1  }
0x9: {  	s31 =	sshrl.u32 s29, $0x2;
	s8 =	smul.u32 $0x280, s8;
	s7 =	sshrl.u32 s7, $0x3  }
0xa: {  	s9 =	simm.s32 $0x1480;
	s10 =	ssub.s32 s6, s30;
	s7 =	sadd.s32 s7, s5  }
0xb: {  	s5 =	sadd.s32 s31, s2;
	s4 =	sadd.s32 s4, s8;
	s6 =	sadd.s32 $0xE00, s7  }
0xc: {  	v0 =	vimm.f32 $1.000000000e+00;
	v1 =	vimm.f32 $0.0e+00;
	s7 =	smax.u32 s10, $0x1;
	s8 =	simm.s32 $0x1;
	s10 =	simm.s32 $0x80  }
.LBB2_1:
0xd: {  	[tilespmem:s3], [sflag:$0x1] =	stream.linear.gather [hbm4b:s4+s3], $0x1400, $0x38;
	[tilespmem:$0x1980] =	vst v63  }
0xe: {  	_ =	swait.ge [sflag:s8], $0x1400  }
0xf: {  	[sflag:s8] =	ssyncset.done $0x0  }
0x10: {  	[sflag:s8] =	ssyncadd.s32 $0xFFFFEC00  }
0x11: {  	[tilespmem:$0x1400] =	vst v0  }
0x12: {  	[tilespmem:$0x1480] =	vst v1  }
0x13: {  	[tilespmem:$0x1410] =	vst v0  }
0x14: {  	[tilespmem:$0x1490] =	vst v1  }
0x15: {  	[tilespmem:$0x1420] =	vst v0  }
0x16: {  	[tilespmem:$0x14A0] =	vst v1  }
0x17: {  	[tilespmem:$0x1430] =	vst v0  }
0x18: {  	[tilespmem:$0x14B0] =	vst v1  }
0x19: {  	[tilespmem:$0x1440] =	vst v0  }
0x1a: {  	[tilespmem:$0x14C0] =	vst v1  }
0x1b: {  	[tilespmem:$0x1450] =	vst v0  }
0x1c: {  	[tilespmem:$0x14D0] =	vst v1  }
0x1d: {  	[tilespmem:$0x1460] =	vst v0  }
0x1e: {  	[tilespmem:$0x14E0] =	vst v1  }
0x1f: {  	[tilespmem:$0x1470] =	vst v0  }
0x20: {  	s14 =	simm.s32 $0x10;
	s15 =	sand.u32 $0x1F0, s3;
	[tilespmem:$0x14F0] =	vst v1  }
.LBB2_2:
0x21: {  	p0 =	sne.s32 s14, $0x1F0;
	[tilespmem:s15+$0x1500] =	vst v1;
	s15 =	smov.u32 s14;
	s14 =	sadd.s32 $0x10, s14  }
.Ltmp0:
0x22: {  	(pc) =	sbr.rel @p0 .LBB2_2-.Ltmp0, $2  }
0x23: {  	_ =	sdelay $0x2  }
0x24: {  	s15 =	sand.u32 $0x1F0, s15  }
0x25: {  	[tilespmem:s15+$0x1500] =	vst v1  }
0x26: {  	[spmem:s5] =	stream.linear.scatter [tilespmem:s9], [sflag:$0x1], $0x280, $0x38;
	[tilespmem:$0x1980] =	vst v63  }
0x27: {  	_ =	swait.ge [sflag:s8], $0x280  }
0x28: {  	[sflag:s8] =	ssyncset.done $0x0  }
0x29: {  	[sflag:s8] =	ssyncadd.s32 $0xFFFFFD80  }
0x2a: {  	s14 =	simm.s32 $0x0;
	[bflag:$0x0] =	sbarrier.arrive $0xFFFF  }
0x2b: {  	[spmem:s2] =	stream.indirect.scatter.add.f32 [tilespmem:s11], [sflag:$0x1], $0x1, s14, s10, $0xb8;
	[tilespmem:$0x1980] =	vst v63  }
0x2c: {  	_ =	swait.ge [sflag:s8], $0x80  }
0x2d: {  	s14 =	simm.s32 $0x200;
	[sflag:s8] =	ssyncset.done $0x0  }
.LBB2_4:
0x2e: {  	s15 =	sshra.s32 s14, $0x2;
	[sflag:s8] =	ssyncadd.s32 $0xFFFFFF80;
	p0 =	sne.s32 s14, $0x4E00  }
0x2f: {  	[spmem:s2] =	stream.indirect.scatter.add.f32 [tilespmem:s11], [sflag:$0x1], $0x1, s15, s10, $0xb8;
	[tilespmem:$0x1980] =	vst v63  }
.Ltmp1:
0x30: {  	_ = 	snop;
	(pc) =	sbr.rel @p0 .LBB2_4-.Ltmp1, $4  }
0x31: {  	_ = 	snop  }
0x32: {  	s14 =	sadd.s32 $0x200, s14  }
0x33: {  	_ =	swait.ge [sflag:s8], $0x80  }
0x34: {  	[sflag:s8] =	ssyncset.done $0x0  }
0x35: {  	[sflag:s8] =	ssyncadd.s32 $0xFFFFFF80  }
0x36: {  	[bflag:$0x0] =	sbarrier.arrive $0xFFFF  }
0x37: {  	[tilespmem:s9], [sflag:$0x1] =	stream.linear.gather [spmem:s5], $0x280, $0x38;
	[tilespmem:$0x1980] =	vst v63  }
0x38: {  	s13 =	sadd.s32 $0x1, s13;
	_ =	swait.ge [sflag:s8], $0x280  }
0x39: {  	p0 =	sne.s32 s13, s7;
	[sflag:s8] =	ssyncset.done $0x0  }
.Ltmp2:
0x3a: {  	[sflag:s8] =	ssyncadd.s32 $0xFFFFFD80;
	(pc) =	sbr.rel @p0 .LBB2_1-.Ltmp2, $4  }
0x3b: {  	[hbm4b:s6+s10] =	stream.strided.scatter [tilespmem:s9], [sflag:$0x1], $0x280, s12, s10, $0x38;
	[tilespmem:$0x1980] =	vst v63  }
0x3c: {  	_ =	swait.ge [sflag:s8], $0x280  }
0x3d: {  	[sflag:s8] =	ssyncset.done $0x0  }
0x3e: {  	[sflag:s8] =	ssyncadd.s32 $0xFFFFFD80  }
0x3f: {  	_ =	sfence.sel $0x180000  }
0x40: {  	[bflag:$0x0] =	sbarrier.arrive $0xFFFF  }
0x41: {  	p0 =	sne.s32 s1, $0x0;
	_ =	strace $0x90000047  }
0x42: {  	s0 =	sadd.s32 @!p0 $0x100000, s0;
	[bflag:$0x2] =	sbarrier.arrive $0xFFFF  }
0x43: {  	[sflag:s0] =	ssyncadd.tile.s32 @!p0 $0x1;
	_ =	shalt  }
.Lfunc_end2:
_tile_overlayer_lowered:
.L_overlay_start_2:
0x44: {  	(tag) =	ssettag $0x2  }
0x45: {  	s0 =	rddreg [dreg:$0x0];
	s2 =	stileid.u32  }
0x46: {  	s1 =	rddreg [dreg:$0x1];
	p0 =	sne.s32 s2, $0x0  }
0x47: {  	s3 =	rddreg [dreg:$0x2];
	[bflag:$0x3] =	sbarrier.arrive $0xFFFF;
	s2 =	simm.s32 @!p0 $0x1C01  }
0x48: {  	[timem:s3], [sflag:s2] =	dma.local @!p0 [hbm:s0], s1  }
0x49: {  	s0 =	simm.s32 @!p0 $0x1  }
0x4a: {  	_ =	swait.ge @!p0 [sflag:s0], s1  }
0x4b: {  	s1 =	ssub.s32 @!p0 $0x0, s1;
	[sflag:s0] =	ssyncset.done @!p0 $0x0  }
0x4c: {  	[sflag:s0] =	ssyncadd.s32 @!p0 s1  }
0x4d: {  	[bflag:$0x3] =	sbarrier.arrive $0xFFFF  }
0x4e: {  	_ =	shalt  }

// kernel: kernel.9.cloned.1.call-start
scs
__scs_entry_jumppad:
0x0: {  	(pc) =	sbr.rel $0x88, $3  }
0x1: {  	(tag) =	ssettag $0x0;
	lr =	simm.s32 $0x1  }
0x2: {  	[smem:$0x3F9D] =	sst lr;
	_ =	strace $0xD0000000  }
0x3: {  	_ = 	snop  }
0x4: {  	_ = 	snop  }
0x5: {  	_ = 	snop  }
0x6: {  	_ = 	snop  }
0x7: {  	_ = 	snop  }
__scs_overlays_trampoline_lowered:
0x8: {  	[smem:$0x3FAC] =	sst s0  }
0x9: {  	[smem:$0x3FAD] =	sst s1  }
0xa: {  	[smem:$0x3FAE] =	sst s2  }
0xb: {  	[smem:$0x3FAF] =	sst s3  }
0xc: {  	[smem:$0x3FB0] =	sst s4  }
0xd: {  	[smem:$0x3FB1] =	sst s5  }
0xe: {  	[smem:$0x3FB2] =	sst s6  }
0xf: {  	[smem:$0x3FB3] =	sst s7  }
0x10: {  	[smem:$0x3FB4] =	sst s8  }
0x11: {  	[smem:$0x3FB5] =	sst s9;
	s0 =	simm.s32 @!p0 $0x0  }
0x12: {  	s1 =	sld [smem:$0x3F9B];
	s0 =	simm.s32 @p0 $0x1  }
0x13: {  	[smem:$0x3FB6] =	sst s0;
	s0 =	simm.s32 @!p1 $0x0  }
0x14: {  	s2 =	sld [smem:$0x3F9A];
	s0 =	simm.s32 @p1 $0x1  }
0x15: {  	[smem:$0x3FB7] =	sst s0;
	s0 =	simm.s32 @!p2 $0x0  }
0x16: {  	s3 =	sld [smem:$0x3FDB];
	s0 =	simm.s32 @p2 $0x1  }
0x17: {  	s4 =	simm.s32 $0x1BF5;
	[smem:$0x3FB9] =	sst s0  }
0x18: {  	s0 =	sld [smem:$0x3F9C];
	_ =	swait.ge [sflag:s4], $0x0  }
0x19: {  	s7 =	sld [smem:$0x3F9D]  }
0x1a: {  	s8 =	sadd.s32 $0xFFFFE003, lr  }
0x1b: {  	s9 =	sadd.s32 $0xFFFFFEF7, lr;
	s5 =	simm.s32 $0xFFFFFFFF;
	p2 =	slt.u32 s8, $0xFFFFF086  }
0x1c: {  	p1 =	slt.u32 s9, $0xF7A;
	s5 =	simm.s32 @!p2 $0x0  }
0x1d: {  	s5 =	simm.s32 @p1 $0x1;
	p0 =	seq.s32 s7, s2  }
0x1e: {  	s7 =	smul.u32 @!p0 $0xF7A, s2;
	p2 =	seq.s32 @!p0 s5, $0x0  }
0x1f: {  	s9 =	smul.u32 $0xF7A, s1;
	s8 =	simm.s32 @!p0 $0x1BF5;
	p2 =	por !p2, p0  }
0x20: {  	[sflag:s8] =	ssyncset.s32 @!p0 $0xFFFFF086;
	s6 =	sadd.s32 @!p0 s3, s7;
	s7 =	simm.s32 @!p0 $0x108  }
0x21: {  	s3 =	sadd.s32 s3, s9;
	s6 =	sadd.s32 @!p0 $0x88, s6;
	s7 =	simm.s32 @p2 $0x1082  }
0x22: {  	[simem:s7], [sflag:s8] =	dma.local @!p0 [hbm:s6], $0xF7A  }
0x23: {  	s9 =	sor.u32 $0xD0000000, s2;
	s6 =	simm.s32 $0x108;
	_ =	swait.ge @!p0 [sflag:s8], $0x0  }
0x24: {  	s3 =	sadd.s32 $0x88, s3;
	s6 =	simm.s32 @!p1 $0x1082;
	[sflag:s4] =	ssyncset.s32 $0xFFFFF086  }
0x25: {  	[simem:s6], [sflag:s4] =	dma.local [hbm:s3], $0xF7A  }
0x26: {  	[smem:$0x3F9D] =	sst s1;
	(tag) =	ssettag s2;
	_ =	strace s9  }
0x27: {  	s1 =	sld [smem:$0x3FAD]  }
0x28: {  	s2 =	sld [smem:$0x3FAE]  }
0x29: {  	s4 =	sld [smem:$0x3FB0]  }
0x2a: {  	p0 =	seq.s32 s5, $0x0;
	s5 =	sld [smem:$0x3FB1]  }
0x2b: {  	s6 =	sld [smem:$0x3FB2]  }
0x2c: {  	s7 =	sld [smem:$0x3FB3]  }
0x2d: {  	s3 =	simm.s32 $0x108;
	s8 =	sld [smem:$0x3FB4]  }
0x2e: {  	s3 =	simm.s32 @!p0 $0x1082;
	s9 =	sld [smem:$0x3FB5]  }
0x2f: {  	lr =	sadd.s32 s0, s3;
	s0 =	sld [smem:$0x3FAC]  }
0x30: {  	s3 =	sld [smem:$0x3FAF]  }
0x31: {  	[smem:$0x3FB8] =	sst s10  }
0x32: {  	s10 =	sld [smem:$0x3FB6];
	_ =	sdelay $0x3  }
0x33: {  	p0 =	seq.s32 s10, $0x1;
	s10 =	sld [smem:$0x3FB8];
	_ =	sdelay $0x3  }
0x34: {  	[smem:$0x3FB8] =	sst s10  }
0x35: {  	s10 =	sld [smem:$0x3FB7];
	_ =	sdelay $0x3  }
0x36: {  	p1 =	seq.s32 s10, $0x1;
	s10 =	sld [smem:$0x3FB8];
	_ =	sdelay $0x3  }
0x37: {  	[smem:$0x3FB8] =	sst s10  }
0x38: {  	s10 =	sld [smem:$0x3FB9]  }
0x39: {  	_ = 	snop;
	(pc) =	sbr.ind lr, $3  }
0x3a: {  	_ = 	snop  }
0x3b: {  	_ = 	snop  }
0x3c: {  	p2 =	seq.s32 s10, $0x1;
	s10 =	sld [smem:$0x3FB8]  }
0x3d: {  	_ =	shalt  }
0x3e: {  	_ =	shalt  }
0x3f: {  	_ =	shalt  }
0x40: {  	_ =	shalt  }
0x41: {  	_ =	shalt  }
0x42: {  	_ =	shalt  }
0x43: {  	_ =	shalt  }
0x44: {  	_ =	shalt  }
0x45: {  	_ =	shalt  }
0x46: {  	_ =	shalt  }
0x47: {  	_ =	shalt  }
0x48: {  	_ =	shalt  }
0x49: {  	_ =	shalt  }
0x4a: {  	_ =	shalt  }
0x4b: {  	_ =	shalt  }
0x4c: {  	_ =	shalt  }
0x4d: {  	_ =	shalt  }
0x4e: {  	_ =	shalt  }
0x4f: {  	_ =	shalt  }
0x50: {  	_ =	shalt  }
0x51: {  	_ =	shalt  }
0x52: {  	_ =	shalt  }
0x53: {  	_ =	shalt  }
0x54: {  	_ =	shalt  }
0x55: {  	_ =	shalt  }
0x56: {  	_ =	shalt  }
0x57: {  	_ =	shalt  }
0x58: {  	_ =	shalt  }
0x59: {  	_ =	shalt  }
0x5a: {  	_ =	shalt  }
0x5b: {  	_ =	shalt  }
0x5c: {  	_ =	shalt  }
0x5d: {  	_ =	shalt  }
0x5e: {  	_ =	shalt  }
0x5f: {  	_ =	shalt  }
0x60: {  	_ =	shalt  }
0x61: {  	_ =	shalt  }
0x62: {  	_ =	shalt  }
0x63: {  	_ =	shalt  }
0x64: {  	_ =	shalt  }
0x65: {  	_ =	shalt  }
0x66: {  	_ =	shalt  }
0x67: {  	_ =	shalt  }
0x68: {  	_ =	shalt  }
0x69: {  	_ =	shalt  }
0x6a: {  	_ =	shalt  }
0x6b: {  	_ =	shalt  }
0x6c: {  	_ =	shalt  }
0x6d: {  	_ =	shalt  }
0x6e: {  	_ =	shalt  }
0x6f: {  	_ =	shalt  }
0x70: {  	_ =	shalt  }
0x71: {  	_ =	shalt  }
0x72: {  	_ =	shalt  }
0x73: {  	_ =	shalt  }
0x74: {  	_ =	shalt  }
0x75: {  	_ =	shalt  }
0x76: {  	_ =	shalt  }
0x77: {  	_ =	shalt  }
0x78: {  	_ =	shalt  }
0x79: {  	_ =	shalt  }
0x7a: {  	_ =	shalt  }
0x7b: {  	_ =	shalt  }
0x7c: {  	_ =	shalt  }
0x7d: {  	_ =	shalt  }
0x7e: {  	_ =	shalt  }
0x7f: {  	_ =	shalt  }
0x80: {  	_ =	shalt  }
0x81: {  	_ =	shalt  }
0x82: {  	_ =	shalt  }
0x83: {  	_ =	shalt  }
0x84: {  	_ =	shalt  }
0x85: {  	_ =	shalt  }
0x86: {  	_ =	shalt  }
0x87: {  	_ =	shalt  }
.Lfunc_end0:
.L_simem_size_0:
called_computation.1_lowered:
.L_overlay_start_0:
0x88: {  	s2 =	sld [smem:$0x3FD9]  }
0x89: {  	s3 =	sld [smem:$0x3FFE];
	_ =	sdelay $0x1  }
0x8a: {  	s1 =	srdreg.scid  }
0x8b: {  	s0 =	sand.u32 $0x1, s1  }
0x8c: {  	s17 =	sshll.u32 s0, $0xA;
	s2 =	sadd.s32 s3, s2  }
0x8d: {  	s2 =	sadd.s32 s2, s17  }
0x8e: {  	[smem:$0x3FC4] =	sst s2  }
0x8f: {  	_ = 	snop  }
0x90: {  	s2 =	sld [smem:$0x3FD0];
	(tm) =	ssettm $0x1  }
0x91: {  	s18 =	sld [smem:$0x3FFB];
	_ =	sdelay $0x3  }
0x92: {  	_ =	strace s18  }
0x93: {  	s3 =	sld [smem:$0x3FFC];
	_ =	sdelay $0x3  }
0x94: {  	_ =	strace s3  }
0x95: {  	s3 =	sld [smem:$0x3FFD];
	_ =	sdelay $0x3  }
0x96: {  	_ =	strace s3  }
0x97: {  	_ =	strace $0x8FFFFFFF  }
0x98: {  	s19 =	sld [smem:$0x3FDB];
	_ =	sdelay $0x1  }
0x99: {  	s4 =	simm.s32 $_scs_section_size  }
0x9a: {  	s5 =	simm.s32 $_size__tile_overlayer_lowered;
	s6 =	simm.s32 $_tile_overlayer_lowered  }
0x9b: {  	s22 =	simm.s32 $0x1BFF;
	s21 =	sshll.u32 s6, $0x1;
	s3 =	sadd.s32 s4, s19  }
0x9c: {  	s7 =	simm.s32 $0x0;
	s20 =	sshll.u32 s5, $0x1;
	s5 =	sadd.s32 s21, s3  }
0x9d: {  	[timem:s7], [sflag:s22] =	dma.local [hbm:s5], s20  }
0x9e: {  	_ =	swait.ge [sflag:s22], s20  }
0x9f: {  	s4 =	ssub.s32 $0x0, s20;
	[sflag:s22] =	ssyncset.done $0x0  }
0xa0: {  	[sflag:s22] =	ssyncadd.s32 s4;
	_ =	sdelay $0x1  }
0xa1: {  	s23 =	simm.s32 $0x1B8B  }
0xa2: {  	_ =	swait.ge [sflag:s23], $0x1  }
0xa3: {  	[sflag:s23] =	ssyncset.done $0x0  }
0xa4: {  	s25 =	simm.s32 $0x1B8E;
	s24 =	sld [smem:$0x3FFE];
	[sflag:s23] =	ssyncadd.s32 $0xFFFFFFFF  }
0xa5: {  	s26 =	simm.s32 $execute0_lowered;
	[smem:$0x3FD2] =	sst s25  }
0xa6: {  	s5 =	sshll.u32 s26, $0x1;
	_ =	strace $0x80000049;
	[dreg:$0x1] =	wrdreg $0xFFFFFFFF  }
0xa7: {  	s28 =	simm.s32 $_size_execute0_lowered;
	s3 =	sadd.s32 s3, s5;
	[dreg:$0x0] =	wrdreg $0x0  }
0xa8: {  	s5 =	sshll.u32 s28, $0x1;
	[dreg:$0x2] =	wrdreg s3  }
0xa9: {  	[dreg:$0x3] =	wrdreg s5  }
0xaa: {  	[dreg:$0x4] =	wrdreg $0xC0  }
0xab: {  	_ =	task [dreg:s7], $0x5FFFF  }
0xac: {  	[dreg:$0x1] =	wrdreg $0xFFFFFFFF  }
0xad: {  	[dreg:$0x0] =	wrdreg $0x60  }
0xae: {  	[dreg:$0x2] =	wrdreg s24  }
0xaf: {  	[dreg:$0x3] =	wrdreg s2  }
0xb0: {  	[dreg:$0x4] =	wrdreg $0xB8000  }
0xb1: {  	[dreg:$0x5] =	wrdreg $0x9  }
0xb2: {  	_ =	task.clear_ibuf [dreg:s7], $0x6FFFF;
	_ =	strace $0x90000049  }
0xb3: {  	s29 =	simm.s32 $0x9;
	_ =	strace $0x8000004B  }
0xb4: {  	_ =	swait.ge [sflag:s29], $0x1  }
0xb5: {  	[sflag:s29] =	ssyncadd.s32 $0xFFFFFFFF  }
0xb6: {  	_ =	strace $0x9000004B  }
0xb7: {  	_ =	sfence  }
0xb8: {  	s30 =	sld [smem:$0x0];
	_ =	sdelay $0x2  }
0xb9: {  	s31 =	sshll.u32 s1, $0xD;
	s1 =	sshrl.u32 s1, $0x2  }
0xba: {  	s3 =	sand.u32 $0x4000, s31;
	s1 =	sadd.s32 s1, s30  }
0xbb: {  	s0 =	sor.u32 s3, s0;
	s1 =	sshll.u32 s1, $0x11  }
0xbc: {  	s0 =	sor.u32 s1, s0  }
0xbd: {  	s0 =	sadd.s32 $0x8F2B, s0  }
0xbe: {  	[sflag:s0] =	ssyncadd.remote.s32 $0x1  }
0xbf: {  	_ =	sfence.sel $0xFFFF  }
0xc0: {  	[dreg:$0x0] =	wrdreg $0xFFFFFFFF;
	(pc) =	sbr.abs _section_cstart, $3  }
0xc1: {  	[dreg:$0x1] =	wrdreg $0xFFFFFFFF  }
0xc2: {  	_ =	task.clear_ibuf [dreg:s7], $0x2FFFF;
	_ =	strace $0x9FFFFFFF  }
0xc3: {  	(tm) =	ssettm $0x7FFFFFFF  }
tec
execute0_lowered:
.L_overlay_start_1:
0x0: {  	(tag) =	ssettag $0x1  }
0x1: {  	s3 =	rddreg [dreg:$0x0]  }
0x2: {  	s0 =	rddreg [dreg:$0x1]  }
0x3: {  	s1 =	rddreg [dreg:$0x2];
	s2 =	simm.s32 $0x0  }
0x4: {  	s4 =	srdreg.scid;
	s17 =	stileid.u32;
	s28 =	simm.s32 $0x4000  }
0x5: {  	s29 =	simm.s32 $0x7;
	s30 =	simm.s32 $0x2000;
	s31 =	simm.s32 $0x50  }
0x6: {  	[smem:$0x7FF] =	sst s2;
	s4 =	sand.u32 $0x1, s4;
	s5 =	sadd.s32 $0x9800, s3  }
0x7: {  	s6 =	sadd.s32 $0x1800, s3;
	s8 =	sadd.s32 $0x38A00, s3;
	s22 =	sshll.u32 s17, $0xB  }
0x8: {  	s11 =	smul.u32 $0x14000, s17;
	s7 =	ssub.s32 $0x2, s4;
	p0 =	seq.s32 s4, $0x1  }
0x9: {  	s10 =	sadd.s32 s5, s22;
	s23 =	sor.u32 $0x400, s22;
	s4 =	smul.u32 $0x140000, s4  }
0xa: {  	s9 =	sshrl.u32 s7, $0x1;
	[dreg:$0x4] =	wrdreg s10;
	s5 =	sadd.s32 s5, s23  }
0xb: {  	s24 =	sadd.s32 s6, s23;
	s10 =	sadd.s32 $0xA000, s11;
	s12 =	sadd.s32 $0xC800, s11  }
0xc: {  	s13 =	sadd.s32 $0xF000, s11;
	s14 =	sadd.s32 $0x11800, s11;
	[dreg:$0x6] =	wrdreg s5  }
0xd: {  	s7 =	ssub.s32 s7, s9;
	s9 =	sadd.s32 s6, s22;
	[dreg:$0x7] =	wrdreg s24  }
0xe: {  	s5 =	sor.u32 $0x2800, s11;
	s6 =	sadd.s32 $0x5000, s11;
	s18 =	sadd.s32 s4, s10  }
0xf: {  	s19 =	sadd.s32 s4, s12;
	s23 =	sadd.s32 s4, s13;
	s24 =	smul.u32 $0x50000, s17  }
0x10: {  	s17 =	sadd.s32 $0x11800, s3;
	s3 =	simm.s32 $0x6800;
	[dreg:$0x5] =	wrdreg s9  }
0x11: {  	s9 =	sadd.s32 $0x7800, s11;
	s11 =	sadd.s32 s4, s11;
	s15 =	sadd.s32 s4, s5  }
0x12: {  	s16 =	sadd.s32 s4, s6;
	s20 =	sshrl.u32 s18, $0x3;
	s21 =	sshrl.u32 s19, $0x3  }
0x13: {  	s11 =	sshrl.u32 s11, $0x3;
	s25 =	sshrl.u32 s15, $0x3;
	s26 =	sshrl.u32 s16, $0x3  }
0x14: {  	s16 =	sadd.s32 s4, s9;
	s22 =	sadd.s32 s8, s21;
	s4 =	sadd.s32 s4, s14  }
0x15: {  	s21 =	sadd.s32 s6, s1;
	s6 =	simm.s32 $0x1;
	s11 =	sadd.s32 s8, s11  }
0x16: {  	s15 =	sadd.s32 s8, s26;
	[dreg:$0xd] =	wrdreg s22;
	s4 =	sshrl.u32 s4, $0x3  }
0x17: {  	s26 =	smax.u32 s7, $0x1;
	s22 =	sadd.s32 s9, s1;
	s7 =	simm.s32 $0x4  }
0x18: {  	s9 =	simm.s32 $0x5;
	[dreg:$0x8] =	wrdreg s11;
	s11 =	sadd.s32 s8, s25  }
0x19: {  	[dreg:$0xa] =	wrdreg s15;
	s4 =	sadd.s32 s8, s4;
	s25 =	sshrl.u32 s24, $0x2  }
0x1a: {  	s24 =	sadd.s32 s12, s1;
	s12 =	simm.s32 $0x3E80;
	[dreg:$0x9] =	wrdreg s11  }
0x1b: {  	s15 =	simm.s32 $0x0;
	s11 =	sshrl.u32 s16, $0x3;
	[dreg:$0xf] =	wrdreg s4  }
0x1c: {  	s18 =	sadd.s32 s25, s1;
	s25 =	sadd.s32 s13, s1;
	s11 =	sadd.s32 s8, s11  }
0x1d: {  	s4 =	simm.s32 $0x100;
	s13 =	simm.s32 $0x3F00;
	[dreg:$0xb] =	wrdreg s11  }
.Ltmp0:
0x1e: {  	s11 =	sadd.s32 s8, s20;
	s20 =	sadd.s32 s5, s1;
	(pc) =	sbr.rel .LBB2_1-.Ltmp0, $4  }
0x1f: {  	s5 =	simm.s32 $0x9000;
	[dreg:$0xc] =	wrdreg s11;
	s11 =	sshrl.u32 s23, $0x3  }
0x20: {  	s23 =	sadd.s32 s10, s1;
	s10 =	simm.s32 $0x3;
	s11 =	sadd.s32 s8, s11  }
0x21: {  	s8 =	simm.s32 $0x2;
	[dreg:$0xe] =	wrdreg s11;
	s11 =	simm.s32 $0x6  }
0x22: {  	v0 =	vimm.f32 $0.0e+00;
	_ =	strace $0x8000004A;
	[dreg:$0x10] =	wrdreg s26;
	s26 =	sadd.s32 s14, s1  }
.LBB2_8:
0x23: {  	[spmem:s1] =	stream.indirect.scatter.add.f32 [tilespmem:s28], [sflag:$0x4], $0x80, s19, s31, $0xb8;
	[tilespmem:$0x1F800] =	vst v63  }
.LBB2_14:
0x24: {  	_ =	swait.ge [sflag:s8], $0x2800  }
0x25: {  	[sflag:s8] =	ssyncset.done $0x0  }
0x26: {  	[sflag:s8] =	ssyncadd.s32 $0xFFFFD800  }
0x27: {  	[spmem:s1] =	stream.indirect.scatter.add.f32 [tilespmem:s3], [sflag:$0x5], $0x80, s12, s31, $0xb8;
	[tilespmem:$0x1F800] =	vst v63  }
0x28: {  	_ =	swait.ge [sflag:s10], $0x2800  }
0x29: {  	[sflag:s10] =	ssyncset.done $0x0  }
0x2a: {  	[sflag:s10] =	ssyncadd.s32 $0xFFFFD800  }
0x2b: {  	[spmem:s1] =	stream.indirect.scatter.add.f32 [tilespmem:s5], [sflag:$0x6], $0x80, s13, s31, $0xb8;
	[tilespmem:$0x1F800] =	vst v63  }
0x2c: {  	_ =	swait.ge [sflag:s7], $0x2800  }
0x2d: {  	[sflag:s7] =	ssyncset.done $0x0  }
0x2e: {  	[sflag:s7] =	ssyncadd.s32 $0xFFFFD800  }
0x2f: {  	_ =	swait.ge [sflag:s9], $0x2800  }
0x30: {  	[sflag:s9] =	ssyncset.done $0x0  }
0x31: {  	[sflag:s9] =	ssyncadd.s32 $0xFFFFD800  }
0x32: {  	_ =	swait.ge [sflag:s11], $0x2800  }
0x33: {  	[sflag:s11] =	ssyncset.done $0x0  }
0x34: {  	[sflag:s11] =	ssyncadd.s32 $0xFFFFD800  }
0x35: {  	[bflag:$0x0] =	sbarrier.arrive $0xFFFF  }
0x36: {  	[tilespmem:s28], [sflag:$0x7] =	stream.linear.gather [spmem:s18], $0x2800, $0x38;
	[tilespmem:$0x1F800] =	vst v63  }
0x37: {  	_ =	swait.ge [sflag:s29], $0x2800  }
0x38: {  	[sflag:s29] =	ssyncset.done $0x0  }
0x39: {  	s14 =	rddreg [dreg:$0x8];
	[sflag:s29] =	ssyncadd.s32 $0xFFFFD800  }
0x3a: {  	[hbm4b:s14+s2] =	stream.linear.scatter [tilespmem:s28], [sflag:$0x7], $0x2800, $0x38;
	[tilespmem:$0x1F800] =	vst v63  }
0x3b: {  	_ =	swait.ge [sflag:s29], $0x2800  }
0x3c: {  	[sflag:s29] =	ssyncset.done $0x0  }
0x3d: {  	[sflag:s29] =	ssyncadd.s32 $0xFFFFD800  }
0x3e: {  	[tilespmem:s28], [sflag:$0x7] =	stream.linear.gather [spmem:s20], $0x2800, $0x38;
	[tilespmem:$0x1F800] =	vst v63  }
0x3f: {  	_ =	swait.ge [sflag:s29], $0x2800  }
0x40: {  	[sflag:s29] =	ssyncset.done $0x0  }
0x41: {  	s16 =	rddreg [dreg:$0x9];
	[sflag:s29] =	ssyncadd.s32 $0xFFFFD800  }
0x42: {  	[hbm4b:s16+s2] =	stream.linear.scatter [tilespmem:s28], [sflag:$0x7], $0x2800, $0x38;
	[tilespmem:$0x1F800] =	vst v63  }
0x43: {  	_ =	swait.ge [sflag:s29], $0x2800  }
0x44: {  	[sflag:s29] =	ssyncset.done $0x0  }
0x45: {  	[sflag:s29] =	ssyncadd.s32 $0xFFFFD800  }
0x46: {  	[tilespmem:s28], [sflag:$0x7] =	stream.linear.gather [spmem:s21], $0x2800, $0x38;
	[tilespmem:$0x1F800] =	vst v63  }
0x47: {  	_ =	swait.ge [sflag:s29], $0x2800  }
0x48: {  	[sflag:s29] =	ssyncset.done $0x0  }
0x49: {  	s19 =	rddreg [dreg:$0xa];
	[sflag:s29] =	ssyncadd.s32 $0xFFFFD800  }
0x4a: {  	[hbm4b:s19+s2] =	stream.linear.scatter [tilespmem:s28], [sflag:$0x7], $0x2800, $0x38;
	[tilespmem:$0x1F800] =	vst v63  }
0x4b: {  	_ =	swait.ge [sflag:s29], $0x2800  }
0x4c: {  	[sflag:s29] =	ssyncset.done $0x0  }
0x4d: {  	[sflag:s29] =	ssyncadd.s32 $0xFFFFD800  }
0x4e: {  	[tilespmem:s28], [sflag:$0x7] =	stream.linear.gather [spmem:s22], $0x2800, $0x38;
	[tilespmem:$0x1F800] =	vst v63  }
0x4f: {  	_ =	swait.ge [sflag:s29], $0x2800  }
0x50: {  	[sflag:s29] =	ssyncset.done $0x0  }
0x51: {  	s16 =	rddreg [dreg:$0xb];
	[sflag:s29] =	ssyncadd.s32 $0xFFFFD800  }
0x52: {  	[hbm4b:s16+s2] =	stream.linear.scatter [tilespmem:s28], [sflag:$0x7], $0x2800, $0x38;
	[tilespmem:$0x1F800] =	vst v63  }
0x53: {  	_ =	swait.ge [sflag:s29], $0x2800  }
0x54: {  	[sflag:s29] =	ssyncset.done $0x0  }
0x55: {  	[sflag:s29] =	ssyncadd.s32 $0xFFFFD800  }
0x56: {  	[tilespmem:s28], [sflag:$0x7] =	stream.linear.gather [spmem:s23], $0x2800, $0x38;
	[tilespmem:$0x1F800] =	vst v63  }
0x57: {  	_ =	swait.ge [sflag:s29], $0x2800  }
0x58: {  	[sflag:s29] =	ssyncset.done $0x0  }
0x59: {  	s19 =	rddreg [dreg:$0xc];
	[sflag:s29] =	ssyncadd.s32 $0xFFFFD800  }
0x5a: {  	[hbm4b:s19+s2] =	stream.linear.scatter [tilespmem:s28], [sflag:$0x7], $0x2800, $0x38;
	[tilespmem:$0x1F800] =	vst v63  }
0x5b: {  	_ =	swait.ge [sflag:s29], $0x2800  }
0x5c: {  	[sflag:s29] =	ssyncset.done $0x0  }
0x5d: {  	[sflag:s29] =	ssyncadd.s32 $0xFFFFD800  }
0x5e: {  	[tilespmem:s28], [sflag:$0x7] =	stream.linear.gather [spmem:s24], $0x2800, $0x38;
	[tilespmem:$0x1F800] =	vst v63  }
0x5f: {  	_ =	swait.ge [sflag:s29], $0x2800  }
0x60: {  	[sflag:s29] =	ssyncset.done $0x0  }
0x61: {  	s16 =	rddreg [dreg:$0xd];
	[sflag:s29] =	ssyncadd.s32 $0xFFFFD800  }
0x62: {  	[hbm4b:s16+s2] =	stream.linear.scatter [tilespmem:s28], [sflag:$0x7], $0x2800, $0x38;
	[tilespmem:$0x1F800] =	vst v63  }
0x63: {  	_ =	swait.ge [sflag:s29], $0x2800  }
0x64: {  	[sflag:s29] =	ssyncset.done $0x0  }
0x65: {  	[sflag:s29] =	ssyncadd.s32 $0xFFFFD800  }
0x66: {  	[tilespmem:s28], [sflag:$0x7] =	stream.linear.gather [spmem:s25], $0x2800, $0x38;
	[tilespmem:$0x1F800] =	vst v63  }
0x67: {  	_ =	swait.ge [sflag:s29], $0x2800  }
0x68: {  	[sflag:s29] =	ssyncset.done $0x0  }
0x69: {  	s19 =	rddreg [dreg:$0xe];
	[sflag:s29] =	ssyncadd.s32 $0xFFFFD800  }
0x6a: {  	[hbm4b:s19+s2] =	stream.linear.scatter [tilespmem:s28], [sflag:$0x7], $0x2800, $0x38;
	[tilespmem:$0x1F800] =	vst v63  }
0x6b: {  	_ =	swait.ge [sflag:s29], $0x2800  }
0x6c: {  	[sflag:s29] =	ssyncset.done $0x0  }
0x6d: {  	[sflag:s29] =	ssyncadd.s32 $0xFFFFD800  }
0x6e: {  	[tilespmem:s28], [sflag:$0x7] =	stream.linear.gather [spmem:s26], $0x2800, $0x38;
	[tilespmem:$0x1F800] =	vst v63  }
0x6f: {  	_ =	swait.ge [sflag:s29], $0x2800  }
0x70: {  	[sflag:s29] =	ssyncset.done $0x0  }
0x71: {  	s16 =	rddreg [dreg:$0xf];
	[sflag:s29] =	ssyncadd.s32 $0xFFFFD800  }
0x72: {  	[hbm4b:s16+s2] =	stream.linear.scatter [tilespmem:s28], [sflag:$0x7], $0x2800, $0x38;
	[tilespmem:$0x1F800] =	vst v63  }
0x73: {  	_ =	swait.ge [sflag:s29], $0x2800  }
0x74: {  	s15 =	sadd.s32 $0x1, s15;
	s19 =	rddreg [dreg:$0x10]  }
0x75: {  	p1 =	sne.s32 s15, s19  }
.Ltmp1:
0x76: {  	_ = 	snop;
	(pc) =	sbr.rel @!p1 .LBB2_15-.Ltmp1, $3  }
0x77: {  	_ =	sdelay $0x1  }
0x78: {  	[sflag:s29] =	ssyncset.done $0x0  }
0x79: {  	[sflag:s29] =	ssyncadd.s32 $0xFFFFD800  }
.LBB2_1:
0x7a: {  	s16 =	simm.s32 $0x70;
	s19 =	simm.s32 $0x3C0  }
.LBB2_2:
0x7b: {  	p1 =	sne.s32 s19, $0x9FC0;
	[tilespmem:s16+$0x4000] =	vst v0  }
0x7c: {  	[tilespmem:s16+$0x3F90] =	vst v0  }
0x7d: {  	[tilespmem:s16+$0x3FA0] =	vst v0  }
.Ltmp2:
0x7e: {  	[tilespmem:s16+$0x3FB0] =	vst v0;
	(pc) =	sbr.rel @p1 .LBB2_2-.Ltmp2, $4  }
0x7f: {  	[tilespmem:s16+$0x3FC0] =	vst v0  }
0x80: {  	[tilespmem:s16+$0x3FD0] =	vst v0  }
0x81: {  	[tilespmem:s16+$0x3FE0] =	vst v0  }
0x82: {  	[tilespmem:s16+$0x3FF0] =	vst v0;
	s16 =	sshra.s32 s19, $0x2;
	s19 =	sadd.s32 $0x200, s19  }
0x83: {  	[tilespmem:s16+$0x4000] =	vst v0  }
0x84: {  	[tilespmem:s16+$0x3F90] =	vst v0  }
0x85: {  	[tilespmem:s16+$0x3FA0] =	vst v0  }
0x86: {  	[tilespmem:s16+$0x3FB0] =	vst v0  }
0x87: {  	[tilespmem:s16+$0x3FC0] =	vst v0  }
0x88: {  	[tilespmem:s16+$0x3FD0] =	vst v0  }
0x89: {  	[tilespmem:s16+$0x3FE0] =	vst v0  }
0x8a: {  	[tilespmem:s16+$0x3FF0] =	vst v0  }
0x8b: {  	[spmem:s18] =	stream.linear.scatter [tilespmem:s28], [sflag:$0x7], $0x2800, $0x38;
	[tilespmem:$0x1F800] =	vst v63  }
0x8c: {  	_ =	swait.ge [sflag:s29], $0x2800  }
0x8d: {  	[sflag:s29] =	ssyncset.done $0x0  }
0x8e: {  	[sflag:s29] =	ssyncadd.s32 $0xFFFFD800  }
0x8f: {  	[spmem:s20] =	stream.linear.scatter [tilespmem:s28], [sflag:$0x7], $0x2800, $0x38;
	[tilespmem:$0x1F800] =	vst v63  }
0x90: {  	_ =	swait.ge [sflag:s29], $0x2800  }
0x91: {  	[sflag:s29] =	ssyncset.done $0x0  }
0x92: {  	[sflag:s29] =	ssyncadd.s32 $0xFFFFD800  }
0x93: {  	[spmem:s21] =	stream.linear.scatter [tilespmem:s28], [sflag:$0x7], $0x2800, $0x38;
	[tilespmem:$0x1F800] =	vst v63  }
0x94: {  	_ =	swait.ge [sflag:s29], $0x2800  }
0x95: {  	[sflag:s29] =	ssyncset.done $0x0  }
0x96: {  	[sflag:s29] =	ssyncadd.s32 $0xFFFFD800  }
0x97: {  	[spmem:s22] =	stream.linear.scatter [tilespmem:s28], [sflag:$0x7], $0x2800, $0x38;
	[tilespmem:$0x1F800] =	vst v63  }
0x98: {  	_ =	swait.ge [sflag:s29], $0x2800  }
0x99: {  	[sflag:s29] =	ssyncset.done $0x0  }
0x9a: {  	[sflag:s29] =	ssyncadd.s32 $0xFFFFD800  }
0x9b: {  	[spmem:s23] =	stream.linear.scatter [tilespmem:s28], [sflag:$0x7], $0x2800, $0x38;
	[tilespmem:$0x1F800] =	vst v63  }
0x9c: {  	_ =	swait.ge [sflag:s29], $0x2800  }
0x9d: {  	[sflag:s29] =	ssyncset.done $0x0  }
0x9e: {  	[sflag:s29] =	ssyncadd.s32 $0xFFFFD800  }
0x9f: {  	[spmem:s24] =	stream.linear.scatter [tilespmem:s28], [sflag:$0x7], $0x2800, $0x38;
	[tilespmem:$0x1F800] =	vst v63  }
0xa0: {  	_ =	swait.ge [sflag:s29], $0x2800  }
0xa1: {  	[sflag:s29] =	ssyncset.done $0x0  }
0xa2: {  	[sflag:s29] =	ssyncadd.s32 $0xFFFFD800  }
0xa3: {  	[spmem:s25] =	stream.linear.scatter [tilespmem:s28], [sflag:$0x7], $0x2800, $0x38;
	[tilespmem:$0x1F800] =	vst v63  }
0xa4: {  	_ =	swait.ge [sflag:s29], $0x2800  }
0xa5: {  	[sflag:s29] =	ssyncset.done $0x0  }
0xa6: {  	[sflag:s29] =	ssyncadd.s32 $0xFFFFD800  }
0xa7: {  	[spmem:s26] =	stream.linear.scatter [tilespmem:s28], [sflag:$0x7], $0x2800, $0x38;
	[tilespmem:$0x1F800] =	vst v63  }
0xa8: {  	_ =	swait.ge [sflag:s29], $0x2800  }
0xa9: {  	[sflag:s29] =	ssyncset.done $0x0  }
0xaa: {  	[sflag:s29] =	ssyncadd.s32 $0xFFFFD800  }
0xab: {  	[bflag:$0x0] =	sbarrier.arrive $0xFFFF  }
0xac: {  	s14 =	rddreg [dreg:$0x4]  }
0xad: {  	[tilespmem:s2], [sflag:$0x7] =	stream.linear.gather [hbm4b:s14+s2], $0x1F80, $0x38;
	[tilespmem:$0x1F800] =	vst v63  }
0xae: {  	_ =	swait.ge [sflag:s29], $0x1F80  }
0xaf: {  	[sflag:s29] =	ssyncset.done $0x0  }
.Ltmp3:
0xb0: {  	s19 =	rddreg [dreg:$0x5];
	[sflag:s29] =	ssyncadd.s32 $0xFFFFE080;
	(pc) =	sbr.rel @!p0 .LBB2_4-.Ltmp3, $4  }
0xb1: {  	[tilespmem:s30], [sflag:$0x7] =	stream.linear.gather [hbm4b:s19+s2], $0x1F80, $0x38;
	[tilespmem:$0x1F800] =	vst v63  }
0xb2: {  	_ =	swait.ge [sflag:s29], $0x1F80  }
0xb3: {  	[sflag:s29] =	ssyncset.done $0x0  }
0xb4: {  	[sflag:s29] =	ssyncadd.s32 $0xFFFFE080  }
0xb5: {  	s14 =	simm.s32 $0x0  }
0xb6: {  	[tilespmem:s28], [sflag:$0x1] =	stream.indirect.gather [hbm4b:s17+s31], $0x80, s14, s31, $0xb8;
	[tilespmem:$0x1F800] =	vst v63  }
0xb7: {  	s16 =	simm.s32 $0x80  }
0xb8: {  	[tilespmem:s3], [sflag:$0x2] =	stream.indirect.gather [hbm4b:s17+s31], $0x80, s16, s31, $0xb8;
	[tilespmem:$0x1F800] =	vst v63  }
0xb9: {  	_ = 	snop  }
0xba: {  	[tilespmem:s5], [sflag:$0x3] =	stream.indirect.gather [hbm4b:s17+s31], $0x80, s4, s31, $0xb8;
	[tilespmem:$0x1F800] =	vst v63  }
0xbb: {  	_ =	swait.ge [sflag:s6], $0x2800  }
0xbc: {  	[sflag:s6] =	ssyncset.done $0x0  }
0xbd: {  	[sflag:s6] =	ssyncadd.s32 $0xFFFFD800  }
0xbe: {  	[spmem:s1] =	stream.indirect.scatter.add.f32 [tilespmem:s28], [sflag:$0x4], $0x80, s30, s31, $0xb8;
	[tilespmem:$0x1F800] =	vst v63  }
0xbf: {  	_ =	swait.ge [sflag:s7], $0x2800  }
0xc0: {  	[sflag:s7] =	ssyncset.done $0x0  }
0xc1: {  	s19 =	simm.s32 $0x180;
	[sflag:s7] =	ssyncadd.s32 $0xFFFFD800  }
0xc2: {  	[tilespmem:s28], [sflag:$0x1] =	stream.indirect.gather [hbm4b:s17+s31], $0x80, s19, s31, $0xb8;
	[tilespmem:$0x1F800] =	vst v63  }
0xc3: {  	_ =	swait.ge [sflag:s8], $0x2800  }
0xc4: {  	[sflag:s8] =	ssyncset.done $0x0  }
0xc5: {  	s16 =	simm.s32 $0x2080;
	[sflag:s8] =	ssyncadd.s32 $0xFFFFD800  }
0xc6: {  	[spmem:s1] =	stream.indirect.scatter.add.f32 [tilespmem:s3], [sflag:$0x5], $0x80, s16, s31, $0xb8;
	[tilespmem:$0x1F800] =	vst v63  }
0xc7: {  	_ =	swait.ge [sflag:s9], $0x2800  }
0xc8: {  	[sflag:s9] =	ssyncset.done $0x0  }
0xc9: {  	s19 =	simm.s32 $0x200;
	[sflag:s9] =	ssyncadd.s32 $0xFFFFD800  }
0xca: {  	[tilespmem:s3], [sflag:$0x2] =	stream.indirect.gather [hbm4b:s17+s31], $0x80, s19, s31, $0xb8;
	[tilespmem:$0x1F800] =	vst v63  }
0xcb: {  	_ =	swait.ge [sflag:s10], $0x2800  }
0xcc: {  	[sflag:s10] =	ssyncset.done $0x0  }
0xcd: {  	s16 =	simm.s32 $0x2100;
	[sflag:s10] =	ssyncadd.s32 $0xFFFFD800  }
0xce: {  	[spmem:s1] =	stream.indirect.scatter.add.f32 [tilespmem:s5], [sflag:$0x6], $0x80, s16, s31, $0xb8;
	[tilespmem:$0x1F800] =	vst v63  }
0xcf: {  	_ =	swait.ge [sflag:s11], $0x2800  }
0xd0: {  	[sflag:s11] =	ssyncset.done $0x0  }
0xd1: {  	s19 =	simm.s32 $0x280;
	[sflag:s11] =	ssyncadd.s32 $0xFFFFD800  }
0xd2: {  	[tilespmem:s5], [sflag:$0x3] =	stream.indirect.gather [hbm4b:s17+s31], $0x80, s19, s31, $0xb8;
	[tilespmem:$0x1F800] =	vst v63  }
0xd3: {  	_ =	swait.ge [sflag:s6], $0x2800  }
0xd4: {  	[sflag:s6] =	ssyncset.done $0x0  }
0xd5: {  	s16 =	simm.s32 $0x600;
	s19 =	simm.s32 $0x2180;
	[sflag:s6] =	ssyncadd.s32 $0xFFFFD800  }
.LBB2_10:
0xd6: {  	[spmem:s1] =	stream.indirect.scatter.add.f32 [tilespmem:s28], [sflag:$0x4], $0x80, s19, s31, $0xb8;
	[tilespmem:$0x1F800] =	vst v63  }
0xd7: {  	s14 =	smov.u32 s16  }
0xd8: {  	p1 =	sne.s32 s16, $0x7200;
	s16 =	sadd.s32 $0x600, s16;
	_ =	swait.ge [sflag:s7], $0x2800  }
0xd9: {  	s14 =	sshra.s32 s14, $0x2;
	[sflag:s7] =	ssyncset.done $0x0  }
0xda: {  	s19 =	sadd.s32 $0x180, s14;
	[sflag:s7] =	ssyncadd.s32 $0xFFFFD800  }
0xdb: {  	[tilespmem:s28], [sflag:$0x1] =	stream.indirect.gather [hbm4b:s17+s31], $0x80, s19, s31, $0xb8;
	[tilespmem:$0x1F800] =	vst v63  }
0xdc: {  	_ =	swait.ge [sflag:s8], $0x2800  }
0xdd: {  	[sflag:s8] =	ssyncset.done $0x0  }
0xde: {  	s19 =	sadd.s32 $0x2080, s14;
	[sflag:s8] =	ssyncadd.s32 $0xFFFFD800  }
0xdf: {  	[spmem:s1] =	stream.indirect.scatter.add.f32 [tilespmem:s3], [sflag:$0x5], $0x80, s19, s31, $0xb8;
	[tilespmem:$0x1F800] =	vst v63  }
0xe0: {  	_ =	swait.ge [sflag:s9], $0x2800  }
0xe1: {  	[sflag:s9] =	ssyncset.done $0x0  }
0xe2: {  	s19 =	sadd.s32 $0x200, s14;
	[sflag:s9] =	ssyncadd.s32 $0xFFFFD800  }
0xe3: {  	[tilespmem:s3], [sflag:$0x2] =	stream.indirect.gather [hbm4b:s17+s31], $0x80, s19, s31, $0xb8;
	[tilespmem:$0x1F800] =	vst v63  }
0xe4: {  	_ =	swait.ge [sflag:s10], $0x2800  }
0xe5: {  	[sflag:s10] =	ssyncset.done $0x0  }
0xe6: {  	s19 =	sadd.s32 $0x2100, s14;
	[sflag:s10] =	ssyncadd.s32 $0xFFFFD800  }
0xe7: {  	[spmem:s1] =	stream.indirect.scatter.add.f32 [tilespmem:s5], [sflag:$0x6], $0x80, s19, s31, $0xb8;
	[tilespmem:$0x1F800] =	vst v63  }
0xe8: {  	_ =	swait.ge [sflag:s11], $0x2800  }
0xe9: {  	[sflag:s11] =	ssyncset.done $0x0  }
.Ltmp4:
0xea: {  	s19 =	sadd.s32 $0x280, s14;
	[sflag:s11] =	ssyncadd.s32 $0xFFFFD800;
	(pc) =	sbr.rel @p1 .LBB2_10-.Ltmp4, $4  }
0xeb: {  	[tilespmem:s5], [sflag:$0x3] =	stream.indirect.gather [hbm4b:s17+s31], $0x80, s19, s31, $0xb8;
	[tilespmem:$0x1F800] =	vst v63  }
0xec: {  	_ =	swait.ge [sflag:s6], $0x2800  }
0xed: {  	[sflag:s6] =	ssyncset.done $0x0  }
0xee: {  	s19 =	sadd.s32 $0x2180, s14;
	[sflag:s6] =	ssyncadd.s32 $0xFFFFD800  }
0xef: {  	[spmem:s1] =	stream.indirect.scatter.add.f32 [tilespmem:s28], [sflag:$0x4], $0x80, s19, s31, $0xb8;
	[tilespmem:$0x1F800] =	vst v63  }
0xf0: {  	_ =	swait.ge [sflag:s8], $0x2800  }
0xf1: {  	[sflag:s8] =	ssyncset.done $0x0  }
0xf2: {  	[sflag:s8] =	ssyncadd.s32 $0xFFFFD800  }
0xf3: {  	[spmem:s1] =	stream.indirect.scatter.add.f32 [tilespmem:s3], [sflag:$0x5], $0x80, s12, s31, $0xb8;
	[tilespmem:$0x1F800] =	vst v63  }
0xf4: {  	_ =	swait.ge [sflag:s10], $0x2800  }
0xf5: {  	[sflag:s10] =	ssyncset.done $0x0  }
0xf6: {  	[sflag:s10] =	ssyncadd.s32 $0xFFFFD800  }
0xf7: {  	[spmem:s1] =	stream.indirect.scatter.add.f32 [tilespmem:s5], [sflag:$0x6], $0x80, s13, s31, $0xb8;
	[tilespmem:$0x1F800] =	vst v63  }
0xf8: {  	_ =	swait.ge [sflag:s7], $0x2800  }
0xf9: {  	[sflag:s7] =	ssyncset.done $0x0  }
0xfa: {  	[sflag:s7] =	ssyncadd.s32 $0xFFFFD800  }
0xfb: {  	_ =	swait.ge [sflag:s9], $0x2800  }
0xfc: {  	[sflag:s9] =	ssyncset.done $0x0  }
0xfd: {  	[sflag:s9] =	ssyncadd.s32 $0xFFFFD800  }
0xfe: {  	_ =	swait.ge [sflag:s11], $0x2800  }
0xff: {  	[sflag:s11] =	ssyncset.done $0x0  }
0x100: {  	s14 =	simm.s32 $0x0;
	s16 =	rddreg [dreg:$0x6];
	[sflag:s11] =	ssyncadd.s32 $0xFFFFD800  }
0x101: {  	[tilespmem:s14], [sflag:$0x7] =	stream.linear.gather [hbm4b:s16+s14], $0x1F80, $0x38;
	[tilespmem:$0x1F800] =	vst v63  }
0x102: {  	_ =	swait.ge [sflag:s29], $0x1F80  }
0x103: {  	[sflag:s29] =	ssyncset.done $0x0  }
0x104: {  	s19 =	rddreg [dreg:$0x7];
	[sflag:s29] =	ssyncadd.s32 $0xFFFFE080  }
0x105: {  	[tilespmem:s30], [sflag:$0x7] =	stream.linear.gather [hbm4b:s19+s14], $0x1F80, $0x38;
	[tilespmem:$0x1F800] =	vst v63  }
0x106: {  	_ =	swait.ge [sflag:s29], $0x1F80  }
0x107: {  	[sflag:s29] =	ssyncset.done $0x0  }
0x108: {  	[sflag:s29] =	ssyncadd.s32 $0xFFFFE080  }
0x109: {  	[tilespmem:s28], [sflag:$0x1] =	stream.indirect.gather [hbm4b:s17+s31], $0x80, s14, s31, $0xb8;
	[tilespmem:$0x1F800] =	vst v63  }
0x10a: {  	s16 =	simm.s32 $0x80  }
0x10b: {  	[tilespmem:s3], [sflag:$0x2] =	stream.indirect.gather [hbm4b:s17+s31], $0x80, s16, s31, $0xb8;
	[tilespmem:$0x1F800] =	vst v63  }
0x10c: {  	_ = 	snop  }
0x10d: {  	[tilespmem:s5], [sflag:$0x3] =	stream.indirect.gather [hbm4b:s17+s31], $0x80, s4, s31, $0xb8;
	[tilespmem:$0x1F800] =	vst v63  }
0x10e: {  	_ =	swait.ge [sflag:s6], $0x2800  }
0x10f: {  	[sflag:s6] =	ssyncset.done $0x0  }
0x110: {  	[sflag:s6] =	ssyncadd.s32 $0xFFFFD800  }
0x111: {  	[spmem:s1] =	stream.indirect.scatter.add.f32 [tilespmem:s28], [sflag:$0x4], $0x80, s30, s31, $0xb8;
	[tilespmem:$0x1F800] =	vst v63  }
0x112: {  	_ =	swait.ge [sflag:s7], $0x2800  }
0x113: {  	[sflag:s7] =	ssyncset.done $0x0  }
0x114: {  	s19 =	simm.s32 $0x180;
	[sflag:s7] =	ssyncadd.s32 $0xFFFFD800  }
0x115: {  	[tilespmem:s28], [sflag:$0x1] =	stream.indirect.gather [hbm4b:s17+s31], $0x80, s19, s31, $0xb8;
	[tilespmem:$0x1F800] =	vst v63  }
0x116: {  	_ =	swait.ge [sflag:s8], $0x2800  }
0x117: {  	[sflag:s8] =	ssyncset.done $0x0  }
0x118: {  	s16 =	simm.s32 $0x2080;
	[sflag:s8] =	ssyncadd.s32 $0xFFFFD800  }
0x119: {  	[spmem:s1] =	stream.indirect.scatter.add.f32 [tilespmem:s3], [sflag:$0x5], $0x80, s16, s31, $0xb8;
	[tilespmem:$0x1F800] =	vst v63  }
0x11a: {  	_ =	swait.ge [sflag:s9], $0x2800  }
0x11b: {  	[sflag:s9] =	ssyncset.done $0x0  }
0x11c: {  	s19 =	simm.s32 $0x200;
	[sflag:s9] =	ssyncadd.s32 $0xFFFFD800  }
0x11d: {  	[tilespmem:s3], [sflag:$0x2] =	stream.indirect.gather [hbm4b:s17+s31], $0x80, s19, s31, $0xb8;
	[tilespmem:$0x1F800] =	vst v63  }
0x11e: {  	_ =	swait.ge [sflag:s10], $0x2800  }
0x11f: {  	[sflag:s10] =	ssyncset.done $0x0  }
0x120: {  	s16 =	simm.s32 $0x2100;
	[sflag:s10] =	ssyncadd.s32 $0xFFFFD800  }
0x121: {  	[spmem:s1] =	stream.indirect.scatter.add.f32 [tilespmem:s5], [sflag:$0x6], $0x80, s16, s31, $0xb8;
	[tilespmem:$0x1F800] =	vst v63  }
0x122: {  	_ =	swait.ge [sflag:s11], $0x2800  }
0x123: {  	[sflag:s11] =	ssyncset.done $0x0  }
0x124: {  	s19 =	simm.s32 $0x280;
	[sflag:s11] =	ssyncadd.s32 $0xFFFFD800  }
0x125: {  	[tilespmem:s5], [sflag:$0x3] =	stream.indirect.gather [hbm4b:s17+s31], $0x80, s19, s31, $0xb8;
	[tilespmem:$0x1F800] =	vst v63  }
0x126: {  	_ =	swait.ge [sflag:s6], $0x2800  }
0x127: {  	[sflag:s6] =	ssyncset.done $0x0  }
0x128: {  	s16 =	simm.s32 $0x600;
	s19 =	simm.s32 $0x2180;
	[sflag:s6] =	ssyncadd.s32 $0xFFFFD800  }
.LBB2_12:
0x129: {  	[spmem:s1] =	stream.indirect.scatter.add.f32 [tilespmem:s28], [sflag:$0x4], $0x80, s19, s31, $0xb8;
	[tilespmem:$0x1F800] =	vst v63  }
0x12a: {  	s14 =	smov.u32 s16  }
0x12b: {  	p1 =	sne.s32 s16, $0x7200;
	s16 =	sadd.s32 $0x600, s16;
	_ =	swait.ge [sflag:s7], $0x2800  }
0x12c: {  	s14 =	sshra.s32 s14, $0x2;
	[sflag:s7] =	ssyncset.done $0x0  }
0x12d: {  	s19 =	sadd.s32 $0x180, s14;
	[sflag:s7] =	ssyncadd.s32 $0xFFFFD800  }
0x12e: {  	[tilespmem:s28], [sflag:$0x1] =	stream.indirect.gather [hbm4b:s17+s31], $0x80, s19, s31, $0xb8;
	[tilespmem:$0x1F800] =	vst v63  }
0x12f: {  	_ =	swait.ge [sflag:s8], $0x2800  }
0x130: {  	[sflag:s8] =	ssyncset.done $0x0  }
0x131: {  	s19 =	sadd.s32 $0x2080, s14;
	[sflag:s8] =	ssyncadd.s32 $0xFFFFD800  }
0x132: {  	[spmem:s1] =	stream.indirect.scatter.add.f32 [tilespmem:s3], [sflag:$0x5], $0x80, s19, s31, $0xb8;
	[tilespmem:$0x1F800] =	vst v63  }
0x133: {  	_ =	swait.ge [sflag:s9], $0x2800  }
0x134: {  	[sflag:s9] =	ssyncset.done $0x0  }
0x135: {  	s19 =	sadd.s32 $0x200, s14;
	[sflag:s9] =	ssyncadd.s32 $0xFFFFD800  }
0x136: {  	[tilespmem:s3], [sflag:$0x2] =	stream.indirect.gather [hbm4b:s17+s31], $0x80, s19, s31, $0xb8;
	[tilespmem:$0x1F800] =	vst v63  }
0x137: {  	_ =	swait.ge [sflag:s10], $0x2800  }
0x138: {  	[sflag:s10] =	ssyncset.done $0x0  }
0x139: {  	s19 =	sadd.s32 $0x2100, s14;
	[sflag:s10] =	ssyncadd.s32 $0xFFFFD800  }
0x13a: {  	[spmem:s1] =	stream.indirect.scatter.add.f32 [tilespmem:s5], [sflag:$0x6], $0x80, s19, s31, $0xb8;
	[tilespmem:$0x1F800] =	vst v63  }
0x13b: {  	_ =	swait.ge [sflag:s11], $0x2800  }
0x13c: {  	[sflag:s11] =	ssyncset.done $0x0  }
.Ltmp5:
0x13d: {  	s19 =	sadd.s32 $0x280, s14;
	[sflag:s11] =	ssyncadd.s32 $0xFFFFD800;
	(pc) =	sbr.rel @p1 .LBB2_12-.Ltmp5, $4  }
0x13e: {  	[tilespmem:s5], [sflag:$0x3] =	stream.indirect.gather [hbm4b:s17+s31], $0x80, s19, s31, $0xb8;
	[tilespmem:$0x1F800] =	vst v63  }
0x13f: {  	_ =	swait.ge [sflag:s6], $0x2800  }
0x140: {  	[sflag:s6] =	ssyncset.done $0x0  }
0x141: {  	s19 =	sadd.s32 $0x2180, s14;
	[sflag:s6] =	ssyncadd.s32 $0xFFFFD800  }
.Ltmp6:
0x142: {  	(pc) =	sbr.rel .LBB2_14-.Ltmp6, $2  }
0x143: {  	_ =	sdelay $0x2  }
0x144: {  	[spmem:s1] =	stream.indirect.scatter.add.f32 [tilespmem:s28], [sflag:$0x4], $0x80, s19, s31, $0xb8;
	[tilespmem:$0x1F800] =	vst v63  }
.LBB2_4:
0x145: {  	s16 =	simm.s32 $0x0  }
0x146: {  	[tilespmem:s28], [sflag:$0x1] =	stream.indirect.gather [hbm4b:s0+s31], $0x80, s16, s31, $0xb8;
	[tilespmem:$0x1F800] =	vst v63  }
0x147: {  	s14 =	simm.s32 $0x80  }
0x148: {  	[tilespmem:s3], [sflag:$0x2] =	stream.indirect.gather [hbm4b:s0+s31], $0x80, s14, s31, $0xb8;
	[tilespmem:$0x1F800] =	vst v63  }
0x149: {  	_ = 	snop  }
0x14a: {  	[tilespmem:s5], [sflag:$0x3] =	stream.indirect.gather [hbm4b:s0+s31], $0x80, s4, s31, $0xb8;
	[tilespmem:$0x1F800] =	vst v63  }
0x14b: {  	_ =	swait.ge [sflag:s6], $0x2800  }
0x14c: {  	[sflag:s6] =	ssyncset.done $0x0  }
0x14d: {  	[sflag:s6] =	ssyncadd.s32 $0xFFFFD800  }
0x14e: {  	[spmem:s1] =	stream.indirect.scatter.add.f32 [tilespmem:s28], [sflag:$0x4], $0x80, s30, s31, $0xb8;
	[tilespmem:$0x1F800] =	vst v63  }
0x14f: {  	_ =	swait.ge [sflag:s7], $0x2800  }
0x150: {  	[sflag:s7] =	ssyncset.done $0x0  }
0x151: {  	s19 =	simm.s32 $0x180;
	[sflag:s7] =	ssyncadd.s32 $0xFFFFD800  }
0x152: {  	[tilespmem:s28], [sflag:$0x1] =	stream.indirect.gather [hbm4b:s0+s31], $0x80, s19, s31, $0xb8;
	[tilespmem:$0x1F800] =	vst v63  }
0x153: {  	_ =	swait.ge [sflag:s8], $0x2800  }
0x154: {  	[sflag:s8] =	ssyncset.done $0x0  }
0x155: {  	s14 =	simm.s32 $0x2080;
	[sflag:s8] =	ssyncadd.s32 $0xFFFFD800  }
0x156: {  	[spmem:s1] =	stream.indirect.scatter.add.f32 [tilespmem:s3], [sflag:$0x5], $0x80, s14, s31, $0xb8;
	[tilespmem:$0x1F800] =	vst v63  }
0x157: {  	_ =	swait.ge [sflag:s9], $0x2800  }
0x158: {  	[sflag:s9] =	ssyncset.done $0x0  }
0x159: {  	s19 =	simm.s32 $0x200;
	[sflag:s9] =	ssyncadd.s32 $0xFFFFD800  }
0x15a: {  	[tilespmem:s3], [sflag:$0x2] =	stream.indirect.gather [hbm4b:s0+s31], $0x80, s19, s31, $0xb8;
	[tilespmem:$0x1F800] =	vst v63  }
0x15b: {  	_ =	swait.ge [sflag:s10], $0x2800  }
0x15c: {  	[sflag:s10] =	ssyncset.done $0x0  }
0x15d: {  	s14 =	simm.s32 $0x2100;
	[sflag:s10] =	ssyncadd.s32 $0xFFFFD800  }
0x15e: {  	[spmem:s1] =	stream.indirect.scatter.add.f32 [tilespmem:s5], [sflag:$0x6], $0x80, s14, s31, $0xb8;
	[tilespmem:$0x1F800] =	vst v63  }
0x15f: {  	_ =	swait.ge [sflag:s11], $0x2800  }
0x160: {  	[sflag:s11] =	ssyncset.done $0x0  }
0x161: {  	s19 =	simm.s32 $0x280;
	[sflag:s11] =	ssyncadd.s32 $0xFFFFD800  }
0x162: {  	[tilespmem:s5], [sflag:$0x3] =	stream.indirect.gather [hbm4b:s0+s31], $0x80, s19, s31, $0xb8;
	[tilespmem:$0x1F800] =	vst v63  }
0x163: {  	_ =	swait.ge [sflag:s6], $0x2800  }
0x164: {  	[sflag:s6] =	ssyncset.done $0x0  }
0x165: {  	s16 =	simm.s32 $0x600;
	s19 =	simm.s32 $0x2180;
	[sflag:s6] =	ssyncadd.s32 $0xFFFFD800  }
.LBB2_5:
0x166: {  	[spmem:s1] =	stream.indirect.scatter.add.f32 [tilespmem:s28], [sflag:$0x4], $0x80, s19, s31, $0xb8;
	[tilespmem:$0x1F800] =	vst v63  }
0x167: {  	s19 =	smov.u32 s16  }
0x168: {  	p1 =	sne.s32 s16, $0x7200;
	s16 =	sadd.s32 $0x600, s16;
	_ =	swait.ge [sflag:s7], $0x2800  }
0x169: {  	s19 =	sshra.s32 s19, $0x2;
	[sflag:s7] =	ssyncset.done $0x0  }
0x16a: {  	s14 =	sadd.s32 $0x180, s19;
	[sflag:s7] =	ssyncadd.s32 $0xFFFFD800  }
0x16b: {  	[tilespmem:s28], [sflag:$0x1] =	stream.indirect.gather [hbm4b:s0+s31], $0x80, s14, s31, $0xb8;
	[tilespmem:$0x1F800] =	vst v63  }
0x16c: {  	_ =	swait.ge [sflag:s8], $0x2800  }
0x16d: {  	[sflag:s8] =	ssyncset.done $0x0  }
0x16e: {  	s14 =	sadd.s32 $0x2080, s19;
	[sflag:s8] =	ssyncadd.s32 $0xFFFFD800  }
0x16f: {  	[spmem:s1] =	stream.indirect.scatter.add.f32 [tilespmem:s3], [sflag:$0x5], $0x80, s14, s31, $0xb8;
	[tilespmem:$0x1F800] =	vst v63  }
0x170: {  	_ =	swait.ge [sflag:s9], $0x2800  }
0x171: {  	[sflag:s9] =	ssyncset.done $0x0  }
0x172: {  	s14 =	sadd.s32 $0x200, s19;
	[sflag:s9] =	ssyncadd.s32 $0xFFFFD800  }
0x173: {  	[tilespmem:s3], [sflag:$0x2] =	stream.indirect.gather [hbm4b:s0+s31], $0x80, s14, s31, $0xb8;
	[tilespmem:$0x1F800] =	vst v63  }
0x174: {  	_ =	swait.ge [sflag:s10], $0x2800  }
0x175: {  	[sflag:s10] =	ssyncset.done $0x0  }
0x176: {  	s14 =	sadd.s32 $0x2100, s19;
	[sflag:s10] =	ssyncadd.s32 $0xFFFFD800  }
0x177: {  	[spmem:s1] =	stream.indirect.scatter.add.f32 [tilespmem:s5], [sflag:$0x6], $0x80, s14, s31, $0xb8;
	[tilespmem:$0x1F800] =	vst v63  }
0x178: {  	_ =	swait.ge [sflag:s11], $0x2800  }
0x179: {  	[sflag:s11] =	ssyncset.done $0x0  }
.Ltmp7:
0x17a: {  	s14 =	sadd.s32 $0x280, s19;
	[sflag:s11] =	ssyncadd.s32 $0xFFFFD800;
	(pc) =	sbr.rel @p1 .LBB2_5-.Ltmp7, $4  }
0x17b: {  	[tilespmem:s5], [sflag:$0x3] =	stream.indirect.gather [hbm4b:s0+s31], $0x80, s14, s31, $0xb8;
	[tilespmem:$0x1F800] =	vst v63  }
0x17c: {  	_ =	swait.ge [sflag:s6], $0x2800  }
0x17d: {  	[sflag:s6] =	ssyncset.done $0x0  }
0x17e: {  	s19 =	sadd.s32 $0x2180, s19;
	[sflag:s6] =	ssyncadd.s32 $0xFFFFD800  }
0x17f: {  	[spmem:s1] =	stream.indirect.scatter.add.f32 [tilespmem:s28], [sflag:$0x4], $0x80, s19, s31, $0xb8;
	[tilespmem:$0x1F800] =	vst v63  }
0x180: {  	_ =	swait.ge [sflag:s8], $0x2800  }
0x181: {  	[sflag:s8] =	ssyncset.done $0x0  }
0x182: {  	[sflag:s8] =	ssyncadd.s32 $0xFFFFD800  }
0x183: {  	[spmem:s1] =	stream.indirect.scatter.add.f32 [tilespmem:s3], [sflag:$0x5], $0x80, s12, s31, $0xb8;
	[tilespmem:$0x1F800] =	vst v63  }
0x184: {  	_ =	swait.ge [sflag:s10], $0x2800  }
0x185: {  	[sflag:s10] =	ssyncset.done $0x0  }
0x186: {  	[sflag:s10] =	ssyncadd.s32 $0xFFFFD800  }
0x187: {  	[spmem:s1] =	stream.indirect.scatter.add.f32 [tilespmem:s5], [sflag:$0x6], $0x80, s13, s31, $0xb8;
	[tilespmem:$0x1F800] =	vst v63  }
0x188: {  	_ =	swait.ge [sflag:s7], $0x2800  }
0x189: {  	[sflag:s7] =	ssyncset.done $0x0  }
0x18a: {  	[sflag:s7] =	ssyncadd.s32 $0xFFFFD800  }
0x18b: {  	_ =	swait.ge [sflag:s9], $0x2800  }
0x18c: {  	[sflag:s9] =	ssyncset.done $0x0  }
0x18d: {  	[sflag:s9] =	ssyncadd.s32 $0xFFFFD800  }
0x18e: {  	_ =	swait.ge [sflag:s11], $0x2800  }
0x18f: {  	[sflag:s11] =	ssyncset.done $0x0  }
0x190: {  	s14 =	simm.s32 $0x0;
	s16 =	rddreg [dreg:$0x6];
	[sflag:s11] =	ssyncadd.s32 $0xFFFFD800  }
0x191: {  	[tilespmem:s14], [sflag:$0x7] =	stream.linear.gather [hbm4b:s16+s14], $0x1F80, $0x38;
	[tilespmem:$0x1F800] =	vst v63  }
0x192: {  	_ =	swait.ge [sflag:s29], $0x1F80  }
0x193: {  	[sflag:s29] =	ssyncset.done $0x0  }
0x194: {  	s19 =	rddreg [dreg:$0x7];
	[sflag:s29] =	ssyncadd.s32 $0xFFFFE080  }
0x195: {  	[tilespmem:s30], [sflag:$0x7] =	stream.linear.gather [hbm4b:s19+s14], $0x1F80, $0x38;
	[tilespmem:$0x1F800] =	vst v63  }
0x196: {  	_ =	swait.ge [sflag:s29], $0x1F80  }
0x197: {  	[sflag:s29] =	ssyncset.done $0x0  }
0x198: {  	[sflag:s29] =	ssyncadd.s32 $0xFFFFE080  }
0x199: {  	[tilespmem:s28], [sflag:$0x1] =	stream.indirect.gather [hbm4b:s0+s31], $0x80, s14, s31, $0xb8;
	[tilespmem:$0x1F800] =	vst v63  }
0x19a: {  	s16 =	simm.s32 $0x80  }
0x19b: {  	[tilespmem:s3], [sflag:$0x2] =	stream.indirect.gather [hbm4b:s0+s31], $0x80, s16, s31, $0xb8;
	[tilespmem:$0x1F800] =	vst v63  }
0x19c: {  	_ = 	snop  }
0x19d: {  	[tilespmem:s5], [sflag:$0x3] =	stream.indirect.gather [hbm4b:s0+s31], $0x80, s4, s31, $0xb8;
	[tilespmem:$0x1F800] =	vst v63  }
0x19e: {  	_ =	swait.ge [sflag:s6], $0x2800  }
0x19f: {  	[sflag:s6] =	ssyncset.done $0x0  }
0x1a0: {  	[sflag:s6] =	ssyncadd.s32 $0xFFFFD800  }
0x1a1: {  	[spmem:s1] =	stream.indirect.scatter.add.f32 [tilespmem:s28], [sflag:$0x4], $0x80, s30, s31, $0xb8;
	[tilespmem:$0x1F800] =	vst v63  }
0x1a2: {  	_ =	swait.ge [sflag:s7], $0x2800  }
0x1a3: {  	[sflag:s7] =	ssyncset.done $0x0  }
0x1a4: {  	s19 =	simm.s32 $0x180;
	[sflag:s7] =	ssyncadd.s32 $0xFFFFD800  }
0x1a5: {  	[tilespmem:s28], [sflag:$0x1] =	stream.indirect.gather [hbm4b:s0+s31], $0x80, s19, s31, $0xb8;
	[tilespmem:$0x1F800] =	vst v63  }
0x1a6: {  	_ =	swait.ge [sflag:s8], $0x2800  }
0x1a7: {  	[sflag:s8] =	ssyncset.done $0x0  }
0x1a8: {  	s16 =	simm.s32 $0x2080;
	[sflag:s8] =	ssyncadd.s32 $0xFFFFD800  }
0x1a9: {  	[spmem:s1] =	stream.indirect.scatter.add.f32 [tilespmem:s3], [sflag:$0x5], $0x80, s16, s31, $0xb8;
	[tilespmem:$0x1F800] =	vst v63  }
0x1aa: {  	_ =	swait.ge [sflag:s9], $0x2800  }
0x1ab: {  	[sflag:s9] =	ssyncset.done $0x0  }
0x1ac: {  	s19 =	simm.s32 $0x200;
	[sflag:s9] =	ssyncadd.s32 $0xFFFFD800  }
0x1ad: {  	[tilespmem:s3], [sflag:$0x2] =	stream.indirect.gather [hbm4b:s0+s31], $0x80, s19, s31, $0xb8;
	[tilespmem:$0x1F800] =	vst v63  }
0x1ae: {  	_ =	swait.ge [sflag:s10], $0x2800  }
0x1af: {  	[sflag:s10] =	ssyncset.done $0x0  }
0x1b0: {  	s16 =	simm.s32 $0x2100;
	[sflag:s10] =	ssyncadd.s32 $0xFFFFD800  }
0x1b1: {  	[spmem:s1] =	stream.indirect.scatter.add.f32 [tilespmem:s5], [sflag:$0x6], $0x80, s16, s31, $0xb8;
	[tilespmem:$0x1F800] =	vst v63  }
0x1b2: {  	_ =	swait.ge [sflag:s11], $0x2800  }
0x1b3: {  	[sflag:s11] =	ssyncset.done $0x0  }
0x1b4: {  	s19 =	simm.s32 $0x280;
	[sflag:s11] =	ssyncadd.s32 $0xFFFFD800  }
0x1b5: {  	[tilespmem:s5], [sflag:$0x3] =	stream.indirect.gather [hbm4b:s0+s31], $0x80, s19, s31, $0xb8;
	[tilespmem:$0x1F800] =	vst v63  }
0x1b6: {  	_ =	swait.ge [sflag:s6], $0x2800  }
0x1b7: {  	[sflag:s6] =	ssyncset.done $0x0  }
0x1b8: {  	s16 =	simm.s32 $0x600;
	s19 =	simm.s32 $0x2180;
	[sflag:s6] =	ssyncadd.s32 $0xFFFFD800  }
.LBB2_7:
0x1b9: {  	[spmem:s1] =	stream.indirect.scatter.add.f32 [tilespmem:s28], [sflag:$0x4], $0x80, s19, s31, $0xb8;
	[tilespmem:$0x1F800] =	vst v63  }
0x1ba: {  	s14 =	smov.u32 s16  }
0x1bb: {  	p1 =	seq.s32 s16, $0x7200;
	s16 =	sadd.s32 $0x600, s16;
	_ =	swait.ge [sflag:s7], $0x2800  }
0x1bc: {  	s14 =	sshra.s32 s14, $0x2;
	[sflag:s7] =	ssyncset.done $0x0  }
0x1bd: {  	s19 =	sadd.s32 $0x180, s14;
	[sflag:s7] =	ssyncadd.s32 $0xFFFFD800  }
0x1be: {  	[tilespmem:s28], [sflag:$0x1] =	stream.indirect.gather [hbm4b:s0+s31], $0x80, s19, s31, $0xb8;
	[tilespmem:$0x1F800] =	vst v63  }
0x1bf: {  	_ =	swait.ge [sflag:s8], $0x2800  }
0x1c0: {  	[sflag:s8] =	ssyncset.done $0x0  }
0x1c1: {  	s19 =	sadd.s32 $0x2080, s14;
	[sflag:s8] =	ssyncadd.s32 $0xFFFFD800  }
0x1c2: {  	[spmem:s1] =	stream.indirect.scatter.add.f32 [tilespmem:s3], [sflag:$0x5], $0x80, s19, s31, $0xb8;
	[tilespmem:$0x1F800] =	vst v63  }
0x1c3: {  	_ =	swait.ge [sflag:s9], $0x2800  }
0x1c4: {  	[sflag:s9] =	ssyncset.done $0x0  }
0x1c5: {  	s19 =	sadd.s32 $0x200, s14;
	[sflag:s9] =	ssyncadd.s32 $0xFFFFD800  }
0x1c6: {  	[tilespmem:s3], [sflag:$0x2] =	stream.indirect.gather [hbm4b:s0+s31], $0x80, s19, s31, $0xb8;
	[tilespmem:$0x1F800] =	vst v63  }
0x1c7: {  	_ =	swait.ge [sflag:s10], $0x2800  }
0x1c8: {  	[sflag:s10] =	ssyncset.done $0x0  }
0x1c9: {  	s19 =	sadd.s32 $0x2100, s14;
	[sflag:s10] =	ssyncadd.s32 $0xFFFFD800  }
0x1ca: {  	[spmem:s1] =	stream.indirect.scatter.add.f32 [tilespmem:s5], [sflag:$0x6], $0x80, s19, s31, $0xb8;
	[tilespmem:$0x1F800] =	vst v63  }
0x1cb: {  	_ =	swait.ge [sflag:s11], $0x2800  }
0x1cc: {  	[sflag:s11] =	ssyncset.done $0x0  }
.Ltmp8:
0x1cd: {  	s19 =	sadd.s32 $0x280, s14;
	[sflag:s11] =	ssyncadd.s32 $0xFFFFD800;
	(pc) =	sbr.rel @!p1 .LBB2_7-.Ltmp8, $4  }
0x1ce: {  	[tilespmem:s5], [sflag:$0x3] =	stream.indirect.gather [hbm4b:s0+s31], $0x80, s19, s31, $0xb8;
	[tilespmem:$0x1F800] =	vst v63  }
0x1cf: {  	_ =	swait.ge [sflag:s6], $0x2800  }
0x1d0: {  	[sflag:s6] =	ssyncset.done $0x0  }
0x1d1: {  	s19 =	sadd.s32 $0x2180, s14;
	[sflag:s6] =	ssyncadd.s32 $0xFFFFD800  }
.Ltmp9:
0x1d2: {  	_ = 	snop;
	(pc) =	sbr.rel .LBB2_8-.Ltmp9, $1  }
0x1d3: {  	_ =	sdelay $0x3  }
.LBB2_15:
0x1d4: {  	_ =	sfence.sel $0x180000  }
0x1d5: {  	[bflag:$0x0] =	sbarrier.arrive $0xFFFF  }
0x1d6: {  	_ =	strace $0x9000004A  }
0x1d7: {  	s0 =	stileid.u32;
	[bflag:$0x2] =	sbarrier.arrive $0xFFFF  }
0x1d8: {  	p0 =	sne.s32 s0, $0x0;
	s0 =	rddreg [dreg:$0x3]  }
0x1d9: {  	s0 =	sadd.s32 @!p0 $0x100000, s0  }
0x1da: {  	[sflag:s0] =	ssyncadd.tile.s32 @!p0 $0x1;
	_ =	shalt  }
.Lfunc_end2:
_tile_overlayer_lowered:
.L_overlay_start_2:
0x1db: {  	(tag) =	ssettag $0x2  }
0x1dc: {  	s0 =	rddreg [dreg:$0x0];
	s2 =	stileid.u32  }
0x1dd: {  	s1 =	rddreg [dreg:$0x1];
	p0 =	sne.s32 s2, $0x0  }
0x1de: {  	s3 =	rddreg [dreg:$0x2];
	[bflag:$0x3] =	sbarrier.arrive $0xFFFF;
	s2 =	simm.s32 @!p0 $0x1C07  }
0x1df: {  	[timem:s3], [sflag:s2] =	dma.local @!p0 [hbm:s0], s1  }
0x1e0: {  	s0 =	simm.s32 @!p0 $0x7  }
0x1e1: {  	_ =	swait.ge @!p0 [sflag:s0], s1  }
0x1e2: {  	s1 =	ssub.s32 @!p0 $0x0, s1;
	[sflag:s0] =	ssyncset.done @!p0 $0x0  }
0x1e3: {  	[sflag:s0] =	ssyncadd.s32 @!p0 s1  }
0x1e4: {  	[bflag:$0x3] =	sbarrier.arrive $0xFFFF  }
0x1e5: {  	_ =	shalt  }

</sc_bundles>
